<compile_context>
chip_gen: v7x
topology: tpu7x:2x2x1
jax: 0.10.2.dev20260603
libtpu: 0.0.44.dev20260713+nightly
codegen_flags: <defaults>
</compile_context>

<pallas_src>
import functools

import jax
import jax.numpy as jnp
from jax import lax
from jax.experimental import pallas as pl
from jax.experimental.pallas import tpu as pltpu
from jax.experimental.pallas import tpu_sc as plsc

N = 10000
E = 320000
H = 128
TF = 32
DE = 16
NH = 2
DH = 64

BN = 1000
NBN = N // BN
BE = 1280
NW = 32
CH = 80
HALF_E = (161280, 158720)
HALF_OFF = (0, 161280)

DGW = 256
DEN = 2 * N
DENP = 20480

_HI = jax.lax.Precision.HIGHEST

_COS_COEF = (1.0, -0.5, 0.0416666679084301, -0.0013888891553506255,
             2.48015858232975e-05, -2.755675154730852e-07,
             2.086536277090545e-09, -1.135273125507652e-11,
             4.1244785364824565e-14)


def _cosp(x):
    t = x * 0.15915494309189535
    n = (t + 12582912.0) - 12582912.0
    y = x - n * 6.28125 - n * 0.0019353072 - n * 1.0253132e-11
    z = y * y
    p = jnp.float32(_COS_COEF[-1])
    for c in _COS_COEF[-2::-1]:
        p = p * z + c
    return p


def _node_body(x_r, mem_r, mbx_r, hmh_r, sca_r, wiht_r, whht_r, bih_r, bhh_r,
               nfmt_r, nfmb_r, tew_r, teb_r, ctew_r, cteb_r, mw1_r, mb1_r,
               mw2_r, mb2_r, wkv_r, wqp_r, ones_r, hin_o, gsv_o, dg_o):
    mem_ts = sca_r[:, 0:1]
    mail_ts = sca_r[:, 1:2]
    node_ts = sca_r[:, 2:3]
    hist_ts = sca_r[:, 3:4]
    rmask = sca_r[:, 4:5]
    tf = _cosp(jnp.dot(mail_ts - mem_ts, tew_r[...]) + teb_r[0:1, :])
    xin = jnp.concatenate([mbx_r[...], tf], axis=1)
    gi = jnp.dot(xin, wiht_r[...]) + bih_r[0:1, :]
    gh = jnp.dot(mem_r[...], whht_r[...]) + bhh_r[0:1, :]
    r = jax.nn.sigmoid(gi[:, 0:H] + gh[:, 0:H])
    z = jax.nn.sigmoid(gi[:, H:2 * H] + gh[:, H:2 * H])
    nn = jnp.tanh(gi[:, 2 * H:3 * H] + r * gh[:, 2 * H:3 * H])
    out_mem = (1.0 - z) * nn + z * mem_r[...]
    h = out_mem + jnp.dot(x_r[...], nfmt_r[...]) + nfmb_r[0:1, :]
    dtm = jnp.maximum(node_ts - hist_ts, 0.0)
    tec = _cosp(jnp.dot(dtm, ctew_r[...]) + cteb_r[0:1, :])
    hcat = jnp.concatenate([hmh_r[...], tec], axis=1)
    hc = jnp.dot(jax.nn.relu(jnp.dot(hcat, mw1_r[...]) + mb1_r[0:1, :]),
                 mw2_r[...]) + mb2_r[0:1, :]
    rm = jnp.dot(rmask, ones_r[...])
    hin = jnp.where(rm > 0.5, hc, h)
    hin_o[...] = hin
    gsv_o[...] = jnp.dot(hin, wkv_r[...])
    qp = jnp.dot(hin, wqp_r[...])
    dg_o[...] = jnp.concatenate(
        [qp, node_ts, jnp.zeros((qp.shape[0], DGW - 225), jnp.float32)], axis=1)


def _node_pass(x, memory, mailbox, h_mem_hist, sca, wiht, whht, bih, bhh,
               nfmt, nfmb, tew, teb, ctew, cteb, mw1, mb1, mw2, mb2, wkv, wqp,
               ones128):
    full = lambda arr: pl.BlockSpec(arr.shape, lambda i: (0, 0))
    blk = lambda w: pl.BlockSpec((BN, w), lambda i: (i, 0))
    return pl.pallas_call(
        _node_body,
        grid=(NBN,),
        in_specs=[blk(H), blk(H), blk(2 * H), blk(H), blk(8),
                  full(wiht), full(whht), full(bih), full(bhh),
                  full(nfmt), full(nfmb), full(tew), full(teb),
                  full(ctew), full(cteb), full(mw1), full(mb1),
                  full(mw2), full(mb2), full(wkv), full(wqp), full(ones128)],
        out_specs=[blk(H), blk(2 * H), blk(DGW)],
        out_shape=[jax.ShapeDtypeStruct((N, H), jnp.float32),
                   jax.ShapeDtypeStruct((N, 2 * H), jnp.float32),
                   jax.ShapeDtypeStruct((N, DGW), jnp.float32)],
    )(x, memory, mailbox, h_mem_hist, sca, wiht, whht, bih, bhh,
      nfmt, nfmb, tew, teb, ctew, cteb, mw1, mb1, mw2, mb2, wkv, wqp, ones128)


def _sc_gather(gsv, dg, src3, dst3, e2):
    mesh = plsc.VectorSubcoreMesh(core_axis_name="c", subcore_axis_name="s")
    epw = e2 // NW
    nchk = epw // CH

    @functools.partial(
        pl.kernel,
        out_type=(jax.ShapeDtypeStruct((e2, 2 * H), jnp.float32),
                  jax.ShapeDtypeStruct((e2, DGW), jnp.float32)),
        mesh=mesh,
        scratch_types=[pltpu.VMEM((nchk, CH), jnp.int32),
                       pltpu.VMEM((nchk, CH), jnp.int32),
                       pltpu.VMEM((CH, 2 * H), jnp.float32),
                       pltpu.VMEM((CH, DGW), jnp.float32),
                       pltpu.SemaphoreType.DMA,
                       pltpu.SemaphoreType.DMA],
    )
    def k(gsv_h, dg_h, src_h, dst_h, kvs_o, dge_o, src_v, dst_v, kv_b, dg_b,
          sem1, sem2):
        wid = lax.axis_index("c") * 16 + lax.axis_index("s")
        base = wid * epw
        pltpu.sync_copy(src_h.at[wid], src_v)
        pltpu.sync_copy(dst_h.at[wid], dst_v)

        def body(i, carry):
            off = base + i * CH
            c1 = pltpu.async_copy(gsv_h.at[src_v.at[i]], kv_b, sem1)
            c2 = pltpu.async_copy(dg_h.at[dst_v.at[i]], dg_b, sem2)
            c1.wait()
            c2.wait()
            w1 = pltpu.async_copy(kv_b, kvs_o.at[pl.ds(off, CH)], sem1)
            w2 = pltpu.async_copy(dg_b, dge_o.at[pl.ds(off, CH)], sem2)
            w1.wait()
            w2.wait()
            return carry

        lax.fori_loop(0, nchk, body, 0)

    return k(gsv, dg, src3, dst3)


def _edge_body(kvs_r, dge_r, ef_r, ets_r, mcomb_r, tew_r, teb_r, wvet_r,
               dup_r, msel_r, rn_o, ep_o):
    dge = dge_r[...]
    kv = kvs_r[...]
    dt = dge[:, 224:225] - ets_r[...]
    te = _cosp(jnp.dot(dt, tew_r[...]) + teb_r[0:1, :])
    et = jnp.concatenate([ef_r[...], te], axis=1)
    et2 = jnp.dot(et, dup_r[...])
    a = dge[:, 0:H] * kv[:, 0:H]
    b = dge[:, H:224] * et2
    s2 = jnp.dot(jnp.concatenate([a, b], axis=1), mcomb_r[...])
    ee = jnp.exp(jnp.minimum(s2, 60.0))
    ew = jnp.dot(ee, msel_r[...])
    v = kv[:, H:2 * H] + jnp.dot(et, wvet_r[...])
    rn_o[...] = ew * v
    ep_o[...] = jnp.concatenate(
        [ee[:, 0:1].reshape(BE // 8, 8), ee[:, 1:2].reshape(BE // 8, 8)],
        axis=1)


def _edge_pass(kvs, dge, ef, ets, mcomb, tew, teb, wvet, dup, msel, half):
    e2 = HALF_E[half]
    boff = HALF_OFF[half] // BE
    full = lambda arr: pl.BlockSpec(arr.shape, lambda i: (0, 0))
    blk = lambda w: pl.BlockSpec((BE, w), lambda i: (i, 0))
    hblk = lambda w: pl.BlockSpec((BE, w), lambda i: (i + boff, 0))
    return pl.pallas_call(
        _edge_body,
        grid=(e2 // BE,),
        in_specs=[blk(2 * H), blk(DGW), hblk(DE), hblk(1),
                  full(mcomb), full(tew), full(teb), full(wvet),
                  full(dup), full(msel)],
        out_specs=[blk(H), pl.BlockSpec((BE // 8, 16), lambda i: (i, 0))],
        out_shape=[jax.ShapeDtypeStruct((e2, H), jnp.float32),
                   jax.ShapeDtypeStruct((e2 // 8, 16), jnp.float32)],
    )(kvs, dge, ef, ets, mcomb, tew, teb, wvet, dup, msel)


def _sc_scatter(dst3, rnum, e0f, e1f, zn, zd, e2):
    mesh = plsc.VectorSubcoreMesh(core_axis_name="c", subcore_axis_name="s")
    epw = e2 // NW
    nchk = epw // CH

    @functools.partial(
        pl.kernel,
        out_type=(jax.ShapeDtypeStruct((2, N, H), jnp.float32),
                  jax.ShapeDtypeStruct((2 * DENP,), jnp.float32)),
        mesh=mesh,
        scratch_types=[pltpu.VMEM((nchk, CH), jnp.int32),
                       pltpu.VMEM((CH, H), jnp.float32),
                       pltpu.VMEM((CH,), jnp.float32),
                       pltpu.VMEM((CH,), jnp.float32),
                       pltpu.VMEM((CH,), jnp.int32),
                       pltpu.VMEM((CH,), jnp.int32),
                       pltpu.VMEM_SHARED((N, H), jnp.float32),
                       pltpu.VMEM_SHARED((DENP,), jnp.float32),
                       pltpu.SemaphoreType.DMA,
                       pltpu.SemaphoreType.DMA,
                       pltpu.SemaphoreType.DMA],
    )
    def k(dst_h, rn_h, e0_h, e1_h, zn_h, zd_h, s_o, den_o,
          dst_v, r_b, e0_b, e1_b, i0_b, i1_b, acc, dsh, lsem1, lsem2, lsem3):
        cid = lax.axis_index("c")
        sid = lax.axis_index("s")
        wid = cid * 16 + sid
        base = wid * epw

        @pl.when(sid == 0)
        def _zero():
            pltpu.sync_copy(zn_h, acc)
            pltpu.sync_copy(zd_h, dsh)

        plsc.subcore_barrier()
        pltpu.sync_copy(dst_h.at[wid], dst_v)

        def body(i, carry):
            off = base + i * CH
            c1 = pltpu.async_copy(rn_h.at[pl.ds(off, CH)], r_b, lsem1)
            c2 = pltpu.async_copy(e0_h.at[pl.ds(off, CH)], e0_b, lsem2)
            c3 = pltpu.async_copy(e1_h.at[pl.ds(off, CH)], e1_b, lsem3)
            for g in range(CH // 16):
                d16 = dst_v[i, pl.ds(g * 16, 16)]
                i0_b[pl.ds(g * 16, 16)] = d16 * 2
                i1_b[pl.ds(g * 16, 16)] = d16 * 2 + 1
            c1.wait()
            c2.wait()
            c3.wait()
            pltpu.sync_copy(r_b, acc.at[dst_v.at[i]], add=True)
            pltpu.sync_copy(e0_b, dsh.at[i0_b], add=True)
            pltpu.sync_copy(e1_b, dsh.at[i1_b], add=True)
            return carry

        lax.fori_loop(0, nchk, body, 0)
        plsc.subcore_barrier()

        @pl.when(sid == 0)
        def _out():
            pltpu.sync_copy(acc, s_o.at[cid])
            pltpu.sync_copy(dsh, den_o.at[pl.ds(cid * DENP, DENP)])

    return k(dst3, rnum, e0f, e1f, zn, zd)


def _final_body(sa_r, sb_r, d2_r, hin_r, hhn_r, scg_r, wo_r, bo_r, ctew_r,
                cteb_r, gw1_r, gb1_r, gw2_r, gb2_r, msel_r, ones_r, out_o):
    t = (sa_r[0, :, :] + sa_r[1, :, :]) + (sb_r[0, :, :] + sb_r[1, :, :])
    rcp = jnp.dot(1.0 / (d2_r[:, 0:2] + 1e-16), msel_r[...])
    attn = t * rcp
    hin = hin_r[...]
    g = jax.nn.relu(jnp.dot(jnp.concatenate([attn, hin], axis=1), wo_r[...])
                    + bo_r[0:1, :])
    node_ts = scg_r[:, 0:1]
    hist_ts_next = scg_r[:, 1:2]
    rmask = scg_r[:, 2:3]
    dtg = jnp.maximum(node_ts - hist_ts_next, 0.0)
    te2 = _cosp(jnp.dot(dtg, ctew_r[...]) + cteb_r[0:1, :])
    hcat = jnp.concatenate([hhn_r[...], te2], axis=1)
    hc2 = jnp.dot(jax.nn.relu(jnp.dot(hcat, gw1_r[...]) + gb1_r[0:1, :]),
                  gw2_r[...]) + gb2_r[0:1, :]
    rm = jnp.dot(rmask, ones_r[...])
    out_o[...] = jnp.where(rm > 0.5, hc2, g)


def _final_pass(sa, sb, d2, hin, hhn, scg, wo, bo, ctew, cteb, gw1, gb1, gw2,
                gb2, msel, ones128):
    full = lambda arr: pl.BlockSpec(arr.shape, lambda i: (0, 0))
    blk = lambda w: pl.BlockSpec((BN, w), lambda i: (i, 0))
    return pl.pallas_call(
        _final_body,
        grid=(NBN,),
        in_specs=[pl.BlockSpec((2, BN, H), lambda i: (0, i, 0)),
                  pl.BlockSpec((2, BN, H), lambda i: (0, i, 0)),
                  blk(8), blk(H), blk(H), blk(8),
                  full(wo), full(bo), full(ctew), full(cteb),
                  full(gw1), full(gb1), full(gw2), full(gb2),
                  full(msel), full(ones128)],
        out_specs=blk(H),
        out_shape=jax.ShapeDtypeStruct((N, H), jnp.float32),
    )(sa, sb, d2, hin, hhn, scg, wo, bo, ctew, cteb, gw1, gb1, gw2, gb2, msel,
      ones128)


def kernel(x, memory, mem_ts, mailbox, mail_ts, node_ts, edge_index, edge_feat,
           edge_ts, h_mem_hist, hist_ts, is_remote_mem, h_hist_next,
           hist_ts_next, is_remote_next, te_w, te_b, gru_w_ih, gru_w_hh,
           gru_b_ih, gru_b_hh, nfm_w, nfm_b, cte_w, cte_b, mc_w1, mc_b1,
           mc_w2, mc_b2, gc_w1, gc_b1, gc_w2, gc_b2, Wq, Wk, Wv, Wo, bo):
    f32 = jnp.float32
    wiht = gru_w_ih.T
    whht = gru_w_hh.T
    bih = gru_b_ih.reshape(1, -1)
    bhh = gru_b_hh.reshape(1, -1)
    nfmt = nfm_w.T
    nfmb = nfm_b.reshape(1, -1)
    tew = te_w.reshape(1, -1)
    teb = te_b.reshape(1, -1)
    ctew = cte_w.reshape(1, -1)
    cteb = cte_b.reshape(1, -1)
    mb1 = mc_b1.reshape(1, -1)
    mb2 = mc_b2.reshape(1, -1)
    gb1 = gc_b1.reshape(1, -1)
    gb2 = gc_b2.reshape(1, -1)
    bo2 = bo.reshape(1, -1)
    wk_h8 = Wk[:H] * 0.125
    wk_et = Wk[H:]
    wv_h = Wv[:H]
    wvet = Wv[H:]
    wkv = jnp.concatenate([wk_h8, wv_h], axis=1)
    za = jnp.zeros((DH, 48), f32)
    wp8 = jnp.concatenate(
        [jnp.concatenate([wk_et[:, 0:DH].T * 0.125, za], axis=1),
         jnp.concatenate([za, wk_et[:, DH:H].T * 0.125], axis=1)], axis=0)
    wqp = jnp.concatenate(
        [Wq, jnp.dot(Wq, wp8, precision=_HI)], axis=1)

    sca = jnp.stack([mem_ts, mail_ts, node_ts, hist_ts,
                     is_remote_mem.astype(f32)], axis=1)
    sca = jnp.concatenate([sca, jnp.zeros((N, 3), f32)], axis=1)
    scg = jnp.stack([node_ts, hist_ts_next,
                     is_remote_next.astype(f32)], axis=1)
    scg = jnp.concatenate([scg, jnp.zeros((N, 5), f32)], axis=1)
    src32 = edge_index[0].astype(jnp.int32)
    dst32 = edge_index[1].astype(jnp.int32)
    src3h = [src32[o:o + e].reshape(NW, e // NW // CH, CH)
             for o, e in zip(HALF_OFF, HALF_E)]
    dst3h = [dst32[o:o + e].reshape(NW, e // NW // CH, CH)
             for o, e in zip(HALF_OFF, HALF_E)]
    ets = edge_ts.reshape(E, 1)
    zn = jnp.zeros((N, H), f32)
    zd = jnp.zeros((DENP,), f32)
    mcomb = jnp.concatenate([
        jnp.repeat(jnp.eye(2, dtype=f32), DH, axis=0),
        jnp.repeat(jnp.eye(2, dtype=f32), 48, axis=0),
    ], axis=0)
    dup = jnp.concatenate([jnp.eye(48, dtype=f32)] * 2, axis=1)
    msel = jnp.repeat(jnp.eye(2, dtype=f32), DH, axis=1)
    ones128 = jnp.ones((1, H), f32)

    hin, gsv, dg = _node_pass(x, memory, mailbox, h_mem_hist, sca, wiht, whht,
                              bih, bhh, nfmt, nfmb, tew, teb, ctew, cteb,
                              mc_w1, mb1, mc_w2, mb2, wkv, wqp, ones128)
    sh, denh = [None, None], [None, None]
    rn, e0f, e1f = [None, None], [None, None], [None, None]
    kvs0, dge0 = _sc_gather(gsv, dg, src3h[0], dst3h[0], HALF_E[0])
    kvs1, dge1 = _sc_gather(gsv, dg, src3h[1], dst3h[1], HALF_E[1])
    for h, (kvs, dge) in enumerate([(kvs0, dge0), (kvs1, dge1)]):
        rn[h], ep = _edge_pass(kvs, dge, edge_feat, ets, mcomb, tew, teb,
                               wvet, dup, msel, h)
        e0f[h] = ep[:, 0:8].reshape(HALF_E[h])
        e1f[h] = ep[:, 8:16].reshape(HALF_E[h])
    for h in (0, 1):
        sh[h], denh[h] = _sc_scatter(dst3h[h], rn[h], e0f[h], e1f[h], zn, zd,
                                     HALF_E[h])
    den = denh[0] + denh[1]
    dsum = (den[:DENP] + den[DENP:])[:DEN].reshape(N, 2)
    d2 = jnp.concatenate([dsum, jnp.zeros((N, 6), f32)], axis=1)
    return _final_pass(sh[0], sh[1], d2, hin, h_hist_next, scg, Wo, bo2, ctew,
                       cteb, gc_w1, gb1, gc_w2, gb2, msel, ones128)

# --- scband reference (transcript-rebuilt; emitter-appended) ---
"""Pipeline reference for scband-tgn-63677185130810 (READ-ONLY COPY).

The authoritative reference and input builder live on the scoring server;
editing this copy changes nothing except your own understanding.
"""

import jax, jax.numpy as jnp
import numpy as np

N = 10000
E = 320000
H = 128
TF = 32
DE = 16
NH = 2
DH = 64


def _time_enc(dt, w, b):
    return jnp.cos(dt[:, None] * w[None, :] + b[None, :])


def _gru(xin, h, w_ih, w_hh, b_ih, b_hh):
    gi = xin @ w_ih.T + b_ih
    gh = h @ w_hh.T + b_hh
    i_r, i_z, i_n = jnp.split(gi, 3, axis=1)
    h_r, h_z, h_n = jnp.split(gh, 3, axis=1)
    r = jax.nn.sigmoid(i_r + h_r)
    z = jax.nn.sigmoid(i_z + h_z)
    n = jnp.tanh(i_n + r * h_n)
    return (1.0 - z) * n + z * h


def _comp(h_hist, dt, cte_w, cte_b, w1, b1, w2, b2):
    te = _time_enc(dt, cte_w, cte_b)
    hcat = jnp.concatenate([h_hist, te], axis=1)
    return jax.nn.relu(hcat @ w1 + b1) @ w2 + b2


def _attention(h, edge_index, edge_feat, edge_ts, node_ts, te_w, te_b, Wq, Wk, Wv, Wo, bo):
    src = edge_index[0]
    dst = edge_index[1]
    dt = node_ts[dst] - edge_ts
    te = _time_enc(dt, te_w, te_b)
    h_src = h[src]
    kin = jnp.concatenate([h_src, edge_feat, te], axis=1)
    k = (kin @ Wk).reshape(-1, NH, DH)
    v = (kin @ Wv).reshape(-1, NH, DH)
    q = (h @ Wq).reshape(-1, NH, DH)
    score = jnp.sum(q[dst] * k, axis=-1) / jnp.sqrt(float(DH))
    m = jax.ops.segment_max(score, dst, num_segments=N)
    m = jnp.where(jnp.isfinite(m), m, 0.0)
    e = jnp.exp(score - m[dst])
    denom = jax.ops.segment_sum(e, dst, num_segments=N)
    num = jax.ops.segment_sum(e[:, :, None] * v, dst, num_segments=N)
    attn = (num / (denom[:, :, None] + 1e-16)).reshape(-1, NH * DH)
    return jax.nn.relu(jnp.concatenate([attn, h], axis=1) @ Wo + bo)


def _forward(x, memory, mem_ts, mailbox, mail_ts, node_ts, edge_index, edge_feat, edge_ts, h_mem_hist, hist_ts, is_remote_mem, h_hist_next, hist_ts_next, is_remote_next, te_w, te_b, gru_w_ih, gru_w_hh, gru_b_ih, gru_b_hh, nfm_w, nfm_b, cte_w, cte_b, mc_w1, mc_b1, mc_w2, mc_b2, gc_w1, gc_b1, gc_w2, gc_b2, Wq, Wk, Wv, Wo, bo):
    # memory_upd: time-encode mail delta, concat with flattened mailbox, GRU update
    time_feat = _time_enc(mail_ts - mem_ts, te_w, te_b)
    mem_input = jnp.concatenate([mailbox, time_feat], axis=1)
    out_memory = _gru(mem_input, memory, gru_w_ih, gru_w_hh, gru_b_ih, gru_b_hh)
    # node feature map + residual with memory
    h_feat = x @ nfm_w.T + nfm_b
    h = out_memory + h_feat
    # memory compensation for remote/stale nodes
    dt_mem = jnp.clip(node_ts - hist_ts, 0.0, None)
    h_comp = _comp(h_mem_hist, dt_mem, cte_w, cte_b, mc_w1, mc_b1, mc_w2, mc_b2)
    h_input = jnp.where(is_remote_mem[:, None], h_comp, h)
    # temporal graph attention layer (single layer)
    h = _attention(h_input, edge_index, edge_feat, edge_ts, node_ts, te_w, te_b, Wq, Wk, Wv, Wo, bo)
    # gnn compensation for remote destination nodes
    dt_g = jnp.clip(node_ts - hist_ts_next, 0.0, None)
    h_comp2 = _comp(h_hist_next, dt_g, cte_w, cte_b, gc_w1, gc_b1, gc_w2, gc_b2)
    h = jnp.where(is_remote_next[:, None], h_comp2, h)
    return h


def setup_inputs(seed: int = 0) -> dict:
    key = jax.random.key(seed)
    ks = jax.random.split(key, 40)
    s = 0.05
    inp = {}
    inp["x"] = jax.random.normal(ks[0], (N, H), dtype=jnp.float32)
    inp["memory"] = jax.random.normal(ks[1], (N, H), dtype=jnp.float32)
    inp["mem_ts"] = jax.random.uniform(ks[2], (N,), dtype=jnp.float32)
    inp["mailbox"] = jax.random.normal(ks[3], (N, 2 * H), dtype=jnp.float32)
    inp["mail_ts"] = jax.random.uniform(ks[4], (N,), dtype=jnp.float32)
    inp["node_ts"] = jax.random.uniform(ks[5], (N,), dtype=jnp.float32)
    inp["edge_index"] = jax.random.randint(ks[6], (2, E), 0, N)
    inp["edge_feat"] = jax.random.normal(ks[7], (E, DE), dtype=jnp.float32)
    inp["edge_ts"] = jax.random.uniform(ks[8], (E,), dtype=jnp.float32)
    inp["h_mem_hist"] = jax.random.normal(ks[9], (N, H), dtype=jnp.float32)
    inp["hist_ts"] = jax.random.uniform(ks[10], (N,), dtype=jnp.float32)
    inp["is_remote_mem"] = jax.random.bernoulli(ks[11], 0.3, (N,))
    inp["h_hist_next"] = jax.random.normal(ks[12], (N, H), dtype=jnp.float32)
    inp["hist_ts_next"] = jax.random.uniform(ks[13], (N,), dtype=jnp.float32)
    inp["is_remote_next"] = jax.random.bernoulli(ks[14], 0.3, (N,))
    inp["te_w"] = jax.random.normal(ks[15], (TF,), dtype=jnp.float32) * s
    inp["te_b"] = jax.random.normal(ks[16], (TF,), dtype=jnp.float32) * s
    inp["gru_w_ih"] = jax.random.normal(ks[17], (3 * H, 2 * H + TF), dtype=jnp.float32) * s
    inp["gru_w_hh"] = jax.random.normal(ks[18], (3 * H, H), dtype=jnp.float32) * s
    inp["gru_b_ih"] = jax.random.normal(ks[19], (3 * H,), dtype=jnp.float32) * s
    inp["gru_b_hh"] = jax.random.normal(ks[20], (3 * H,), dtype=jnp.float32) * s
    inp["nfm_w"] = jax.random.normal(ks[21], (H, H), dtype=jnp.float32) * s
    inp["nfm_b"] = jax.random.normal(ks[22], (H,), dtype=jnp.float32) * s
    inp["cte_w"] = jax.random.normal(ks[23], (H,), dtype=jnp.float32) * s
    inp["cte_b"] = jax.random.normal(ks[24], (H,), dtype=jnp.float32) * s
    inp["mc_w1"] = jax.random.normal(ks[25], (2 * H, H), dtype=jnp.float32) * s
    inp["mc_b1"] = jax.random.normal(ks[26], (H,), dtype=jnp.float32) * s
    inp["mc_w2"] = jax.random.normal(ks[27], (H, H), dtype=jnp.float32) * s
    inp["mc_b2"] = jax.random.normal(ks[28], (H,), dtype=jnp.float32) * s
    inp["gc_w1"] = jax.random.normal(ks[29], (2 * H, H), dtype=jnp.float32) * s
    inp["gc_b1"] = jax.random.normal(ks[30], (H,), dtype=jnp.float32) * s
    inp["gc_w2"] = jax.random.normal(ks[31], (H, H), dtype=jnp.float32) * s
    inp["gc_b2"] = jax.random.normal(ks[32], (H,), dtype=jnp.float32) * s
    inp["Wq"] = jax.random.normal(ks[33], (H, H), dtype=jnp.float32) * s
    inp["Wk"] = jax.random.normal(ks[34], (H + DE + TF, H), dtype=jnp.float32) * s
    inp["Wv"] = jax.random.normal(ks[35], (H + DE + TF, H), dtype=jnp.float32) * s
    inp["Wo"] = jax.random.normal(ks[36], (2 * H, H), dtype=jnp.float32) * s
    inp["bo"] = jax.random.normal(ks[37], (H,), dtype=jnp.float32) * s
    return inp


def reference(x, memory, mem_ts, mailbox, mail_ts, node_ts, edge_index, edge_feat, edge_ts, h_mem_hist, hist_ts, is_remote_mem, h_hist_next, hist_ts_next, is_remote_next, te_w, te_b, gru_w_ih, gru_w_hh, gru_b_ih, gru_b_hh, nfm_w, nfm_b, cte_w, cte_b, mc_w1, mc_b1, mc_w2, mc_b2, gc_w1, gc_b1, gc_w2, gc_b2, Wq, Wk, Wv, Wo, bo):
    return _forward(x, memory, mem_ts, mailbox, mail_ts, node_ts, edge_index, edge_feat, edge_ts, h_mem_hist, hist_ts, is_remote_mem, h_hist_next, hist_ts_next, is_remote_next, te_w, te_b, gru_w_ih, gru_w_hh, gru_b_ih, gru_b_hh, nfm_w, nfm_b, cte_w, cte_b, mc_w1, mc_b1, mc_w2, mc_b2, gc_w1, gc_b1, gc_w2, gc_b2, Wq, Wk, Wv, Wo, bo)

if __name__ == "__main__":
    import jax
    _d = setup_inputs()
    print(jax.jit(kernel)(*tuple(_d.values())))

</pallas_src>

<mosaic_0001>
#map = affine_map<(d0, d1) -> (0, 0)>
#map1 = affine_map<(d0, d1) -> (0, 0, 0)>
module attributes {stable_mosaic.version = 14 : i64} {
  func.func @k(%arg0: i32, %arg1: i32, %arg2: memref<10000x256xf32, #tpu.memory_space<hbm>>, %arg3: memref<10000x256xf32, #tpu.memory_space<hbm>>, %arg4: memref<32x63x80xi32, #tpu.memory_space<hbm>>, %arg5: memref<32x63x80xi32, #tpu.memory_space<hbm>>, %arg6: memref<161280x256xf32, #tpu.memory_space<hbm>>, %arg7: memref<161280x256xf32, #tpu.memory_space<hbm>>, %arg8: memref<63x80xi32, #tpu.memory_space<vmem>>, %arg9: memref<63x80xi32, #tpu.memory_space<vmem>>, %arg10: memref<80x256xf32, #tpu.memory_space<vmem>>, %arg11: memref<80x256xf32, #tpu.memory_space<vmem>>, %arg12: memref<!tpu.dma_semaphore, #tpu.memory_space<semaphore_mem>>, %arg13: memref<!tpu.dma_semaphore, #tpu.memory_space<semaphore_mem>>) attributes {dimension_semantics = [#tpu.dimension_semantics<core_parallel>, #tpu.dimension_semantics<subcore_parallel>], iteration_bounds = array<i64: 2, 16>, scalar_prefetch = 0 : i64, scratch_operands = 6 : i64, tpu.core_type = #tpu.core_type<sc_vector_subcore>, window_params = [{transform_indices = #map}, {transform_indices = #map}, {transform_indices = #map1}, {transform_indices = #map1}, {transform_indices = #map}, {transform_indices = #map}]} {
    %mul3A = arith.constant 16 : i32
    %mul3A_0 = arith.muli %arg0, %mul3A : i32
    %add3A = arith.addi %mul3A_0, %arg1 : i32
    %mul3A_1 = arith.constant 5040 : i32
    %mul3A_2 = arith.muli %add3A, %mul3A_1 : i32
    "tpu.region"() ({
      %run_scoped3A = tpu.sem_alloc : memref<!tpu.dma_semaphore, #tpu.memory_space<semaphore_mem>>
      %dma_start3A = arith.constant 0 : i32
      %dma_start3A_8 = arith.constant 0 : i32
      %dma_start3A_9 = tpu.memref_slice %arg4[%add3A, %dma_start3A, %dma_start3A_8] : memref<32x63x80xi32, #tpu.memory_space<hbm>> -> memref<1x63x80xi32, #tpu.memory_space<hbm>>
      %dma_start3A_10 = tpu.memref_squeeze %dma_start3A_9 : memref<1x63x80xi32, #tpu.memory_space<hbm>> -> memref<63x80xi32, #tpu.memory_space<hbm>>
      %dma_start3A_11 = arith.constant 0 : i32
      %dma_start3A_12 = arith.constant 0 : i32
      %dma_start3A_13 = tpu.memref_slice %arg4[%add3A, %dma_start3A_11, %dma_start3A_12] : memref<32x63x80xi32, #tpu.memory_space<hbm>> -> memref<1x63x80xi32, #tpu.memory_space<hbm>>
      %dma_start3A_14 = tpu.memref_squeeze %dma_start3A_13 : memref<1x63x80xi32, #tpu.memory_space<hbm>> -> memref<63x80xi32, #tpu.memory_space<hbm>>
      tpu.enqueue_dma source(%dma_start3A_14 : memref<63x80xi32, #tpu.memory_space<hbm>>) target(%arg8 : memref<63x80xi32, #tpu.memory_space<vmem>>) target_semaphore(%run_scoped3A : memref<!tpu.dma_semaphore, #tpu.memory_space<semaphore_mem>>)
      %dma_wait3A = arith.constant 0 : i32
      %dma_wait3A_15 = arith.constant 0 : i32
      %dma_wait3A_16 = tpu.memref_slice %arg4[%add3A, %dma_wait3A, %dma_wait3A_15] : memref<32x63x80xi32, #tpu.memory_space<hbm>> -> memref<1x63x80xi32, #tpu.memory_space<hbm>>
      %dma_wait3A_17 = tpu.memref_squeeze %dma_wait3A_16 : memref<1x63x80xi32, #tpu.memory_space<hbm>> -> memref<63x80xi32, #tpu.memory_space<hbm>>
      %dma_wait3A_18 = arith.constant 0 : i32
      %dma_wait3A_19 = arith.constant 0 : i32
      %dma_wait3A_20 = tpu.memref_slice %arg4[%add3A, %dma_wait3A_18, %dma_wait3A_19] : memref<32x63x80xi32, #tpu.memory_space<hbm>> -> memref<1x63x80xi32, #tpu.memory_space<hbm>>
      %dma_wait3A_21 = tpu.memref_squeeze %dma_wait3A_20 : memref<1x63x80xi32, #tpu.memory_space<hbm>> -> memref<63x80xi32, #tpu.memory_space<hbm>>
      tpu.wait_dma2 semaphore(%run_scoped3A : memref<!tpu.dma_semaphore, #tpu.memory_space<semaphore_mem>>) src(%dma_wait3A_21 : memref<63x80xi32, #tpu.memory_space<hbm>>) dst(%arg8 : memref<63x80xi32, #tpu.memory_space<vmem>>)
      tpu.yield
    }) : () -> ()
    "tpu.region"() ({
      %run_scoped3A = tpu.sem_alloc : memref<!tpu.dma_semaphore, #tpu.memory_space<semaphore_mem>>
      %dma_start3A = arith.constant 0 : i32
      %dma_start3A_8 = arith.constant 0 : i32
      %dma_start3A_9 = tpu.memref_slice %arg5[%add3A, %dma_start3A, %dma_start3A_8] : memref<32x63x80xi32, #tpu.memory_space<hbm>> -> memref<1x63x80xi32, #tpu.memory_space<hbm>>
      %dma_start3A_10 = tpu.memref_squeeze %dma_start3A_9 : memref<1x63x80xi32, #tpu.memory_space<hbm>> -> memref<63x80xi32, #tpu.memory_space<hbm>>
      %dma_start3A_11 = arith.constant 0 : i32
      %dma_start3A_12 = arith.constant 0 : i32
      %dma_start3A_13 = tpu.memref_slice %arg5[%add3A, %dma_start3A_11, %dma_start3A_12] : memref<32x63x80xi32, #tpu.memory_space<hbm>> -> memref<1x63x80xi32, #tpu.memory_space<hbm>>
      %dma_start3A_14 = tpu.memref_squeeze %dma_start3A_13 : memref<1x63x80xi32, #tpu.memory_space<hbm>> -> memref<63x80xi32, #tpu.memory_space<hbm>>
      tpu.enqueue_dma source(%dma_start3A_14 : memref<63x80xi32, #tpu.memory_space<hbm>>) target(%arg9 : memref<63x80xi32, #tpu.memory_space<vmem>>) target_semaphore(%run_scoped3A : memref<!tpu.dma_semaphore, #tpu.memory_space<semaphore_mem>>)
      %dma_wait3A = arith.constant 0 : i32
      %dma_wait3A_15 = arith.constant 0 : i32
      %dma_wait3A_16 = tpu.memref_slice %arg5[%add3A, %dma_wait3A, %dma_wait3A_15] : memref<32x63x80xi32, #tpu.memory_space<hbm>> -> memref<1x63x80xi32, #tpu.memory_space<hbm>>
      %dma_wait3A_17 = tpu.memref_squeeze %dma_wait3A_16 : memref<1x63x80xi32, #tpu.memory_space<hbm>> -> memref<63x80xi32, #tpu.memory_space<hbm>>
      %dma_wait3A_18 = arith.constant 0 : i32
      %dma_wait3A_19 = arith.constant 0 : i32
      %dma_wait3A_20 = tpu.memref_slice %arg5[%add3A, %dma_wait3A_18, %dma_wait3A_19] : memref<32x63x80xi32, #tpu.memory_space<hbm>> -> memref<1x63x80xi32, #tpu.memory_space<hbm>>
      %dma_wait3A_21 = tpu.memref_squeeze %dma_wait3A_20 : memref<1x63x80xi32, #tpu.memory_space<hbm>> -> memref<63x80xi32, #tpu.memory_space<hbm>>
      tpu.wait_dma2 semaphore(%run_scoped3A : memref<!tpu.dma_semaphore, #tpu.memory_space<semaphore_mem>>) src(%dma_wait3A_21 : memref<63x80xi32, #tpu.memory_space<hbm>>) dst(%arg9 : memref<63x80xi32, #tpu.memory_space<vmem>>)
      tpu.yield
    }) : () -> ()
    %scan3A = arith.constant 0 : i32
    %scan3A_3 = arith.constant 0 : i32
    %scan3A_4 = arith.constant 63 : i32
    %scan3A_5 = arith.addi %scan3A_3, %scan3A_4 : i32
    %scan3A_6 = arith.constant 1 : i32
    scf.for %scan3A_8 = %scan3A_3 to %scan3A_5 step %scan3A_6  : i32 {
      %mul3A_9 = arith.constant 80 : i32
      %mul3A_10 = arith.muli %scan3A_8, %mul3A_9 : i32
      %add3A_11 = arith.addi %mul3A_2, %mul3A_10 : i32
      %dma_start3A = arith.constant 0 : i32
      %dma_start3A_12 = tpu.memref_slice %arg8[%scan3A_8, %dma_start3A] : memref<63x80xi32, #tpu.memory_space<vmem>> -> memref<1x80xi32, #tpu.memory_space<vmem>>
      %dma_start3A_13 = tpu.memref_squeeze %dma_start3A_12 : memref<1x80xi32, #tpu.memory_space<vmem>> -> memref<80xi32, #tpu.memory_space<vmem>>
      %dma_start3A_14 = arith.constant 0 : i32
      %dma_start3A_15 = arith.constant 0 : i32
      %dma_start3A_16 = tpu.memref_slice %arg2[%dma_start3A_14, %dma_start3A_15] : memref<10000x256xf32, #tpu.memory_space<hbm>> -> memref<10000x256xf32, #tpu.memory_space<hbm>>
      tpu.enqueue_indirect_dma source(%dma_start3A_16 : memref<10000x256xf32, #tpu.memory_space<hbm>>) target(%arg10 : memref<80x256xf32, #tpu.memory_space<vmem>>) offsets(%dma_start3A_13 : memref<80xi32, #tpu.memory_space<vmem>>) semaphore(%arg12 : memref<!tpu.dma_semaphore, #tpu.memory_space<semaphore_mem>>)
      %dma_start3A_17 = arith.constant 0 : i32
      %dma_start3A_18 = tpu.memref_slice %arg9[%scan3A_8, %dma_start3A_17] : memref<63x80xi32, #tpu.memory_space<vmem>> -> memref<1x80xi32, #tpu.memory_space<vmem>>
      %dma_start3A_19 = tpu.memref_squeeze %dma_start3A_18 : memref<1x80xi32, #tpu.memory_space<vmem>> -> memref<80xi32, #tpu.memory_space<vmem>>
      %dma_start3A_20 = arith.constant 0 : i32
      %dma_start3A_21 = arith.constant 0 : i32
      %dma_start3A_22 = tpu.memref_slice %arg3[%dma_start3A_20, %dma_start3A_21] : memref<10000x256xf32, #tpu.memory_space<hbm>> -> memref<10000x256xf32, #tpu.memory_space<hbm>>
      tpu.enqueue_indirect_dma source(%dma_start3A_22 : memref<10000x256xf32, #tpu.memory_space<hbm>>) target(%arg11 : memref<80x256xf32, #tpu.memory_space<vmem>>) offsets(%dma_start3A_19 : memref<80xi32, #tpu.memory_space<vmem>>) semaphore(%arg13 : memref<!tpu.dma_semaphore, #tpu.memory_space<semaphore_mem>>)
      %dma_wait3A = arith.constant 0 : i32
      %dma_wait3A_23 = tpu.memref_slice %arg8[%scan3A_8, %dma_wait3A] : memref<63x80xi32, #tpu.memory_space<vmem>> -> memref<1x80xi32, #tpu.memory_space<vmem>>
      %dma_wait3A_24 = tpu.memref_squeeze %dma_wait3A_23 : memref<1x80xi32, #tpu.memory_space<vmem>> -> memref<80xi32, #tpu.memory_space<vmem>>
      %dma_wait3A_25 = arith.constant 0 : i32
      %dma_wait3A_26 = arith.constant 0 : i32
      %dma_wait3A_27 = tpu.memref_slice %arg2[%dma_wait3A_25, %dma_wait3A_26] : memref<10000x256xf32, #tpu.memory_space<hbm>> -> memref<10000x256xf32, #tpu.memory_space<hbm>>
      tpu.wait_indirect_dma semaphore(%arg12 : memref<!tpu.dma_semaphore, #tpu.memory_space<semaphore_mem>>) src(%dma_wait3A_27 : memref<10000x256xf32, #tpu.memory_space<hbm>>) dst(%arg10 : memref<80x256xf32, #tpu.memory_space<vmem>>)
      %dma_wait3A_28 = arith.constant 0 : i32
      %dma_wait3A_29 = tpu.memref_slice %arg9[%scan3A_8, %dma_wait3A_28] : memref<63x80xi32, #tpu.memory_space<vmem>> -> memref<1x80xi32, #tpu.memory_space<vmem>>
      %dma_wait3A_30 = tpu.memref_squeeze %dma_wait3A_29 : memref<1x80xi32, #tpu.memory_space<vmem>> -> memref<80xi32, #tpu.memory_space<vmem>>
      %dma_wait3A_31 = arith.constant 0 : i32
      %dma_wait3A_32 = arith.constant 0 : i32
      %dma_wait3A_33 = tpu.memref_slice %arg3[%dma_wait3A_31, %dma_wait3A_32] : memref<10000x256xf32, #tpu.memory_space<hbm>> -> memref<10000x256xf32, #tpu.memory_space<hbm>>
      tpu.wait_indirect_dma semaphore(%arg13 : memref<!tpu.dma_semaphore, #tpu.memory_space<semaphore_mem>>) src(%dma_wait3A_33 : memref<10000x256xf32, #tpu.memory_space<hbm>>) dst(%arg11 : memref<80x256xf32, #tpu.memory_space<vmem>>)
      %dma_start3A_34 = arith.constant 0 : i32
      %dma_start3A_35 = tpu.memref_slice %arg6[%add3A_11, %dma_start3A_34] : memref<161280x256xf32, #tpu.memory_space<hbm>> -> memref<80x256xf32, #tpu.memory_space<hbm>>
      %dma_start3A_36 = arith.constant 0 : i32
      %dma_start3A_37 = tpu.memref_slice %arg6[%add3A_11, %dma_start3A_36] : memref<161280x256xf32, #tpu.memory_space<hbm>> -> memref<80x256xf32, #tpu.memory_space<hbm>>
      tpu.enqueue_dma source(%arg10 : memref<80x256xf32, #tpu.memory_space<vmem>>) target(%dma_start3A_37 : memref<80x256xf32, #tpu.memory_space<hbm>>) target_semaphore(%arg12 : memref<!tpu.dma_semaphore, #tpu.memory_space<semaphore_mem>>)
      %dma_start3A_38 = arith.constant 0 : i32
      %dma_start3A_39 = tpu.memref_slice %arg7[%add3A_11, %dma_start3A_38] : memref<161280x256xf32, #tpu.memory_space<hbm>> -> memref<80x256xf32, #tpu.memory_space<hbm>>
      %dma_start3A_40 = arith.constant 0 : i32
      %dma_start3A_41 = tpu.memref_slice %arg7[%add3A_11, %dma_start3A_40] : memref<161280x256xf32, #tpu.memory_space<hbm>> -> memref<80x256xf32, #tpu.memory_space<hbm>>
      tpu.enqueue_dma source(%arg11 : memref<80x256xf32, #tpu.memory_space<vmem>>) target(%dma_start3A_41 : memref<80x256xf32, #tpu.memory_space<hbm>>) target_semaphore(%arg13 : memref<!tpu.dma_semaphore, #tpu.memory_space<semaphore_mem>>)
      %dma_wait3A_42 = arith.constant 0 : i32
      %dma_wait3A_43 = tpu.memref_slice %arg6[%add3A_11, %dma_wait3A_42] : memref<161280x256xf32, #tpu.memory_space<hbm>> -> memref<80x256xf32, #tpu.memory_space<hbm>>
      %dma_wait3A_44 = arith.constant 0 : i32
      %dma_wait3A_45 = tpu.memref_slice %arg6[%add3A_11, %dma_wait3A_44] : memref<161280x256xf32, #tpu.memory_space<hbm>> -> memref<80x256xf32, #tpu.memory_space<hbm>>
      tpu.wait_dma2 semaphore(%arg12 : memref<!tpu.dma_semaphore, #tpu.memory_space<semaphore_mem>>) src(%arg10 : memref<80x256xf32, #tpu.memory_space<vmem>>) dst(%dma_wait3A_45 : memref<80x256xf32, #tpu.memory_space<hbm>>)
      %dma_wait3A_46 = arith.constant 0 : i32
      %dma_wait3A_47 = tpu.memref_slice %arg7[%add3A_11, %dma_wait3A_46] : memref<161280x256xf32, #tpu.memory_space<hbm>> -> memref<80x256xf32, #tpu.memory_space<hbm>>
      %dma_wait3A_48 = arith.constant 0 : i32
      %dma_wait3A_49 = tpu.memref_slice %arg7[%add3A_11, %dma_wait3A_48] : memref<161280x256xf32, #tpu.memory_space<hbm>> -> memref<80x256xf32, #tpu.memory_space<hbm>>
      tpu.wait_dma2 semaphore(%arg13 : memref<!tpu.dma_semaphore, #tpu.memory_space<semaphore_mem>>) src(%arg11 : memref<80x256xf32, #tpu.memory_space<vmem>>) dst(%dma_wait3A_49 : memref<80x256xf32, #tpu.memory_space<hbm>>)
    }
    %scan3A_7 = arith.constant 63 : i32
    return
  }
}

#map = affine_map<(d0, d1) -> (0, 0)>
#map1 = affine_map<(d0, d1) -> (0, 0, 0)>
module attributes {stable_mosaic.version = 14 : i64} {
  func.func @k(%arg0: i32, %arg1: i32, %arg2: memref<10000x256xf32, #tpu.memory_space<hbm>>, %arg3: memref<10000x256xf32, #tpu.memory_space<hbm>>, %arg4: memref<32x62x80xi32, #tpu.memory_space<hbm>>, %arg5: memref<32x62x80xi32, #tpu.memory_space<hbm>>, %arg6: memref<158720x256xf32, #tpu.memory_space<hbm>>, %arg7: memref<158720x256xf32, #tpu.memory_space<hbm>>, %arg8: memref<62x80xi32, #tpu.memory_space<vmem>>, %arg9: memref<62x80xi32, #tpu.memory_space<vmem>>, %arg10: memref<80x256xf32, #tpu.memory_space<vmem>>, %arg11: memref<80x256xf32, #tpu.memory_space<vmem>>, %arg12: memref<!tpu.dma_semaphore, #tpu.memory_space<semaphore_mem>>, %arg13: memref<!tpu.dma_semaphore, #tpu.memory_space<semaphore_mem>>) attributes {dimension_semantics = [#tpu.dimension_semantics<core_parallel>, #tpu.dimension_semantics<subcore_parallel>], iteration_bounds = array<i64: 2, 16>, scalar_prefetch = 0 : i64, scratch_operands = 6 : i64, tpu.core_type = #tpu.core_type<sc_vector_subcore>, window_params = [{transform_indices = #map}, {transform_indices = #map}, {transform_indices = #map1}, {transform_indices = #map1}, {transform_indices = #map}, {transform_indices = #map}]} {
    %mul3A = arith.constant 16 : i32
    %mul3A_0 = arith.muli %arg0, %mul3A : i32
    %add3A = arith.addi %mul3A_0, %arg1 : i32
    %mul3A_1 = arith.constant 4960 : i32
    %mul3A_2 = arith.muli %add3A, %mul3A_1 : i32
    "tpu.region"() ({
      %run_scoped3A = tpu.sem_alloc : memref<!tpu.dma_semaphore, #tpu.memory_space<semaphore_mem>>
      %dma_start3A = arith.constant 0 : i32
      %dma_start3A_8 = arith.constant 0 : i32
      %dma_start3A_9 = tpu.memref_slice %arg4[%add3A, %dma_start3A, %dma_start3A_8] : memref<32x62x80xi32, #tpu.memory_space<hbm>> -> memref<1x62x80xi32, #tpu.memory_space<hbm>>
      %dma_start3A_10 = tpu.memref_squeeze %dma_start3A_9 : memref<1x62x80xi32, #tpu.memory_space<hbm>> -> memref<62x80xi32, #tpu.memory_space<hbm>>
      %dma_start3A_11 = arith.constant 0 : i32
      %dma_start3A_12 = arith.constant 0 : i32
      %dma_start3A_13 = tpu.memref_slice %arg4[%add3A, %dma_start3A_11, %dma_start3A_12] : memref<32x62x80xi32, #tpu.memory_space<hbm>> -> memref<1x62x80xi32, #tpu.memory_space<hbm>>
      %dma_start3A_14 = tpu.memref_squeeze %dma_start3A_13 : memref<1x62x80xi32, #tpu.memory_space<hbm>> -> memref<62x80xi32, #tpu.memory_space<hbm>>
      tpu.enqueue_dma source(%dma_start3A_14 : memref<62x80xi32, #tpu.memory_space<hbm>>) target(%arg8 : memref<62x80xi32, #tpu.memory_space<vmem>>) target_semaphore(%run_scoped3A : memref<!tpu.dma_semaphore, #tpu.memory_space<semaphore_mem>>)
      %dma_wait3A = arith.constant 0 : i32
      %dma_wait3A_15 = arith.constant 0 : i32
      %dma_wait3A_16 = tpu.memref_slice %arg4[%add3A, %dma_wait3A, %dma_wait3A_15] : memref<32x62x80xi32, #tpu.memory_space<hbm>> -> memref<1x62x80xi32, #tpu.memory_space<hbm>>
      %dma_wait3A_17 = tpu.memref_squeeze %dma_wait3A_16 : memref<1x62x80xi32, #tpu.memory_space<hbm>> -> memref<62x80xi32, #tpu.memory_space<hbm>>
      %dma_wait3A_18 = arith.constant 0 : i32
      %dma_wait3A_19 = arith.constant 0 : i32
      %dma_wait3A_20 = tpu.memref_slice %arg4[%add3A, %dma_wait3A_18, %dma_wait3A_19] : memref<32x62x80xi32, #tpu.memory_space<hbm>> -> memref<1x62x80xi32, #tpu.memory_space<hbm>>
      %dma_wait3A_21 = tpu.memref_squeeze %dma_wait3A_20 : memref<1x62x80xi32, #tpu.memory_space<hbm>> -> memref<62x80xi32, #tpu.memory_space<hbm>>
      tpu.wait_dma2 semaphore(%run_scoped3A : memref<!tpu.dma_semaphore, #tpu.memory_space<semaphore_mem>>) src(%dma_wait3A_21 : memref<62x80xi32, #tpu.memory_space<hbm>>) dst(%arg8 : memref<62x80xi32, #tpu.memory_space<vmem>>)
      tpu.yield
    }) : () -> ()
    "tpu.region"() ({
      %run_scoped3A = tpu.sem_alloc : memref<!tpu.dma_semaphore, #tpu.memory_space<semaphore_mem>>
      %dma_start3A = arith.constant 0 : i32
      %dma_start3A_8 = arith.constant 0 : i32
      %dma_start3A_9 = tpu.memref_slice %arg5[%add3A, %dma_start3A, %dma_start3A_8] : memref<32x62x80xi32, #tpu.memory_space<hbm>> -> memref<1x62x80xi32, #tpu.memory_space<hbm>>
      %dma_start3A_10 = tpu.memref_squeeze %dma_start3A_9 : memref<1x62x80xi32, #tpu.memory_space<hbm>> -> memref<62x80xi32, #tpu.memory_space<hbm>>
      %dma_start3A_11 = arith.constant 0 : i32
      %dma_start3A_12 = arith.constant 0 : i32
      %dma_start3A_13 = tpu.memref_slice %arg5[%add3A, %dma_start3A_11, %dma_start3A_12] : memref<32x62x80xi32, #tpu.memory_space<hbm>> -> memref<1x62x80xi32, #tpu.memory_space<hbm>>
      %dma_start3A_14 = tpu.memref_squeeze %dma_start3A_13 : memref<1x62x80xi32, #tpu.memory_space<hbm>> -> memref<62x80xi32, #tpu.memory_space<hbm>>
      tpu.enqueue_dma source(%dma_start3A_14 : memref<62x80xi32, #tpu.memory_space<hbm>>) target(%arg9 : memref<62x80xi32, #tpu.memory_space<vmem>>) target_semaphore(%run_scoped3A : memref<!tpu.dma_semaphore, #tpu.memory_space<semaphore_mem>>)
      %dma_wait3A = arith.constant 0 : i32
      %dma_wait3A_15 = arith.constant 0 : i32
      %dma_wait3A_16 = tpu.memref_slice %arg5[%add3A, %dma_wait3A, %dma_wait3A_15] : memref<32x62x80xi32, #tpu.memory_space<hbm>> -> memref<1x62x80xi32, #tpu.memory_space<hbm>>
      %dma_wait3A_17 = tpu.memref_squeeze %dma_wait3A_16 : memref<1x62x80xi32, #tpu.memory_space<hbm>> -> memref<62x80xi32, #tpu.memory_space<hbm>>
      %dma_wait3A_18 = arith.constant 0 : i32
      %dma_wait3A_19 = arith.constant 0 : i32
      %dma_wait3A_20 = tpu.memref_slice %arg5[%add3A, %dma_wait3A_18, %dma_wait3A_19] : memref<32x62x80xi32, #tpu.memory_space<hbm>> -> memref<1x62x80xi32, #tpu.memory_space<hbm>>
      %dma_wait3A_21 = tpu.memref_squeeze %dma_wait3A_20 : memref<1x62x80xi32, #tpu.memory_space<hbm>> -> memref<62x80xi32, #tpu.memory_space<hbm>>
      tpu.wait_dma2 semaphore(%run_scoped3A : memref<!tpu.dma_semaphore, #tpu.memory_space<semaphore_mem>>) src(%dma_wait3A_21 : memref<62x80xi32, #tpu.memory_space<hbm>>) dst(%arg9 : memref<62x80xi32, #tpu.memory_space<vmem>>)
      tpu.yield
    }) : () -> ()
    %scan3A = arith.constant 0 : i32
    %scan3A_3 = arith.constant 0 : i32
    %scan3A_4 = arith.constant 62 : i32
    %scan3A_5 = arith.addi %scan3A_3, %scan3A_4 : i32
    %scan3A_6 = arith.constant 1 : i32
    scf.for %scan3A_8 = %scan3A_3 to %scan3A_5 step %scan3A_6  : i32 {
      %mul3A_9 = arith.constant 80 : i32
      %mul3A_10 = arith.muli %scan3A_8, %mul3A_9 : i32
      %add3A_11 = arith.addi %mul3A_2, %mul3A_10 : i32
      %dma_start3A = arith.constant 0 : i32
      %dma_start3A_12 = tpu.memref_slice %arg8[%scan3A_8, %dma_start3A] : memref<62x80xi32, #tpu.memory_space<vmem>> -> memref<1x80xi32, #tpu.memory_space<vmem>>
      %dma_start3A_13 = tpu.memref_squeeze %dma_start3A_12 : memref<1x80xi32, #tpu.memory_space<vmem>> -> memref<80xi32, #tpu.memory_space<vmem>>
      %dma_start3A_14 = arith.constant 0 : i32
      %dma_start3A_15 = arith.constant 0 : i32
      %dma_start3A_16 = tpu.memref_slice %arg2[%dma_start3A_14, %dma_start3A_15] : memref<10000x256xf32, #tpu.memory_space<hbm>> -> memref<10000x256xf32, #tpu.memory_space<hbm>>
      tpu.enqueue_indirect_dma source(%dma_start3A_16 : memref<10000x256xf32, #tpu.memory_space<hbm>>) target(%arg10 : memref<80x256xf32, #tpu.memory_space<vmem>>) offsets(%dma_start3A_13 : memref<80xi32, #tpu.memory_space<vmem>>) semaphore(%arg12 : memref<!tpu.dma_semaphore, #tpu.memory_space<semaphore_mem>>)
      %dma_start3A_17 = arith.constant 0 : i32
      %dma_start3A_18 = tpu.memref_slice %arg9[%scan3A_8, %dma_start3A_17] : memref<62x80xi32, #tpu.memory_space<vmem>> -> memref<1x80xi32, #tpu.memory_space<vmem>>
      %dma_start3A_19 = tpu.memref_squeeze %dma_start3A_18 : memref<1x80xi32, #tpu.memory_space<vmem>> -> memref<80xi32, #tpu.memory_space<vmem>>
      %dma_start3A_20 = arith.constant 0 : i32
      %dma_start3A_21 = arith.constant 0 : i32
      %dma_start3A_22 = tpu.memref_slice %arg3[%dma_start3A_20, %dma_start3A_21] : memref<10000x256xf32, #tpu.memory_space<hbm>> -> memref<10000x256xf32, #tpu.memory_space<hbm>>
      tpu.enqueue_indirect_dma source(%dma_start3A_22 : memref<10000x256xf32, #tpu.memory_space<hbm>>) target(%arg11 : memref<80x256xf32, #tpu.memory_space<vmem>>) offsets(%dma_start3A_19 : memref<80xi32, #tpu.memory_space<vmem>>) semaphore(%arg13 : memref<!tpu.dma_semaphore, #tpu.memory_space<semaphore_mem>>)
      %dma_wait3A = arith.constant 0 : i32
      %dma_wait3A_23 = tpu.memref_slice %arg8[%scan3A_8, %dma_wait3A] : memref<62x80xi32, #tpu.memory_space<vmem>> -> memref<1x80xi32, #tpu.memory_space<vmem>>
      %dma_wait3A_24 = tpu.memref_squeeze %dma_wait3A_23 : memref<1x80xi32, #tpu.memory_space<vmem>> -> memref<80xi32, #tpu.memory_space<vmem>>
      %dma_wait3A_25 = arith.constant 0 : i32
      %dma_wait3A_26 = arith.constant 0 : i32
      %dma_wait3A_27 = tpu.memref_slice %arg2[%dma_wait3A_25, %dma_wait3A_26] : memref<10000x256xf32, #tpu.memory_space<hbm>> -> memref<10000x256xf32, #tpu.memory_space<hbm>>
      tpu.wait_indirect_dma semaphore(%arg12 : memref<!tpu.dma_semaphore, #tpu.memory_space<semaphore_mem>>) src(%dma_wait3A_27 : memref<10000x256xf32, #tpu.memory_space<hbm>>) dst(%arg10 : memref<80x256xf32, #tpu.memory_space<vmem>>)
      %dma_wait3A_28 = arith.constant 0 : i32
      %dma_wait3A_29 = tpu.memref_slice %arg9[%scan3A_8, %dma_wait3A_28] : memref<62x80xi32, #tpu.memory_space<vmem>> -> memref<1x80xi32, #tpu.memory_space<vmem>>
      %dma_wait3A_30 = tpu.memref_squeeze %dma_wait3A_29 : memref<1x80xi32, #tpu.memory_space<vmem>> -> memref<80xi32, #tpu.memory_space<vmem>>
      %dma_wait3A_31 = arith.constant 0 : i32
      %dma_wait3A_32 = arith.constant 0 : i32
      %dma_wait3A_33 = tpu.memref_slice %arg3[%dma_wait3A_31, %dma_wait3A_32] : memref<10000x256xf32, #tpu.memory_space<hbm>> -> memref<10000x256xf32, #tpu.memory_space<hbm>>
      tpu.wait_indirect_dma semaphore(%arg13 : memref<!tpu.dma_semaphore, #tpu.memory_space<semaphore_mem>>) src(%dma_wait3A_33 : memref<10000x256xf32, #tpu.memory_space<hbm>>) dst(%arg11 : memref<80x256xf32, #tpu.memory_space<vmem>>)
      %dma_start3A_34 = arith.constant 0 : i32
      %dma_start3A_35 = tpu.memref_slice %arg6[%add3A_11, %dma_start3A_34] : memref<158720x256xf32, #tpu.memory_space<hbm>> -> memref<80x256xf32, #tpu.memory_space<hbm>>
      %dma_start3A_36 = arith.constant 0 : i32
      %dma_start3A_37 = tpu.memref_slice %arg6[%add3A_11, %dma_start3A_36] : memref<158720x256xf32, #tpu.memory_space<hbm>> -> memref<80x256xf32, #tpu.memory_space<hbm>>
      tpu.enqueue_dma source(%arg10 : memref<80x256xf32, #tpu.memory_space<vmem>>) target(%dma_start3A_37 : memref<80x256xf32, #tpu.memory_space<hbm>>) target_semaphore(%arg12 : memref<!tpu.dma_semaphore, #tpu.memory_space<semaphore_mem>>)
      %dma_start3A_38 = arith.constant 0 : i32
      %dma_start3A_39 = tpu.memref_slice %arg7[%add3A_11, %dma_start3A_38] : memref<158720x256xf32, #tpu.memory_space<hbm>> -> memref<80x256xf32, #tpu.memory_space<hbm>>
      %dma_start3A_40 = arith.constant 0 : i32
      %dma_start3A_41 = tpu.memref_slice %arg7[%add3A_11, %dma_start3A_40] : memref<158720x256xf32, #tpu.memory_space<hbm>> -> memref<80x256xf32, #tpu.memory_space<hbm>>
      tpu.enqueue_dma source(%arg11 : memref<80x256xf32, #tpu.memory_space<vmem>>) target(%dma_start3A_41 : memref<80x256xf32, #tpu.memory_space<hbm>>) target_semaphore(%arg13 : memref<!tpu.dma_semaphore, #tpu.memory_space<semaphore_mem>>)
      %dma_wait3A_42 = arith.constant 0 : i32
      %dma_wait3A_43 = tpu.memref_slice %arg6[%add3A_11, %dma_wait3A_42] : memref<158720x256xf32, #tpu.memory_space<hbm>> -> memref<80x256xf32, #tpu.memory_space<hbm>>
      %dma_wait3A_44 = arith.constant 0 : i32
      %dma_wait3A_45 = tpu.memref_slice %arg6[%add3A_11, %dma_wait3A_44] : memref<158720x256xf32, #tpu.memory_space<hbm>> -> memref<80x256xf32, #tpu.memory_space<hbm>>
      tpu.wait_dma2 semaphore(%arg12 : memref<!tpu.dma_semaphore, #tpu.memory_space<semaphore_mem>>) src(%arg10 : memref<80x256xf32, #tpu.memory_space<vmem>>) dst(%dma_wait3A_45 : memref<80x256xf32, #tpu.memory_space<hbm>>)
      %dma_wait3A_46 = arith.constant 0 : i32
      %dma_wait3A_47 = tpu.memref_slice %arg7[%add3A_11, %dma_wait3A_46] : memref<158720x256xf32, #tpu.memory_space<hbm>> -> memref<80x256xf32, #tpu.memory_space<hbm>>
      %dma_wait3A_48 = arith.constant 0 : i32
      %dma_wait3A_49 = tpu.memref_slice %arg7[%add3A_11, %dma_wait3A_48] : memref<158720x256xf32, #tpu.memory_space<hbm>> -> memref<80x256xf32, #tpu.memory_space<hbm>>
      tpu.wait_dma2 semaphore(%arg13 : memref<!tpu.dma_semaphore, #tpu.memory_space<semaphore_mem>>) src(%arg11 : memref<80x256xf32, #tpu.memory_space<vmem>>) dst(%dma_wait3A_49 : memref<80x256xf32, #tpu.memory_space<hbm>>)
    }
    %scan3A_7 = arith.constant 62 : i32
    return
  }
}

#map = affine_map<(d0, d1) -> (0, 0, 0)>
#map1 = affine_map<(d0, d1) -> (0, 0)>
#map2 = affine_map<(d0, d1) -> (0)>
module attributes {stable_mosaic.version = 14 : i64} {
  func.func @k(%arg0: i32, %arg1: i32, %arg2: memref<32x63x80xi32, #tpu.memory_space<hbm>>, %arg3: memref<161280x128xf32, #tpu.memory_space<hbm>>, %arg4: memref<161280xf32, #tpu.memory_space<hbm>>, %arg5: memref<161280xf32, #tpu.memory_space<hbm>>, %arg6: memref<10000x128xf32, #tpu.memory_space<hbm>>, %arg7: memref<20480xf32, #tpu.memory_space<hbm>>, %arg8: memref<2x10000x128xf32, #tpu.memory_space<hbm>>, %arg9: memref<40960xf32, #tpu.memory_space<hbm>>, %arg10: memref<63x80xi32, #tpu.memory_space<vmem>>, %arg11: memref<80x128xf32, #tpu.memory_space<vmem>>, %arg12: memref<80xf32, #tpu.memory_space<vmem>>, %arg13: memref<80xf32, #tpu.memory_space<vmem>>, %arg14: memref<80xi32, #tpu.memory_space<vmem>>, %arg15: memref<80xi32, #tpu.memory_space<vmem>>, %arg16: memref<10000x128xf32, #tpu.memory_space<vmem_shared>>, %arg17: memref<20480xf32, #tpu.memory_space<vmem_shared>>, %arg18: memref<!tpu.dma_semaphore, #tpu.memory_space<semaphore_mem>>, %arg19: memref<!tpu.dma_semaphore, #tpu.memory_space<semaphore_mem>>, %arg20: memref<!tpu.dma_semaphore, #tpu.memory_space<semaphore_mem>>) attributes {dimension_semantics = [#tpu.dimension_semantics<core_parallel>, #tpu.dimension_semantics<subcore_parallel>], iteration_bounds = array<i64: 2, 16>, scalar_prefetch = 0 : i64, scratch_operands = 11 : i64, tpu.core_type = #tpu.core_type<sc_vector_subcore>, window_params = [{transform_indices = #map}, {transform_indices = #map1}, {transform_indices = #map2}, {transform_indices = #map2}, {transform_indices = #map1}, {transform_indices = #map2}, {transform_indices = #map}, {transform_indices = #map2}]} {
    %mul3A = arith.constant 16 : i32
    %mul3A_0 = arith.muli %arg0, %mul3A : i32
    %add3A = arith.addi %mul3A_0, %arg1 : i32
    %mul3A_1 = arith.constant 5040 : i32
    %mul3A_2 = arith.muli %add3A, %mul3A_1 : i32
    %eq3A = arith.constant 0 : i32
    %eq3A_3 = arith.cmpi eq, %arg1, %eq3A : i32
    %convert_element_type3A = arith.extui %eq3A_3 : i1 to i32
    %cond3A = arith.constant 0 : i32
    %cond3A_4 = arith.cmpi ne, %convert_element_type3A, %cond3A : i32
    scf.if %cond3A_4 {
      "tpu.region"() ({
        %run_scoped3A = tpu.sem_alloc : memref<!tpu.dma_semaphore, #tpu.memory_space<semaphore_mem>>
        tpu.enqueue_dma source(%arg6 : memref<10000x128xf32, #tpu.memory_space<hbm>>) target(%arg16 : memref<10000x128xf32, #tpu.memory_space<vmem_shared>>) target_semaphore(%run_scoped3A : memref<!tpu.dma_semaphore, #tpu.memory_space<semaphore_mem>>)
        tpu.wait_dma2 semaphore(%run_scoped3A : memref<!tpu.dma_semaphore, #tpu.memory_space<semaphore_mem>>) src(%arg6 : memref<10000x128xf32, #tpu.memory_space<hbm>>) dst(%arg16 : memref<10000x128xf32, #tpu.memory_space<vmem_shared>>)
        tpu.yield
      }) : () -> ()
      "tpu.region"() ({
        %run_scoped3A = tpu.sem_alloc : memref<!tpu.dma_semaphore, #tpu.memory_space<semaphore_mem>>
        tpu.enqueue_dma source(%arg7 : memref<20480xf32, #tpu.memory_space<hbm>>) target(%arg17 : memref<20480xf32, #tpu.memory_space<vmem_shared>>) target_semaphore(%run_scoped3A : memref<!tpu.dma_semaphore, #tpu.memory_space<semaphore_mem>>)
        tpu.wait_dma2 semaphore(%run_scoped3A : memref<!tpu.dma_semaphore, #tpu.memory_space<semaphore_mem>>) src(%arg7 : memref<20480xf32, #tpu.memory_space<hbm>>) dst(%arg17 : memref<20480xf32, #tpu.memory_space<vmem_shared>>)
        tpu.yield
      }) : () -> ()
    } else {
    }
    %barrier3A = arith.constant 0 : index
    tpu.barrier barrier_id(%barrier3A)
    "tpu.region"() ({
      %run_scoped3A = tpu.sem_alloc : memref<!tpu.dma_semaphore, #tpu.memory_space<semaphore_mem>>
      %dma_start3A = arith.constant 0 : i32
      %dma_start3A_16 = arith.constant 0 : i32
      %dma_start3A_17 = tpu.memref_slice %arg2[%add3A, %dma_start3A, %dma_start3A_16] : memref<32x63x80xi32, #tpu.memory_space<hbm>> -> memref<1x63x80xi32, #tpu.memory_space<hbm>>
      %dma_start3A_18 = tpu.memref_squeeze %dma_start3A_17 : memref<1x63x80xi32, #tpu.memory_space<hbm>> -> memref<63x80xi32, #tpu.memory_space<hbm>>
      %dma_start3A_19 = arith.constant 0 : i32
      %dma_start3A_20 = arith.constant 0 : i32
      %dma_start3A_21 = tpu.memref_slice %arg2[%add3A, %dma_start3A_19, %dma_start3A_20] : memref<32x63x80xi32, #tpu.memory_space<hbm>> -> memref<1x63x80xi32, #tpu.memory_space<hbm>>
      %dma_start3A_22 = tpu.memref_squeeze %dma_start3A_21 : memref<1x63x80xi32, #tpu.memory_space<hbm>> -> memref<63x80xi32, #tpu.memory_space<hbm>>
      tpu.enqueue_dma source(%dma_start3A_22 : memref<63x80xi32, #tpu.memory_space<hbm>>) target(%arg10 : memref<63x80xi32, #tpu.memory_space<vmem>>) target_semaphore(%run_scoped3A : memref<!tpu.dma_semaphore, #tpu.memory_space<semaphore_mem>>)
      %dma_wait3A = arith.constant 0 : i32
      %dma_wait3A_23 = arith.constant 0 : i32
      %dma_wait3A_24 = tpu.memref_slice %arg2[%add3A, %dma_wait3A, %dma_wait3A_23] : memref<32x63x80xi32, #tpu.memory_space<hbm>> -> memref<1x63x80xi32, #tpu.memory_space<hbm>>
      %dma_wait3A_25 = tpu.memref_squeeze %dma_wait3A_24 : memref<1x63x80xi32, #tpu.memory_space<hbm>> -> memref<63x80xi32, #tpu.memory_space<hbm>>
      %dma_wait3A_26 = arith.constant 0 : i32
      %dma_wait3A_27 = arith.constant 0 : i32
      %dma_wait3A_28 = tpu.memref_slice %arg2[%add3A, %dma_wait3A_26, %dma_wait3A_27] : memref<32x63x80xi32, #tpu.memory_space<hbm>> -> memref<1x63x80xi32, #tpu.memory_space<hbm>>
      %dma_wait3A_29 = tpu.memref_squeeze %dma_wait3A_28 : memref<1x63x80xi32, #tpu.memory_space<hbm>> -> memref<63x80xi32, #tpu.memory_space<hbm>>
      tpu.wait_dma2 semaphore(%run_scoped3A : memref<!tpu.dma_semaphore, #tpu.memory_space<semaphore_mem>>) src(%dma_wait3A_29 : memref<63x80xi32, #tpu.memory_space<hbm>>) dst(%arg10 : memref<63x80xi32, #tpu.memory_space<vmem>>)
      tpu.yield
    }) : () -> ()
    %scan3A = arith.constant 0 : i32
    %scan3A_5 = arith.constant 0 : i32
    %scan3A_6 = arith.constant 63 : i32
    %scan3A_7 = arith.addi %scan3A_5, %scan3A_6 : i32
    %scan3A_8 = arith.constant 1 : i32
    scf.for %scan3A_16 = %scan3A_5 to %scan3A_7 step %scan3A_8  : i32 {
      %mul3A_17 = arith.constant 80 : i32
      %mul3A_18 = arith.muli %scan3A_16, %mul3A_17 : i32
      %add3A_19 = arith.addi %mul3A_2, %mul3A_18 : i32
      %dma_start3A = arith.constant 0 : i32
      %dma_start3A_20 = tpu.memref_slice %arg3[%add3A_19, %dma_start3A] : memref<161280x128xf32, #tpu.memory_space<hbm>> -> memref<80x128xf32, #tpu.memory_space<hbm>>
      %dma_start3A_21 = arith.constant 0 : i32
      %dma_start3A_22 = tpu.memref_slice %arg3[%add3A_19, %dma_start3A_21] : memref<161280x128xf32, #tpu.memory_space<hbm>> -> memref<80x128xf32, #tpu.memory_space<hbm>>
      tpu.enqueue_dma source(%dma_start3A_22 : memref<80x128xf32, #tpu.memory_space<hbm>>) target(%arg11 : memref<80x128xf32, #tpu.memory_space<vmem>>) target_semaphore(%arg18 : memref<!tpu.dma_semaphore, #tpu.memory_space<semaphore_mem>>)
      %dma_start3A_23 = tpu.memref_slice %arg4[%add3A_19] : memref<161280xf32, #tpu.memory_space<hbm>> -> memref<80xf32, #tpu.memory_space<hbm>>
      %dma_start3A_24 = tpu.memref_slice %arg4[%add3A_19] : memref<161280xf32, #tpu.memory_space<hbm>> -> memref<80xf32, #tpu.memory_space<hbm>>
      tpu.enqueue_dma source(%dma_start3A_24 : memref<80xf32, #tpu.memory_space<hbm>>) target(%arg12 : memref<80xf32, #tpu.memory_space<vmem>>) target_semaphore(%arg19 : memref<!tpu.dma_semaphore, #tpu.memory_space<semaphore_mem>>)
      %dma_start3A_25 = tpu.memref_slice %arg5[%add3A_19] : memref<161280xf32, #tpu.memory_space<hbm>> -> memref<80xf32, #tpu.memory_space<hbm>>
      %dma_start3A_26 = tpu.memref_slice %arg5[%add3A_19] : memref<161280xf32, #tpu.memory_space<hbm>> -> memref<80xf32, #tpu.memory_space<hbm>>
      tpu.enqueue_dma source(%dma_start3A_26 : memref<80xf32, #tpu.memory_space<hbm>>) target(%arg13 : memref<80xf32, #tpu.memory_space<vmem>>) target_semaphore(%arg20 : memref<!tpu.dma_semaphore, #tpu.memory_space<semaphore_mem>>)
      %get3A = arith.index_cast %scan3A_16 : i32 to index
      %get3A_27 = arith.constant 0 : index
      %get3A_28 = tpu.vector_load %arg10[%get3A, %get3A_27] {strides = array<i32>} : memref<63x80xi32, #tpu.memory_space<vmem>>, vector<1x16xi32>,
      %get3A_29 = vector.shape_cast %get3A_28 : vector<1x16xi32> to vector<16xi32>
      %mul3A_30 = arith.constant 2 : i32
      %mul3A_31 = vector.broadcast %mul3A_30 : i32 to vector<16xi32>
      %mul3A_32 = arith.muli %get3A_29, %mul3A_31 : vector<16xi32>
      %swap3A = arith.constant 0 : index
      %swap3A_33 = tpu.vector_load %arg14[%swap3A] {strides = array<i32>} : memref<80xi32, #tpu.memory_space<vmem>>, vector<16xi32>,
      %swap3A_34 = vector.shape_cast %swap3A_33 : vector<16xi32> to vector<16xi32>
      %swap3A_35 = vector.shape_cast %mul3A_32 : vector<16xi32> to vector<16xi32>
      tpu.vector_store %arg14[%swap3A], %swap3A_35 {strides = array<i32>} : memref<80xi32, #tpu.memory_space<vmem>>, vector<16xi32>,
      %mul3A_36 = arith.constant 2 : i32
      %mul3A_37 = vector.broadcast %mul3A_36 : i32 to vector<16xi32>
      %mul3A_38 = arith.muli %get3A_29, %mul3A_37 : vector<16xi32>
      %add3A_39 = arith.constant 1 : i32
      %add3A_40 = vector.broadcast %add3A_39 : i32 to vector<16xi32>
      %add3A_41 = arith.addi %mul3A_38, %add3A_40 : vector<16xi32>
      %swap3A_42 = arith.constant 0 : index
      %swap3A_43 = tpu.vector_load %arg15[%swap3A_42] {strides = array<i32>} : memref<80xi32, #tpu.memory_space<vmem>>, vector<16xi32>,
      %swap3A_44 = vector.shape_cast %swap3A_43 : vector<16xi32> to vector<16xi32>
      %swap3A_45 = vector.shape_cast %add3A_41 : vector<16xi32> to vector<16xi32>
      tpu.vector_store %arg15[%swap3A_42], %swap3A_45 {strides = array<i32>} : memref<80xi32, #tpu.memory_space<vmem>>, vector<16xi32>,
      %get3A_46 = arith.index_cast %scan3A_16 : i32 to index
      %get3A_47 = arith.constant 16 : index
      %get3A_48 = tpu.vector_load %arg10[%get3A_46, %get3A_47] {strides = array<i32>} : memref<63x80xi32, #tpu.memory_space<vmem>>, vector<1x16xi32>,
      %get3A_49 = vector.shape_cast %get3A_48 : vector<1x16xi32> to vector<16xi32>
      %mul3A_50 = arith.constant 2 : i32
      %mul3A_51 = vector.broadcast %mul3A_50 : i32 to vector<16xi32>
      %mul3A_52 = arith.muli %get3A_49, %mul3A_51 : vector<16xi32>
      %swap3A_53 = arith.constant 16 : index
      %swap3A_54 = tpu.vector_load %arg14[%swap3A_53] {strides = array<i32>} : memref<80xi32, #tpu.memory_space<vmem>>, vector<16xi32>,
      %swap3A_55 = vector.shape_cast %swap3A_54 : vector<16xi32> to vector<16xi32>
      %swap3A_56 = vector.shape_cast %mul3A_52 : vector<16xi32> to vector<16xi32>
      tpu.vector_store %arg14[%swap3A_53], %swap3A_56 {strides = array<i32>} : memref<80xi32, #tpu.memory_space<vmem>>, vector<16xi32>,
      %mul3A_57 = arith.constant 2 : i32
      %mul3A_58 = vector.broadcast %mul3A_57 : i32 to vector<16xi32>
      %mul3A_59 = arith.muli %get3A_49, %mul3A_58 : vector<16xi32>
      %add3A_60 = arith.constant 1 : i32
      %add3A_61 = vector.broadcast %add3A_60 : i32 to vector<16xi32>
      %add3A_62 = arith.addi %mul3A_59, %add3A_61 : vector<16xi32>
      %swap3A_63 = arith.constant 16 : index
      %swap3A_64 = tpu.vector_load %arg15[%swap3A_63] {strides = array<i32>} : memref<80xi32, #tpu.memory_space<vmem>>, vector<16xi32>,
      %swap3A_65 = vector.shape_cast %swap3A_64 : vector<16xi32> to vector<16xi32>
      %swap3A_66 = vector.shape_cast %add3A_62 : vector<16xi32> to vector<16xi32>
      tpu.vector_store %arg15[%swap3A_63], %swap3A_66 {strides = array<i32>} : memref<80xi32, #tpu.memory_space<vmem>>, vector<16xi32>,
      %get3A_67 = arith.index_cast %scan3A_16 : i32 to index
      %get3A_68 = arith.constant 32 : index
      %get3A_69 = tpu.vector_load %arg10[%get3A_67, %get3A_68] {strides = array<i32>} : memref<63x80xi32, #tpu.memory_space<vmem>>, vector<1x16xi32>,
      %get3A_70 = vector.shape_cast %get3A_69 : vector<1x16xi32> to vector<16xi32>
      %mul3A_71 = arith.constant 2 : i32
      %mul3A_72 = vector.broadcast %mul3A_71 : i32 to vector<16xi32>
      %mul3A_73 = arith.muli %get3A_70, %mul3A_72 : vector<16xi32>
      %swap3A_74 = arith.constant 32 : index
      %swap3A_75 = tpu.vector_load %arg14[%swap3A_74] {strides = array<i32>} : memref<80xi32, #tpu.memory_space<vmem>>, vector<16xi32>,
      %swap3A_76 = vector.shape_cast %swap3A_75 : vector<16xi32> to vector<16xi32>
      %swap3A_77 = vector.shape_cast %mul3A_73 : vector<16xi32> to vector<16xi32>
      tpu.vector_store %arg14[%swap3A_74], %swap3A_77 {strides = array<i32>} : memref<80xi32, #tpu.memory_space<vmem>>, vector<16xi32>,
      %mul3A_78 = arith.constant 2 : i32
      %mul3A_79 = vector.broadcast %mul3A_78 : i32 to vector<16xi32>
      %mul3A_80 = arith.muli %get3A_70, %mul3A_79 : vector<16xi32>
      %add3A_81 = arith.constant 1 : i32
      %add3A_82 = vector.broadcast %add3A_81 : i32 to vector<16xi32>
      %add3A_83 = arith.addi %mul3A_80, %add3A_82 : vector<16xi32>
      %swap3A_84 = arith.constant 32 : index
      %swap3A_85 = tpu.vector_load %arg15[%swap3A_84] {strides = array<i32>} : memref<80xi32, #tpu.memory_space<vmem>>, vector<16xi32>,
      %swap3A_86 = vector.shape_cast %swap3A_85 : vector<16xi32> to vector<16xi32>
      %swap3A_87 = vector.shape_cast %add3A_83 : vector<16xi32> to vector<16xi32>
      tpu.vector_store %arg15[%swap3A_84], %swap3A_87 {strides = array<i32>} : memref<80xi32, #tpu.memory_space<vmem>>, vector<16xi32>,
      %get3A_88 = arith.index_cast %scan3A_16 : i32 to index
      %get3A_89 = arith.constant 48 : index
      %get3A_90 = tpu.vector_load %arg10[%get3A_88, %get3A_89] {strides = array<i32>} : memref<63x80xi32, #tpu.memory_space<vmem>>, vector<1x16xi32>,
      %get3A_91 = vector.shape_cast %get3A_90 : vector<1x16xi32> to vector<16xi32>
      %mul3A_92 = arith.constant 2 : i32
      %mul3A_93 = vector.broadcast %mul3A_92 : i32 to vector<16xi32>
      %mul3A_94 = arith.muli %get3A_91, %mul3A_93 : vector<16xi32>
      %swap3A_95 = arith.constant 48 : index
      %swap3A_96 = tpu.vector_load %arg14[%swap3A_95] {strides = array<i32>} : memref<80xi32, #tpu.memory_space<vmem>>, vector<16xi32>,
      %swap3A_97 = vector.shape_cast %swap3A_96 : vector<16xi32> to vector<16xi32>
      %swap3A_98 = vector.shape_cast %mul3A_94 : vector<16xi32> to vector<16xi32>
      tpu.vector_store %arg14[%swap3A_95], %swap3A_98 {strides = array<i32>} : memref<80xi32, #tpu.memory_space<vmem>>, vector<16xi32>,
      %mul3A_99 = arith.constant 2 : i32
      %mul3A_100 = vector.broadcast %mul3A_99 : i32 to vector<16xi32>
      %mul3A_101 = arith.muli %get3A_91, %mul3A_100 : vector<16xi32>
      %add3A_102 = arith.constant 1 : i32
      %add3A_103 = vector.broadcast %add3A_102 : i32 to vector<16xi32>
      %add3A_104 = arith.addi %mul3A_101, %add3A_103 : vector<16xi32>
      %swap3A_105 = arith.constant 48 : index
      %swap3A_106 = tpu.vector_load %arg15[%swap3A_105] {strides = array<i32>} : memref<80xi32, #tpu.memory_space<vmem>>, vector<16xi32>,
      %swap3A_107 = vector.shape_cast %swap3A_106 : vector<16xi32> to vector<16xi32>
      %swap3A_108 = vector.shape_cast %add3A_104 : vector<16xi32> to vector<16xi32>
      tpu.vector_store %arg15[%swap3A_105], %swap3A_108 {strides = array<i32>} : memref<80xi32, #tpu.memory_space<vmem>>, vector<16xi32>,
      %get3A_109 = arith.index_cast %scan3A_16 : i32 to index
      %get3A_110 = arith.constant 64 : index
      %get3A_111 = tpu.vector_load %arg10[%get3A_109, %get3A_110] {strides = array<i32>} : memref<63x80xi32, #tpu.memory_space<vmem>>, vector<1x16xi32>,
      %get3A_112 = vector.shape_cast %get3A_111 : vector<1x16xi32> to vector<16xi32>
      %mul3A_113 = arith.constant 2 : i32
      %mul3A_114 = vector.broadcast %mul3A_113 : i32 to vector<16xi32>
      %mul3A_115 = arith.muli %get3A_112, %mul3A_114 : vector<16xi32>
      %swap3A_116 = arith.constant 64 : index
      %swap3A_117 = tpu.vector_load %arg14[%swap3A_116] {strides = array<i32>} : memref<80xi32, #tpu.memory_space<vmem>>, vector<16xi32>,
      %swap3A_118 = vector.shape_cast %swap3A_117 : vector<16xi32> to vector<16xi32>
      %swap3A_119 = vector.shape_cast %mul3A_115 : vector<16xi32> to vector<16xi32>
      tpu.vector_store %arg14[%swap3A_116], %swap3A_119 {strides = array<i32>} : memref<80xi32, #tpu.memory_space<vmem>>, vector<16xi32>,
      %mul3A_120 = arith.constant 2 : i32
      %mul3A_121 = vector.broadcast %mul3A_120 : i32 to vector<16xi32>
      %mul3A_122 = arith.muli %get3A_112, %mul3A_121 : vector<16xi32>
      %add3A_123 = arith.constant 1 : i32
      %add3A_124 = vector.broadcast %add3A_123 : i32 to vector<16xi32>
      %add3A_125 = arith.addi %mul3A_122, %add3A_124 : vector<16xi32>
      %swap3A_126 = arith.constant 64 : index
      %swap3A_127 = tpu.vector_load %arg15[%swap3A_126] {strides = array<i32>} : memref<80xi32, #tpu.memory_space<vmem>>, vector<16xi32>,
      %swap3A_128 = vector.shape_cast %swap3A_127 : vector<16xi32> to vector<16xi32>
      %swap3A_129 = vector.shape_cast %add3A_125 : vector<16xi32> to vector<16xi32>
      tpu.vector_store %arg15[%swap3A_126], %swap3A_129 {strides = array<i32>} : memref<80xi32, #tpu.memory_space<vmem>>, vector<16xi32>,
      %dma_wait3A = arith.constant 0 : i32
      %dma_wait3A_130 = tpu.memref_slice %arg3[%add3A_19, %dma_wait3A] : memref<161280x128xf32, #tpu.memory_space<hbm>> -> memref<80x128xf32, #tpu.memory_space<hbm>>
      %dma_wait3A_131 = arith.constant 0 : i32
      %dma_wait3A_132 = tpu.memref_slice %arg3[%add3A_19, %dma_wait3A_131] : memref<161280x128xf32, #tpu.memory_space<hbm>> -> memref<80x128xf32, #tpu.memory_space<hbm>>
      tpu.wait_dma2 semaphore(%arg18 : memref<!tpu.dma_semaphore, #tpu.memory_space<semaphore_mem>>) src(%dma_wait3A_132 : memref<80x128xf32, #tpu.memory_space<hbm>>) dst(%arg11 : memref<80x128xf32, #tpu.memory_space<vmem>>)
      %dma_wait3A_133 = tpu.memref_slice %arg4[%add3A_19] : memref<161280xf32, #tpu.memory_space<hbm>> -> memref<80xf32, #tpu.memory_space<hbm>>
      %dma_wait3A_134 = tpu.memref_slice %arg4[%add3A_19] : memref<161280xf32, #tpu.memory_space<hbm>> -> memref<80xf32, #tpu.memory_space<hbm>>
      tpu.wait_dma2 semaphore(%arg19 : memref<!tpu.dma_semaphore, #tpu.memory_space<semaphore_mem>>) src(%dma_wait3A_134 : memref<80xf32, #tpu.memory_space<hbm>>) dst(%arg12 : memref<80xf32, #tpu.memory_space<vmem>>)
      %dma_wait3A_135 = tpu.memref_slice %arg5[%add3A_19] : memref<161280xf32, #tpu.memory_space<hbm>> -> memref<80xf32, #tpu.memory_space<hbm>>
      %dma_wait3A_136 = tpu.memref_slice %arg5[%add3A_19] : memref<161280xf32, #tpu.memory_space<hbm>> -> memref<80xf32, #tpu.memory_space<hbm>>
      tpu.wait_dma2 semaphore(%arg20 : memref<!tpu.dma_semaphore, #tpu.memory_space<semaphore_mem>>) src(%dma_wait3A_136 : memref<80xf32, #tpu.memory_space<hbm>>) dst(%arg13 : memref<80xf32, #tpu.memory_space<vmem>>)
      "tpu.region"() ({
        %run_scoped3A = tpu.sem_alloc : memref<!tpu.dma_semaphore, #tpu.memory_space<semaphore_mem>>
        %dma_start3A_137 = arith.constant 0 : i32
        %dma_start3A_138 = tpu.memref_slice %arg10[%scan3A_16, %dma_start3A_137] : memref<63x80xi32, #tpu.memory_space<vmem>> -> memref<1x80xi32, #tpu.memory_space<vmem>>
        %dma_start3A_139 = tpu.memref_squeeze %dma_start3A_138 : memref<1x80xi32, #tpu.memory_space<vmem>> -> memref<80xi32, #tpu.memory_space<vmem>>
        %dma_start3A_140 = arith.constant 0 : i32
        %dma_start3A_141 = arith.constant 0 : i32
        %dma_start3A_142 = tpu.memref_slice %arg16[%dma_start3A_140, %dma_start3A_141] : memref<10000x128xf32, #tpu.memory_space<vmem_shared>> -> memref<10000x128xf32, #tpu.memory_space<vmem_shared>>
        tpu.enqueue_indirect_dma source(%arg11 : memref<80x128xf32, #tpu.memory_space<vmem>>) target(%dma_start3A_142 : memref<10000x128xf32, #tpu.memory_space<vmem_shared>>) offsets(%dma_start3A_139 : memref<80xi32, #tpu.memory_space<vmem>>) semaphore(%run_scoped3A : memref<!tpu.dma_semaphore, #tpu.memory_space<semaphore_mem>>) {add = true}
        %dma_wait3A_143 = arith.constant 0 : i32
        %dma_wait3A_144 = tpu.memref_slice %arg10[%scan3A_16, %dma_wait3A_143] : memref<63x80xi32, #tpu.memory_space<vmem>> -> memref<1x80xi32, #tpu.memory_space<vmem>>
        %dma_wait3A_145 = tpu.memref_squeeze %dma_wait3A_144 : memref<1x80xi32, #tpu.memory_space<vmem>> -> memref<80xi32, #tpu.memory_space<vmem>>
        %dma_wait3A_146 = arith.constant 0 : i32
        %dma_wait3A_147 = arith.constant 0 : i32
        %dma_wait3A_148 = tpu.memref_slice %arg16[%dma_wait3A_146, %dma_wait3A_147] : memref<10000x128xf32, #tpu.memory_space<vmem_shared>> -> memref<10000x128xf32, #tpu.memory_space<vmem_shared>>
        tpu.wait_indirect_dma semaphore(%run_scoped3A : memref<!tpu.dma_semaphore, #tpu.memory_space<semaphore_mem>>) src(%arg11 : memref<80x128xf32, #tpu.memory_space<vmem>>) dst(%dma_wait3A_148 : memref<10000x128xf32, #tpu.memory_space<vmem_shared>>)
        tpu.yield
      }) : () -> ()
      "tpu.region"() ({
        %run_scoped3A = tpu.sem_alloc : memref<!tpu.dma_semaphore, #tpu.memory_space<semaphore_mem>>
        %dma_start3A_137 = arith.constant 0 : i32
        %dma_start3A_138 = tpu.memref_slice %arg17[%dma_start3A_137] : memref<20480xf32, #tpu.memory_space<vmem_shared>> -> memref<20480xf32, #tpu.memory_space<vmem_shared>>
        tpu.enqueue_indirect_dma source(%arg12 : memref<80xf32, #tpu.memory_space<vmem>>) target(%dma_start3A_138 : memref<20480xf32, #tpu.memory_space<vmem_shared>>) offsets(%arg14 : memref<80xi32, #tpu.memory_space<vmem>>) semaphore(%run_scoped3A : memref<!tpu.dma_semaphore, #tpu.memory_space<semaphore_mem>>) {add = true}
        %dma_wait3A_139 = arith.constant 0 : i32
        %dma_wait3A_140 = tpu.memref_slice %arg17[%dma_wait3A_139] : memref<20480xf32, #tpu.memory_space<vmem_shared>> -> memref<20480xf32, #tpu.memory_space<vmem_shared>>
        tpu.wait_indirect_dma semaphore(%run_scoped3A : memref<!tpu.dma_semaphore, #tpu.memory_space<semaphore_mem>>) src(%arg12 : memref<80xf32, #tpu.memory_space<vmem>>) dst(%dma_wait3A_140 : memref<20480xf32, #tpu.memory_space<vmem_shared>>)
        tpu.yield
      }) : () -> ()
      "tpu.region"() ({
        %run_scoped3A = tpu.sem_alloc : memref<!tpu.dma_semaphore, #tpu.memory_space<semaphore_mem>>
        %dma_start3A_137 = arith.constant 0 : i32
        %dma_start3A_138 = tpu.memref_slice %arg17[%dma_start3A_137] : memref<20480xf32, #tpu.memory_space<vmem_shared>> -> memref<20480xf32, #tpu.memory_space<vmem_shared>>
        tpu.enqueue_indirect_dma source(%arg13 : memref<80xf32, #tpu.memory_space<vmem>>) target(%dma_start3A_138 : memref<20480xf32, #tpu.memory_space<vmem_shared>>) offsets(%arg15 : memref<80xi32, #tpu.memory_space<vmem>>) semaphore(%run_scoped3A : memref<!tpu.dma_semaphore, #tpu.memory_space<semaphore_mem>>) {add = true}
        %dma_wait3A_139 = arith.constant 0 : i32
        %dma_wait3A_140 = tpu.memref_slice %arg17[%dma_wait3A_139] : memref<20480xf32, #tpu.memory_space<vmem_shared>> -> memref<20480xf32, #tpu.memory_space<vmem_shared>>
        tpu.wait_indirect_dma semaphore(%run_scoped3A : memref<!tpu.dma_semaphore, #tpu.memory_space<semaphore_mem>>) src(%arg13 : memref<80xf32, #tpu.memory_space<vmem>>) dst(%dma_wait3A_140 : memref<20480xf32, #tpu.memory_space<vmem_shared>>)
        tpu.yield
      }) : () -> ()
    }
    %scan3A_9 = arith.constant 63 : i32
    %barrier3A_10 = arith.constant 0 : index
    tpu.barrier barrier_id(%barrier3A_10)
    %eq3A_11 = arith.constant 0 : i32
    %eq3A_12 = arith.cmpi eq, %arg1, %eq3A_11 : i32
    %convert_element_type3A_13 = arith.extui %eq3A_12 : i1 to i32
    %cond3A_14 = arith.constant 0 : i32
    %cond3A_15 = arith.cmpi ne, %convert_element_type3A_13, %cond3A_14 : i32
    scf.if %cond3A_15 {
      "tpu.region"() ({
        %run_scoped3A = tpu.sem_alloc : memref<!tpu.dma_semaphore, #tpu.memory_space<semaphore_mem>>
        %dma_start3A = arith.constant 0 : i32
        %dma_start3A_18 = arith.constant 0 : i32
        %dma_start3A_19 = tpu.memref_slice %arg8[%arg0, %dma_start3A, %dma_start3A_18] : memref<2x10000x128xf32, #tpu.memory_space<hbm>> -> memref<1x10000x128xf32, #tpu.memory_space<hbm>>
        %dma_start3A_20 = tpu.memref_squeeze %dma_start3A_19 : memref<1x10000x128xf32, #tpu.memory_space<hbm>> -> memref<10000x128xf32, #tpu.memory_space<hbm>>
        tpu.enqueue_dma source(%arg16 : memref<10000x128xf32, #tpu.memory_space<vmem_shared>>) target(%dma_start3A_20 : memref<10000x128xf32, #tpu.memory_space<hbm>>) target_semaphore(%run_scoped3A : memref<!tpu.dma_semaphore, #tpu.memory_space<semaphore_mem>>)
        %dma_wait3A = arith.constant 0 : i32
        %dma_wait3A_21 = arith.constant 0 : i32
        %dma_wait3A_22 = tpu.memref_slice %arg8[%arg0, %dma_wait3A, %dma_wait3A_21] : memref<2x10000x128xf32, #tpu.memory_space<hbm>> -> memref<1x10000x128xf32, #tpu.memory_space<hbm>>
        %dma_wait3A_23 = tpu.memref_squeeze %dma_wait3A_22 : memref<1x10000x128xf32, #tpu.memory_space<hbm>> -> memref<10000x128xf32, #tpu.memory_space<hbm>>
        tpu.wait_dma2 semaphore(%run_scoped3A : memref<!tpu.dma_semaphore, #tpu.memory_space<semaphore_mem>>) src(%arg16 : memref<10000x128xf32, #tpu.memory_space<vmem_shared>>) dst(%dma_wait3A_23 : memref<10000x128xf32, #tpu.memory_space<hbm>>)
        tpu.yield
      }) : () -> ()
      %mul3A_16 = arith.constant 20480 : i32
      %mul3A_17 = arith.muli %arg0, %mul3A_16 : i32
      "tpu.region"() ({
        %run_scoped3A = tpu.sem_alloc : memref<!tpu.dma_semaphore, #tpu.memory_space<semaphore_mem>>
        %dma_start3A = tpu.memref_slice %arg9[%mul3A_17] : memref<40960xf32, #tpu.memory_space<hbm>> -> memref<20480xf32, #tpu.memory_space<hbm>>
        tpu.enqueue_dma source(%arg17 : memref<20480xf32, #tpu.memory_space<vmem_shared>>) target(%dma_start3A : memref<20480xf32, #tpu.memory_space<hbm>>) target_semaphore(%run_scoped3A : memref<!tpu.dma_semaphore, #tpu.memory_space<semaphore_mem>>)
        %dma_wait3A = tpu.memref_slice %arg9[%mul3A_17] : memref<40960xf32, #tpu.memory_space<hbm>> -> memref<20480xf32, #tpu.memory_space<hbm>>
        tpu.wait_dma2 semaphore(%run_scoped3A : memref<!tpu.dma_semaphore, #tpu.memory_space<semaphore_mem>>) src(%arg17 : memref<20480xf32, #tpu.memory_space<vmem_shared>>) dst(%dma_wait3A : memref<20480xf32, #tpu.memory_space<hbm>>)
        tpu.yield
      }) : () -> ()
    } else {
    }
    return
  }
}

#map = affine_map<(d0, d1) -> (0, 0, 0)>
#map1 = affine_map<(d0, d1) -> (0, 0)>
#map2 = affine_map<(d0, d1) -> (0)>
module attributes {stable_mosaic.version = 14 : i64} {
  func.func @k(%arg0: i32, %arg1: i32, %arg2: memref<32x62x80xi32, #tpu.memory_space<hbm>>, %arg3: memref<158720x128xf32, #tpu.memory_space<hbm>>, %arg4: memref<158720xf32, #tpu.memory_space<hbm>>, %arg5: memref<158720xf32, #tpu.memory_space<hbm>>, %arg6: memref<10000x128xf32, #tpu.memory_space<hbm>>, %arg7: memref<20480xf32, #tpu.memory_space<hbm>>, %arg8: memref<2x10000x128xf32, #tpu.memory_space<hbm>>, %arg9: memref<40960xf32, #tpu.memory_space<hbm>>, %arg10: memref<62x80xi32, #tpu.memory_space<vmem>>, %arg11: memref<80x128xf32, #tpu.memory_space<vmem>>, %arg12: memref<80xf32, #tpu.memory_space<vmem>>, %arg13: memref<80xf32, #tpu.memory_space<vmem>>, %arg14: memref<80xi32, #tpu.memory_space<vmem>>, %arg15: memref<80xi32, #tpu.memory_space<vmem>>, %arg16: memref<10000x128xf32, #tpu.memory_space<vmem_shared>>, %arg17: memref<20480xf32, #tpu.memory_space<vmem_shared>>, %arg18: memref<!tpu.dma_semaphore, #tpu.memory_space<semaphore_mem>>, %arg19: memref<!tpu.dma_semaphore, #tpu.memory_space<semaphore_mem>>, %arg20: memref<!tpu.dma_semaphore, #tpu.memory_space<semaphore_mem>>) attributes {dimension_semantics = [#tpu.dimension_semantics<core_parallel>, #tpu.dimension_semantics<subcore_parallel>], iteration_bounds = array<i64: 2, 16>, scalar_prefetch = 0 : i64, scratch_operands = 11 : i64, tpu.core_type = #tpu.core_type<sc_vector_subcore>, window_params = [{transform_indices = #map}, {transform_indices = #map1}, {transform_indices = #map2}, {transform_indices = #map2}, {transform_indices = #map1}, {transform_indices = #map2}, {transform_indices = #map}, {transform_indices = #map2}]} {
    %mul3A = arith.constant 16 : i32
    %mul3A_0 = arith.muli %arg0, %mul3A : i32
    %add3A = arith.addi %mul3A_0, %arg1 : i32
    %mul3A_1 = arith.constant 4960 : i32
    %mul3A_2 = arith.muli %add3A, %mul3A_1 : i32
    %eq3A = arith.constant 0 : i32
    %eq3A_3 = arith.cmpi eq, %arg1, %eq3A : i32
    %convert_element_type3A = arith.extui %eq3A_3 : i1 to i32
    %cond3A = arith.constant 0 : i32
    %cond3A_4 = arith.cmpi ne, %convert_element_type3A, %cond3A : i32
    scf.if %cond3A_4 {
      "tpu.region"() ({
        %run_scoped3A = tpu.sem_alloc : memref<!tpu.dma_semaphore, #tpu.memory_space<semaphore_mem>>
        tpu.enqueue_dma source(%arg6 : memref<10000x128xf32, #tpu.memory_space<hbm>>) target(%arg16 : memref<10000x128xf32, #tpu.memory_space<vmem_shared>>) target_semaphore(%run_scoped3A : memref<!tpu.dma_semaphore, #tpu.memory_space<semaphore_mem>>)
        tpu.wait_dma2 semaphore(%run_scoped3A : memref<!tpu.dma_semaphore, #tpu.memory_space<semaphore_mem>>) src(%arg6 : memref<10000x128xf32, #tpu.memory_space<hbm>>) dst(%arg16 : memref<10000x128xf32, #tpu.memory_space<vmem_shared>>)
        tpu.yield
      }) : () -> ()
      "tpu.region"() ({
        %run_scoped3A = tpu.sem_alloc : memref<!tpu.dma_semaphore, #tpu.memory_space<semaphore_mem>>
        tpu.enqueue_dma source(%arg7 : memref<20480xf32, #tpu.memory_space<hbm>>) target(%arg17 : memref<20480xf32, #tpu.memory_space<vmem_shared>>) target_semaphore(%run_scoped3A : memref<!tpu.dma_semaphore, #tpu.memory_space<semaphore_mem>>)
        tpu.wait_dma2 semaphore(%run_scoped3A : memref<!tpu.dma_semaphore, #tpu.memory_space<semaphore_mem>>) src(%arg7 : memref<20480xf32, #tpu.memory_space<hbm>>) dst(%arg17 : memref<20480xf32, #tpu.memory_space<vmem_shared>>)
        tpu.yield
      }) : () -> ()
    } else {
    }
    %barrier3A = arith.constant 0 : index
    tpu.barrier barrier_id(%barrier3A)
    "tpu.region"() ({
      %run_scoped3A = tpu.sem_alloc : memref<!tpu.dma_semaphore, #tpu.memory_space<semaphore_mem>>
      %dma_start3A = arith.constant 0 : i32
      %dma_start3A_16 = arith.constant 0 : i32
      %dma_start3A_17 = tpu.memref_slice %arg2[%add3A, %dma_start3A, %dma_start3A_16] : memref<32x62x80xi32, #tpu.memory_space<hbm>> -> memref<1x62x80xi32, #tpu.memory_space<hbm>>
      %dma_start3A_18 = tpu.memref_squeeze %dma_start3A_17 : memref<1x62x80xi32, #tpu.memory_space<hbm>> -> memref<62x80xi32, #tpu.memory_space<hbm>>
      %dma_start3A_19 = arith.constant 0 : i32
      %dma_start3A_20 = arith.constant 0 : i32
      %dma_start3A_21 = tpu.memref_slice %arg2[%add3A, %dma_start3A_19, %dma_start3A_20] : memref<32x62x80xi32, #tpu.memory_space<hbm>> -> memref<1x62x80xi32, #tpu.memory_space<hbm>>
      %dma_start3A_22 = tpu.memref_squeeze %dma_start3A_21 : memref<1x62x80xi32, #tpu.memory_space<hbm>> -> memref<62x80xi32, #tpu.memory_space<hbm>>
      tpu.enqueue_dma source(%dma_start3A_22 : memref<62x80xi32, #tpu.memory_space<hbm>>) target(%arg10 : memref<62x80xi32, #tpu.memory_space<vmem>>) target_semaphore(%run_scoped3A : memref<!tpu.dma_semaphore, #tpu.memory_space<semaphore_mem>>)
      %dma_wait3A = arith.constant 0 : i32
      %dma_wait3A_23 = arith.constant 0 : i32
      %dma_wait3A_24 = tpu.memref_slice %arg2[%add3A, %dma_wait3A, %dma_wait3A_23] : memref<32x62x80xi32, #tpu.memory_space<hbm>> -> memref<1x62x80xi32, #tpu.memory_space<hbm>>
      %dma_wait3A_25 = tpu.memref_squeeze %dma_wait3A_24 : memref<1x62x80xi32, #tpu.memory_space<hbm>> -> memref<62x80xi32, #tpu.memory_space<hbm>>
      %dma_wait3A_26 = arith.constant 0 : i32
      %dma_wait3A_27 = arith.constant 0 : i32
      %dma_wait3A_28 = tpu.memref_slice %arg2[%add3A, %dma_wait3A_26, %dma_wait3A_27] : memref<32x62x80xi32, #tpu.memory_space<hbm>> -> memref<1x62x80xi32, #tpu.memory_space<hbm>>
      %dma_wait3A_29 = tpu.memref_squeeze %dma_wait3A_28 : memref<1x62x80xi32, #tpu.memory_space<hbm>> -> memref<62x80xi32, #tpu.memory_space<hbm>>
      tpu.wait_dma2 semaphore(%run_scoped3A : memref<!tpu.dma_semaphore, #tpu.memory_space<semaphore_mem>>) src(%dma_wait3A_29 : memref<62x80xi32, #tpu.memory_space<hbm>>) dst(%arg10 : memref<62x80xi32, #tpu.memory_space<vmem>>)
      tpu.yield
    }) : () -> ()
    %scan3A = arith.constant 0 : i32
    %scan3A_5 = arith.constant 0 : i32
    %scan3A_6 = arith.constant 62 : i32
    %scan3A_7 = arith.addi %scan3A_5, %scan3A_6 : i32
    %scan3A_8 = arith.constant 1 : i32
    scf.for %scan3A_16 = %scan3A_5 to %scan3A_7 step %scan3A_8  : i32 {
      %mul3A_17 = arith.constant 80 : i32
      %mul3A_18 = arith.muli %scan3A_16, %mul3A_17 : i32
      %add3A_19 = arith.addi %mul3A_2, %mul3A_18 : i32
      %dma_start3A = arith.constant 0 : i32
      %dma_start3A_20 = tpu.memref_slice %arg3[%add3A_19, %dma_start3A] : memref<158720x128xf32, #tpu.memory_space<hbm>> -> memref<80x128xf32, #tpu.memory_space<hbm>>
      %dma_start3A_21 = arith.constant 0 : i32
      %dma_start3A_22 = tpu.memref_slice %arg3[%add3A_19, %dma_start3A_21] : memref<158720x128xf32, #tpu.memory_space<hbm>> -> memref<80x128xf32, #tpu.memory_space<hbm>>
      tpu.enqueue_dma source(%dma_start3A_22 : memref<80x128xf32, #tpu.memory_space<hbm>>) target(%arg11 : memref<80x128xf32, #tpu.memory_space<vmem>>) target_semaphore(%arg18 : memref<!tpu.dma_semaphore, #tpu.memory_space<semaphore_mem>>)
      %dma_start3A_23 = tpu.memref_slice %arg4[%add3A_19] : memref<158720xf32, #tpu.memory_space<hbm>> -> memref<80xf32, #tpu.memory_space<hbm>>
      %dma_start3A_24 = tpu.memref_slice %arg4[%add3A_19] : memref<158720xf32, #tpu.memory_space<hbm>> -> memref<80xf32, #tpu.memory_space<hbm>>
      tpu.enqueue_dma source(%dma_start3A_24 : memref<80xf32, #tpu.memory_space<hbm>>) target(%arg12 : memref<80xf32, #tpu.memory_space<vmem>>) target_semaphore(%arg19 : memref<!tpu.dma_semaphore, #tpu.memory_space<semaphore_mem>>)
      %dma_start3A_25 = tpu.memref_slice %arg5[%add3A_19] : memref<158720xf32, #tpu.memory_space<hbm>> -> memref<80xf32, #tpu.memory_space<hbm>>
      %dma_start3A_26 = tpu.memref_slice %arg5[%add3A_19] : memref<158720xf32, #tpu.memory_space<hbm>> -> memref<80xf32, #tpu.memory_space<hbm>>
      tpu.enqueue_dma source(%dma_start3A_26 : memref<80xf32, #tpu.memory_space<hbm>>) target(%arg13 : memref<80xf32, #tpu.memory_space<vmem>>) target_semaphore(%arg20 : memref<!tpu.dma_semaphore, #tpu.memory_space<semaphore_mem>>)
      %get3A = arith.index_cast %scan3A_16 : i32 to index
      %get3A_27 = arith.constant 0 : index
      %get3A_28 = tpu.vector_load %arg10[%get3A, %get3A_27] {strides = array<i32>} : memref<62x80xi32, #tpu.memory_space<vmem>>, vector<1x16xi32>,
      %get3A_29 = vector.shape_cast %get3A_28 : vector<1x16xi32> to vector<16xi32>
      %mul3A_30 = arith.constant 2 : i32
      %mul3A_31 = vector.broadcast %mul3A_30 : i32 to vector<16xi32>
      %mul3A_32 = arith.muli %get3A_29, %mul3A_31 : vector<16xi32>
      %swap3A = arith.constant 0 : index
      %swap3A_33 = tpu.vector_load %arg14[%swap3A] {strides = array<i32>} : memref<80xi32, #tpu.memory_space<vmem>>, vector<16xi32>,
      %swap3A_34 = vector.shape_cast %swap3A_33 : vector<16xi32> to vector<16xi32>
      %swap3A_35 = vector.shape_cast %mul3A_32 : vector<16xi32> to vector<16xi32>
      tpu.vector_store %arg14[%swap3A], %swap3A_35 {strides = array<i32>} : memref<80xi32, #tpu.memory_space<vmem>>, vector<16xi32>,
      %mul3A_36 = arith.constant 2 : i32
      %mul3A_37 = vector.broadcast %mul3A_36 : i32 to vector<16xi32>
      %mul3A_38 = arith.muli %get3A_29, %mul3A_37 : vector<16xi32>
      %add3A_39 = arith.constant 1 : i32
      %add3A_40 = vector.broadcast %add3A_39 : i32 to vector<16xi32>
      %add3A_41 = arith.addi %mul3A_38, %add3A_40 : vector<16xi32>
      %swap3A_42 = arith.constant 0 : index
      %swap3A_43 = tpu.vector_load %arg15[%swap3A_42] {strides = array<i32>} : memref<80xi32, #tpu.memory_space<vmem>>, vector<16xi32>,
      %swap3A_44 = vector.shape_cast %swap3A_43 : vector<16xi32> to vector<16xi32>
      %swap3A_45 = vector.shape_cast %add3A_41 : vector<16xi32> to vector<16xi32>
      tpu.vector_store %arg15[%swap3A_42], %swap3A_45 {strides = array<i32>} : memref<80xi32, #tpu.memory_space<vmem>>, vector<16xi32>,
      %get3A_46 = arith.index_cast %scan3A_16 : i32 to index
      %get3A_47 = arith.constant 16 : index
      %get3A_48 = tpu.vector_load %arg10[%get3A_46, %get3A_47] {strides = array<i32>} : memref<62x80xi32, #tpu.memory_space<vmem>>, vector<1x16xi32>,
      %get3A_49 = vector.shape_cast %get3A_48 : vector<1x16xi32> to vector<16xi32>
      %mul3A_50 = arith.constant 2 : i32
      %mul3A_51 = vector.broadcast %mul3A_50 : i32 to vector<16xi32>
      %mul3A_52 = arith.muli %get3A_49, %mul3A_51 : vector<16xi32>
      %swap3A_53 = arith.constant 16 : index
      %swap3A_54 = tpu.vector_load %arg14[%swap3A_53] {strides = array<i32>} : memref<80xi32, #tpu.memory_space<vmem>>, vector<16xi32>,
      %swap3A_55 = vector.shape_cast %swap3A_54 : vector<16xi32> to vector<16xi32>
      %swap3A_56 = vector.shape_cast %mul3A_52 : vector<16xi32> to vector<16xi32>
      tpu.vector_store %arg14[%swap3A_53], %swap3A_56 {strides = array<i32>} : memref<80xi32, #tpu.memory_space<vmem>>, vector<16xi32>,
      %mul3A_57 = arith.constant 2 : i32
      %mul3A_58 = vector.broadcast %mul3A_57 : i32 to vector<16xi32>
      %mul3A_59 = arith.muli %get3A_49, %mul3A_58 : vector<16xi32>
      %add3A_60 = arith.constant 1 : i32
      %add3A_61 = vector.broadcast %add3A_60 : i32 to vector<16xi32>
      %add3A_62 = arith.addi %mul3A_59, %add3A_61 : vector<16xi32>
      %swap3A_63 = arith.constant 16 : index
      %swap3A_64 = tpu.vector_load %arg15[%swap3A_63] {strides = array<i32>} : memref<80xi32, #tpu.memory_space<vmem>>, vector<16xi32>,
      %swap3A_65 = vector.shape_cast %swap3A_64 : vector<16xi32> to vector<16xi32>
      %swap3A_66 = vector.shape_cast %add3A_62 : vector<16xi32> to vector<16xi32>
      tpu.vector_store %arg15[%swap3A_63], %swap3A_66 {strides = array<i32>} : memref<80xi32, #tpu.memory_space<vmem>>, vector<16xi32>,
      %get3A_67 = arith.index_cast %scan3A_16 : i32 to index
      %get3A_68 = arith.constant 32 : index
      %get3A_69 = tpu.vector_load %arg10[%get3A_67, %get3A_68] {strides = array<i32>} : memref<62x80xi32, #tpu.memory_space<vmem>>, vector<1x16xi32>,
      %get3A_70 = vector.shape_cast %get3A_69 : vector<1x16xi32> to vector<16xi32>
      %mul3A_71 = arith.constant 2 : i32
      %mul3A_72 = vector.broadcast %mul3A_71 : i32 to vector<16xi32>
      %mul3A_73 = arith.muli %get3A_70, %mul3A_72 : vector<16xi32>
      %swap3A_74 = arith.constant 32 : index
      %swap3A_75 = tpu.vector_load %arg14[%swap3A_74] {strides = array<i32>} : memref<80xi32, #tpu.memory_space<vmem>>, vector<16xi32>,
      %swap3A_76 = vector.shape_cast %swap3A_75 : vector<16xi32> to vector<16xi32>
      %swap3A_77 = vector.shape_cast %mul3A_73 : vector<16xi32> to vector<16xi32>
      tpu.vector_store %arg14[%swap3A_74], %swap3A_77 {strides = array<i32>} : memref<80xi32, #tpu.memory_space<vmem>>, vector<16xi32>,
      %mul3A_78 = arith.constant 2 : i32
      %mul3A_79 = vector.broadcast %mul3A_78 : i32 to vector<16xi32>
      %mul3A_80 = arith.muli %get3A_70, %mul3A_79 : vector<16xi32>
      %add3A_81 = arith.constant 1 : i32
      %add3A_82 = vector.broadcast %add3A_81 : i32 to vector<16xi32>
      %add3A_83 = arith.addi %mul3A_80, %add3A_82 : vector<16xi32>
      %swap3A_84 = arith.constant 32 : index
      %swap3A_85 = tpu.vector_load %arg15[%swap3A_84] {strides = array<i32>} : memref<80xi32, #tpu.memory_space<vmem>>, vector<16xi32>,
      %swap3A_86 = vector.shape_cast %swap3A_85 : vector<16xi32> to vector<16xi32>
      %swap3A_87 = vector.shape_cast %add3A_83 : vector<16xi32> to vector<16xi32>
      tpu.vector_store %arg15[%swap3A_84], %swap3A_87 {strides = array<i32>} : memref<80xi32, #tpu.memory_space<vmem>>, vector<16xi32>,
      %get3A_88 = arith.index_cast %scan3A_16 : i32 to index
      %get3A_89 = arith.constant 48 : index
      %get3A_90 = tpu.vector_load %arg10[%get3A_88, %get3A_89] {strides = array<i32>} : memref<62x80xi32, #tpu.memory_space<vmem>>, vector<1x16xi32>,
      %get3A_91 = vector.shape_cast %get3A_90 : vector<1x16xi32> to vector<16xi32>
      %mul3A_92 = arith.constant 2 : i32
      %mul3A_93 = vector.broadcast %mul3A_92 : i32 to vector<16xi32>
      %mul3A_94 = arith.muli %get3A_91, %mul3A_93 : vector<16xi32>
      %swap3A_95 = arith.constant 48 : index
      %swap3A_96 = tpu.vector_load %arg14[%swap3A_95] {strides = array<i32>} : memref<80xi32, #tpu.memory_space<vmem>>, vector<16xi32>,
      %swap3A_97 = vector.shape_cast %swap3A_96 : vector<16xi32> to vector<16xi32>
      %swap3A_98 = vector.shape_cast %mul3A_94 : vector<16xi32> to vector<16xi32>
      tpu.vector_store %arg14[%swap3A_95], %swap3A_98 {strides = array<i32>} : memref<80xi32, #tpu.memory_space<vmem>>, vector<16xi32>,
      %mul3A_99 = arith.constant 2 : i32
      %mul3A_100 = vector.broadcast %mul3A_99 : i32 to vector<16xi32>
      %mul3A_101 = arith.muli %get3A_91, %mul3A_100 : vector<16xi32>
      %add3A_102 = arith.constant 1 : i32
      %add3A_103 = vector.broadcast %add3A_102 : i32 to vector<16xi32>
      %add3A_104 = arith.addi %mul3A_101, %add3A_103 : vector<16xi32>
      %swap3A_105 = arith.constant 48 : index
      %swap3A_106 = tpu.vector_load %arg15[%swap3A_105] {strides = array<i32>} : memref<80xi32, #tpu.memory_space<vmem>>, vector<16xi32>,
      %swap3A_107 = vector.shape_cast %swap3A_106 : vector<16xi32> to vector<16xi32>
      %swap3A_108 = vector.shape_cast %add3A_104 : vector<16xi32> to vector<16xi32>
      tpu.vector_store %arg15[%swap3A_105], %swap3A_108 {strides = array<i32>} : memref<80xi32, #tpu.memory_space<vmem>>, vector<16xi32>,
      %get3A_109 = arith.index_cast %scan3A_16 : i32 to index
      %get3A_110 = arith.constant 64 : index
      %get3A_111 = tpu.vector_load %arg10[%get3A_109, %get3A_110] {strides = array<i32>} : memref<62x80xi32, #tpu.memory_space<vmem>>, vector<1x16xi32>,
      %get3A_112 = vector.shape_cast %get3A_111 : vector<1x16xi32> to vector<16xi32>
      %mul3A_113 = arith.constant 2 : i32
      %mul3A_114 = vector.broadcast %mul3A_113 : i32 to vector<16xi32>
      %mul3A_115 = arith.muli %get3A_112, %mul3A_114 : vector<16xi32>
      %swap3A_116 = arith.constant 64 : index
      %swap3A_117 = tpu.vector_load %arg14[%swap3A_116] {strides = array<i32>} : memref<80xi32, #tpu.memory_space<vmem>>, vector<16xi32>,
      %swap3A_118 = vector.shape_cast %swap3A_117 : vector<16xi32> to vector<16xi32>
      %swap3A_119 = vector.shape_cast %mul3A_115 : vector<16xi32> to vector<16xi32>
      tpu.vector_store %arg14[%swap3A_116], %swap3A_119 {strides = array<i32>} : memref<80xi32, #tpu.memory_space<vmem>>, vector<16xi32>,
      %mul3A_120 = arith.constant 2 : i32
      %mul3A_121 = vector.broadcast %mul3A_120 : i32 to vector<16xi32>
      %mul3A_122 = arith.muli %get3A_112, %mul3A_121 : vector<16xi32>
      %add3A_123 = arith.constant 1 : i32
      %add3A_124 = vector.broadcast %add3A_123 : i32 to vector<16xi32>
      %add3A_125 = arith.addi %mul3A_122, %add3A_124 : vector<16xi32>
      %swap3A_126 = arith.constant 64 : index
      %swap3A_127 = tpu.vector_load %arg15[%swap3A_126] {strides = array<i32>} : memref<80xi32, #tpu.memory_space<vmem>>, vector<16xi32>,
      %swap3A_128 = vector.shape_cast %swap3A_127 : vector<16xi32> to vector<16xi32>
      %swap3A_129 = vector.shape_cast %add3A_125 : vector<16xi32> to vector<16xi32>
      tpu.vector_store %arg15[%swap3A_126], %swap3A_129 {strides = array<i32>} : memref<80xi32, #tpu.memory_space<vmem>>, vector<16xi32>,
      %dma_wait3A = arith.constant 0 : i32
      %dma_wait3A_130 = tpu.memref_slice %arg3[%add3A_19, %dma_wait3A] : memref<158720x128xf32, #tpu.memory_space<hbm>> -> memref<80x128xf32, #tpu.memory_space<hbm>>
      %dma_wait3A_131 = arith.constant 0 : i32
      %dma_wait3A_132 = tpu.memref_slice %arg3[%add3A_19, %dma_wait3A_131] : memref<158720x128xf32, #tpu.memory_space<hbm>> -> memref<80x128xf32, #tpu.memory_space<hbm>>
      tpu.wait_dma2 semaphore(%arg18 : memref<!tpu.dma_semaphore, #tpu.memory_space<semaphore_mem>>) src(%dma_wait3A_132 : memref<80x128xf32, #tpu.memory_space<hbm>>) dst(%arg11 : memref<80x128xf32, #tpu.memory_space<vmem>>)
      %dma_wait3A_133 = tpu.memref_slice %arg4[%add3A_19] : memref<158720xf32, #tpu.memory_space<hbm>> -> memref<80xf32, #tpu.memory_space<hbm>>
      %dma_wait3A_134 = tpu.memref_slice %arg4[%add3A_19] : memref<158720xf32, #tpu.memory_space<hbm>> -> memref<80xf32, #tpu.memory_space<hbm>>
      tpu.wait_dma2 semaphore(%arg19 : memref<!tpu.dma_semaphore, #tpu.memory_space<semaphore_mem>>) src(%dma_wait3A_134 : memref<80xf32, #tpu.memory_space<hbm>>) dst(%arg12 : memref<80xf32, #tpu.memory_space<vmem>>)
      %dma_wait3A_135 = tpu.memref_slice %arg5[%add3A_19] : memref<158720xf32, #tpu.memory_space<hbm>> -> memref<80xf32, #tpu.memory_space<hbm>>
      %dma_wait3A_136 = tpu.memref_slice %arg5[%add3A_19] : memref<158720xf32, #tpu.memory_space<hbm>> -> memref<80xf32, #tpu.memory_space<hbm>>
      tpu.wait_dma2 semaphore(%arg20 : memref<!tpu.dma_semaphore, #tpu.memory_space<semaphore_mem>>) src(%dma_wait3A_136 : memref<80xf32, #tpu.memory_space<hbm>>) dst(%arg13 : memref<80xf32, #tpu.memory_space<vmem>>)
      "tpu.region"() ({
        %run_scoped3A = tpu.sem_alloc : memref<!tpu.dma_semaphore, #tpu.memory_space<semaphore_mem>>
        %dma_start3A_137 = arith.constant 0 : i32
        %dma_start3A_138 = tpu.memref_slice %arg10[%scan3A_16, %dma_start3A_137] : memref<62x80xi32, #tpu.memory_space<vmem>> -> memref<1x80xi32, #tpu.memory_space<vmem>>
        %dma_start3A_139 = tpu.memref_squeeze %dma_start3A_138 : memref<1x80xi32, #tpu.memory_space<vmem>> -> memref<80xi32, #tpu.memory_space<vmem>>
        %dma_start3A_140 = arith.constant 0 : i32
        %dma_start3A_141 = arith.constant 0 : i32
        %dma_start3A_142 = tpu.memref_slice %arg16[%dma_start3A_140, %dma_start3A_141] : memref<10000x128xf32, #tpu.memory_space<vmem_shared>> -> memref<10000x128xf32, #tpu.memory_space<vmem_shared>>
        tpu.enqueue_indirect_dma source(%arg11 : memref<80x128xf32, #tpu.memory_space<vmem>>) target(%dma_start3A_142 : memref<10000x128xf32, #tpu.memory_space<vmem_shared>>) offsets(%dma_start3A_139 : memref<80xi32, #tpu.memory_space<vmem>>) semaphore(%run_scoped3A : memref<!tpu.dma_semaphore, #tpu.memory_space<semaphore_mem>>) {add = true}
        %dma_wait3A_143 = arith.constant 0 : i32
        %dma_wait3A_144 = tpu.memref_slice %arg10[%scan3A_16, %dma_wait3A_143] : memref<62x80xi32, #tpu.memory_space<vmem>> -> memref<1x80xi32, #tpu.memory_space<vmem>>
        %dma_wait3A_145 = tpu.memref_squeeze %dma_wait3A_144 : memref<1x80xi32, #tpu.memory_space<vmem>> -> memref<80xi32, #tpu.memory_space<vmem>>
        %dma_wait3A_146 = arith.constant 0 : i32
        %dma_wait3A_147 = arith.constant 0 : i32
        %dma_wait3A_148 = tpu.memref_slice %arg16[%dma_wait3A_146, %dma_wait3A_147] : memref<10000x128xf32, #tpu.memory_space<vmem_shared>> -> memref<10000x128xf32, #tpu.memory_space<vmem_shared>>
        tpu.wait_indirect_dma semaphore(%run_scoped3A : memref<!tpu.dma_semaphore, #tpu.memory_space<semaphore_mem>>) src(%arg11 : memref<80x128xf32, #tpu.memory_space<vmem>>) dst(%dma_wait3A_148 : memref<10000x128xf32, #tpu.memory_space<vmem_shared>>)
        tpu.yield
      }) : () -> ()
      "tpu.region"() ({
        %run_scoped3A = tpu.sem_alloc : memref<!tpu.dma_semaphore, #tpu.memory_space<semaphore_mem>>
        %dma_start3A_137 = arith.constant 0 : i32
        %dma_start3A_138 = tpu.memref_slice %arg17[%dma_start3A_137] : memref<20480xf32, #tpu.memory_space<vmem_shared>> -> memref<20480xf32, #tpu.memory_space<vmem_shared>>
        tpu.enqueue_indirect_dma source(%arg12 : memref<80xf32, #tpu.memory_space<vmem>>) target(%dma_start3A_138 : memref<20480xf32, #tpu.memory_space<vmem_shared>>) offsets(%arg14 : memref<80xi32, #tpu.memory_space<vmem>>) semaphore(%run_scoped3A : memref<!tpu.dma_semaphore, #tpu.memory_space<semaphore_mem>>) {add = true}
        %dma_wait3A_139 = arith.constant 0 : i32
        %dma_wait3A_140 = tpu.memref_slice %arg17[%dma_wait3A_139] : memref<20480xf32, #tpu.memory_space<vmem_shared>> -> memref<20480xf32, #tpu.memory_space<vmem_shared>>
        tpu.wait_indirect_dma semaphore(%run_scoped3A : memref<!tpu.dma_semaphore, #tpu.memory_space<semaphore_mem>>) src(%arg12 : memref<80xf32, #tpu.memory_space<vmem>>) dst(%dma_wait3A_140 : memref<20480xf32, #tpu.memory_space<vmem_shared>>)
        tpu.yield
      }) : () -> ()
      "tpu.region"() ({
        %run_scoped3A = tpu.sem_alloc : memref<!tpu.dma_semaphore, #tpu.memory_space<semaphore_mem>>
        %dma_start3A_137 = arith.constant 0 : i32
        %dma_start3A_138 = tpu.memref_slice %arg17[%dma_start3A_137] : memref<20480xf32, #tpu.memory_space<vmem_shared>> -> memref<20480xf32, #tpu.memory_space<vmem_shared>>
        tpu.enqueue_indirect_dma source(%arg13 : memref<80xf32, #tpu.memory_space<vmem>>) target(%dma_start3A_138 : memref<20480xf32, #tpu.memory_space<vmem_shared>>) offsets(%arg15 : memref<80xi32, #tpu.memory_space<vmem>>) semaphore(%run_scoped3A : memref<!tpu.dma_semaphore, #tpu.memory_space<semaphore_mem>>) {add = true}
        %dma_wait3A_139 = arith.constant 0 : i32
        %dma_wait3A_140 = tpu.memref_slice %arg17[%dma_wait3A_139] : memref<20480xf32, #tpu.memory_space<vmem_shared>> -> memref<20480xf32, #tpu.memory_space<vmem_shared>>
        tpu.wait_indirect_dma semaphore(%run_scoped3A : memref<!tpu.dma_semaphore, #tpu.memory_space<semaphore_mem>>) src(%arg13 : memref<80xf32, #tpu.memory_space<vmem>>) dst(%dma_wait3A_140 : memref<20480xf32, #tpu.memory_space<vmem_shared>>)
        tpu.yield
      }) : () -> ()
    }
    %scan3A_9 = arith.constant 62 : i32
    %barrier3A_10 = arith.constant 0 : index
    tpu.barrier barrier_id(%barrier3A_10)
    %eq3A_11 = arith.constant 0 : i32
    %eq3A_12 = arith.cmpi eq, %arg1, %eq3A_11 : i32
    %convert_element_type3A_13 = arith.extui %eq3A_12 : i1 to i32
    %cond3A_14 = arith.constant 0 : i32
    %cond3A_15 = arith.cmpi ne, %convert_element_type3A_13, %cond3A_14 : i32
    scf.if %cond3A_15 {
      "tpu.region"() ({
        %run_scoped3A = tpu.sem_alloc : memref<!tpu.dma_semaphore, #tpu.memory_space<semaphore_mem>>
        %dma_start3A = arith.constant 0 : i32
        %dma_start3A_18 = arith.constant 0 : i32
        %dma_start3A_19 = tpu.memref_slice %arg8[%arg0, %dma_start3A, %dma_start3A_18] : memref<2x10000x128xf32, #tpu.memory_space<hbm>> -> memref<1x10000x128xf32, #tpu.memory_space<hbm>>
        %dma_start3A_20 = tpu.memref_squeeze %dma_start3A_19 : memref<1x10000x128xf32, #tpu.memory_space<hbm>> -> memref<10000x128xf32, #tpu.memory_space<hbm>>
        tpu.enqueue_dma source(%arg16 : memref<10000x128xf32, #tpu.memory_space<vmem_shared>>) target(%dma_start3A_20 : memref<10000x128xf32, #tpu.memory_space<hbm>>) target_semaphore(%run_scoped3A : memref<!tpu.dma_semaphore, #tpu.memory_space<semaphore_mem>>)
        %dma_wait3A = arith.constant 0 : i32
        %dma_wait3A_21 = arith.constant 0 : i32
        %dma_wait3A_22 = tpu.memref_slice %arg8[%arg0, %dma_wait3A, %dma_wait3A_21] : memref<2x10000x128xf32, #tpu.memory_space<hbm>> -> memref<1x10000x128xf32, #tpu.memory_space<hbm>>
        %dma_wait3A_23 = tpu.memref_squeeze %dma_wait3A_22 : memref<1x10000x128xf32, #tpu.memory_space<hbm>> -> memref<10000x128xf32, #tpu.memory_space<hbm>>
        tpu.wait_dma2 semaphore(%run_scoped3A : memref<!tpu.dma_semaphore, #tpu.memory_space<semaphore_mem>>) src(%arg16 : memref<10000x128xf32, #tpu.memory_space<vmem_shared>>) dst(%dma_wait3A_23 : memref<10000x128xf32, #tpu.memory_space<hbm>>)
        tpu.yield
      }) : () -> ()
      %mul3A_16 = arith.constant 20480 : i32
      %mul3A_17 = arith.muli %arg0, %mul3A_16 : i32
      "tpu.region"() ({
        %run_scoped3A = tpu.sem_alloc : memref<!tpu.dma_semaphore, #tpu.memory_space<semaphore_mem>>
        %dma_start3A = tpu.memref_slice %arg9[%mul3A_17] : memref<40960xf32, #tpu.memory_space<hbm>> -> memref<20480xf32, #tpu.memory_space<hbm>>
        tpu.enqueue_dma source(%arg17 : memref<20480xf32, #tpu.memory_space<vmem_shared>>) target(%dma_start3A : memref<20480xf32, #tpu.memory_space<hbm>>) target_semaphore(%run_scoped3A : memref<!tpu.dma_semaphore, #tpu.memory_space<semaphore_mem>>)
        %dma_wait3A = tpu.memref_slice %arg9[%mul3A_17] : memref<40960xf32, #tpu.memory_space<hbm>> -> memref<20480xf32, #tpu.memory_space<hbm>>
        tpu.wait_dma2 semaphore(%run_scoped3A : memref<!tpu.dma_semaphore, #tpu.memory_space<semaphore_mem>>) src(%arg17 : memref<20480xf32, #tpu.memory_space<vmem_shared>>) dst(%dma_wait3A : memref<20480xf32, #tpu.memory_space<hbm>>)
        tpu.yield
      }) : () -> ()
    } else {
    }
    return
  }
}

module attributes {stable_mosaic.version = 14 : i64} {
  func.func @_node_body(%arg0: i32, %arg1: memref<1000x128xf32, #tpu.memory_space<vmem>>, %arg2: memref<1000x128xf32, #tpu.memory_space<vmem>>, %arg3: memref<1000x256xf32, #tpu.memory_space<vmem>>, %arg4: memref<1000x128xf32, #tpu.memory_space<vmem>>, %arg5: memref<1000x8xf32, #tpu.memory_space<vmem>>, %arg6: memref<288x384xf32, #tpu.memory_space<vmem>>, %arg7: memref<128x384xf32, #tpu.memory_space<vmem>>, %arg8: memref<1x384xf32, #tpu.memory_space<vmem>>, %arg9: memref<1x384xf32, #tpu.memory_space<vmem>>, %arg10: memref<128x128xf32, #tpu.memory_space<vmem>>, %arg11: memref<1x128xf32, #tpu.memory_space<vmem>>, %arg12: memref<1x32xf32, #tpu.memory_space<vmem>>, %arg13: memref<1x32xf32, #tpu.memory_space<vmem>>, %arg14: memref<1x128xf32, #tpu.memory_space<vmem>>, %arg15: memref<1x128xf32, #tpu.memory_space<vmem>>, %arg16: memref<256x128xf32, #tpu.memory_space<vmem>>, %arg17: memref<1x128xf32, #tpu.memory_space<vmem>>, %arg18: memref<128x128xf32, #tpu.memory_space<vmem>>, %arg19: memref<1x128xf32, #tpu.memory_space<vmem>>, %arg20: memref<128x256xf32, #tpu.memory_space<vmem>>, %arg21: memref<128x224xf32, #tpu.memory_space<vmem>>, %arg22: memref<1x128xf32, #tpu.memory_space<vmem>>, %arg23: memref<1000x128xf32, #tpu.memory_space<vmem>>, %arg24: memref<1000x256xf32, #tpu.memory_space<vmem>>, %arg25: memref<1000x256xf32, #tpu.memory_space<vmem>>) attributes {dimension_semantics = [#tpu.dimension_semantics<arbitrary>], iteration_bounds = array<i64: 10>, scalar_prefetch = 0 : i64, scratch_operands = 0 : i64, tpu.core_type = #tpu.core_type<tc>, window_params = [{transform_indices = @transform_0, window_bounds = array<i64: 1000, 128>}, {transform_indices = @transform_1, window_bounds = array<i64: 1000, 128>}, {transform_indices = @transform_2, window_bounds = array<i64: 1000, 256>}, {transform_indices = @transform_3, window_bounds = array<i64: 1000, 128>}, {transform_indices = @transform_4, window_bounds = array<i64: 1000, 8>}, {pipeline_mode = #tpu.pipeline_mode<synchronous>, transform_indices = @transform_5, window_bounds = array<i64: 288, 384>}, {pipeline_mode = #tpu.pipeline_mode<synchronous>, transform_indices = @transform_6, window_bounds = array<i64: 128, 384>}, {pipeline_mode = #tpu.pipeline_mode<synchronous>, transform_indices = @transform_7, window_bounds = array<i64: 1, 384>}, {pipeline_mode = #tpu.pipeline_mode<synchronous>, transform_indices = @transform_8, window_bounds = array<i64: 1, 384>}, {pipeline_mode = #tpu.pipeline_mode<synchronous>, transform_indices = @transform_9, window_bounds = array<i64: 128, 128>}, {pipeline_mode = #tpu.pipeline_mode<synchronous>, transform_indices = @transform_10, window_bounds = array<i64: 1, 128>}, {pipeline_mode = #tpu.pipeline_mode<synchronous>, transform_indices = @transform_11, window_bounds = array<i64: 1, 32>}, {pipeline_mode = #tpu.pipeline_mode<synchronous>, transform_indices = @transform_12, window_bounds = array<i64: 1, 32>}, {pipeline_mode = #tpu.pipeline_mode<synchronous>, transform_indices = @transform_13, window_bounds = array<i64: 1, 128>}, {pipeline_mode = #tpu.pipeline_mode<synchronous>, transform_indices = @transform_14, window_bounds = array<i64: 1, 128>}, {pipeline_mode = #tpu.pipeline_mode<synchronous>, transform_indices = @transform_15, window_bounds = array<i64: 256, 128>}, {pipeline_mode = #tpu.pipeline_mode<synchronous>, transform_indices = @transform_16, window_bounds = array<i64: 1, 128>}, {pipeline_mode = #tpu.pipeline_mode<synchronous>, transform_indices = @transform_17, window_bounds = array<i64: 128, 128>}, {pipeline_mode = #tpu.pipeline_mode<synchronous>, transform_indices = @transform_18, window_bounds = array<i64: 1, 128>}, {pipeline_mode = #tpu.pipeline_mode<synchronous>, transform_indices = @transform_19, window_bounds = array<i64: 128, 256>}, {pipeline_mode = #tpu.pipeline_mode<synchronous>, transform_indices = @transform_20, window_bounds = array<i64: 128, 224>}, {pipeline_mode = #tpu.pipeline_mode<synchronous>, transform_indices = @transform_21, window_bounds = array<i64: 1, 128>}, {transform_indices = @transform_22, window_bounds = array<i64: 1000, 128>}, {transform_indices = @transform_23, window_bounds = array<i64: 1000, 256>}, {transform_indices = @transform_24, window_bounds = array<i64: 1000, 256>}]} {
    %get3A = arith.constant 0 : index
    %get3A_0 = arith.constant 0 : index
    %get3A_1 = vector.load %arg5[%get3A, %get3A_0] : memref<1000x8xf32, #tpu.memory_space<vmem>>, vector<1000x1xf32>
    %get3A_2 = arith.constant 0 : index
    %get3A_3 = arith.constant 1 : index
    %get3A_4 = vector.load %arg5[%get3A_2, %get3A_3] : memref<1000x8xf32, #tpu.memory_space<vmem>>, vector<1000x1xf32>
    %get3A_5 = arith.constant 0 : index
    %get3A_6 = arith.constant 2 : index
    %get3A_7 = vector.load %arg5[%get3A_5, %get3A_6] : memref<1000x8xf32, #tpu.memory_space<vmem>>, vector<1000x1xf32>
    %get3A_8 = arith.constant 0 : index
    %get3A_9 = arith.constant 3 : index
    %get3A_10 = vector.load %arg5[%get3A_8, %get3A_9] : memref<1000x8xf32, #tpu.memory_space<vmem>>, vector<1000x1xf32>
    %get3A_11 = arith.constant 0 : index
    %get3A_12 = arith.constant 4 : index
    %get3A_13 = vector.load %arg5[%get3A_11, %get3A_12] : memref<1000x8xf32, #tpu.memory_space<vmem>>, vector<1000x1xf32>
    %sub3A = arith.subf %get3A_4, %get3A_1 : vector<1000x1xf32>
    %get3A_14 = arith.constant 0 : index
    %get3A_15 = arith.constant 0 : index
    %get3A_16 = vector.load %arg12[%get3A_14, %get3A_15] : memref<1x32xf32, #tpu.memory_space<vmem>>, vector<1x32xf32>
    %dot_general3A = arith.constant dense<0.000000e+00> : vector<1000x32xf32>
    %dot_general3A_17 = tpu.matmul %sub3A, %get3A_16, %dot_general3A {dimension_numbers = #tpu.dot_dimension_numbers<[1], [0], [0], [1], [0, 0, 1, 1], [], []>, transpose_lhs_hint = false} : vector<1000x1xf32>, vector<1x32xf32>, vector<1000x32xf32> -> vector<1000x32xf32>
    %get3A_18 = arith.constant 0 : index
    %get3A_19 = arith.constant 0 : index
    %get3A_20 = vector.load %arg13[%get3A_18, %get3A_19] : memref<1x32xf32, #tpu.memory_space<vmem>>, vector<1x32xf32>
    %add3A = vector.broadcast %get3A_20 : vector<1x32xf32> to vector<1000x32xf32>
    %add3A_21 = arith.addf %dot_general3A_17, %add3A : vector<1000x32xf32>
    %mul3A = arith.constant 0.159154937 : f32
    %mul3A_22 = vector.broadcast %mul3A : f32 to vector<1000x32xf32>
    %mul3A_23 = arith.mulf %add3A_21, %mul3A_22 : vector<1000x32xf32>
    %add3A_24 = arith.constant 0x4B400000 : f32
    %add3A_25 = vector.broadcast %add3A_24 : f32 to vector<1000x32xf32>
    %add3A_26 = arith.addf %mul3A_23, %add3A_25 : vector<1000x32xf32>
    %sub3A_27 = arith.constant 0x4B400000 : f32
    %sub3A_28 = vector.broadcast %sub3A_27 : f32 to vector<1000x32xf32>
    %sub3A_29 = arith.subf %add3A_26, %sub3A_28 : vector<1000x32xf32>
    %mul3A_30 = arith.constant 6.281250e+00 : f32
    %mul3A_31 = vector.broadcast %mul3A_30 : f32 to vector<1000x32xf32>
    %mul3A_32 = arith.mulf %sub3A_29, %mul3A_31 : vector<1000x32xf32>
    %sub3A_33 = arith.subf %add3A_21, %mul3A_32 : vector<1000x32xf32>
    %mul3A_34 = arith.constant 0.00193530717 : f32
    %mul3A_35 = vector.broadcast %mul3A_34 : f32 to vector<1000x32xf32>
    %mul3A_36 = arith.mulf %sub3A_29, %mul3A_35 : vector<1000x32xf32>
    %sub3A_37 = arith.subf %sub3A_33, %mul3A_36 : vector<1000x32xf32>
    %mul3A_38 = arith.constant 1.02531317E-11 : f32
    %mul3A_39 = vector.broadcast %mul3A_38 : f32 to vector<1000x32xf32>
    %mul3A_40 = arith.mulf %sub3A_29, %mul3A_39 : vector<1000x32xf32>
    %sub3A_41 = arith.subf %sub3A_37, %mul3A_40 : vector<1000x32xf32>
    %mul3A_42 = arith.mulf %sub3A_41, %sub3A_41 : vector<1000x32xf32>
    %mul3A_43 = arith.constant 4.12447854E-14 : f32
    %mul3A_44 = vector.broadcast %mul3A_43 : f32 to vector<1000x32xf32>
    %mul3A_45 = arith.mulf %mul3A_44, %mul3A_42 : vector<1000x32xf32>
    %add3A_46 = arith.constant -1.13527313E-11 : f32
    %add3A_47 = vector.broadcast %add3A_46 : f32 to vector<1000x32xf32>
    %add3A_48 = arith.addf %mul3A_45, %add3A_47 : vector<1000x32xf32>
    %mul3A_49 = arith.mulf %add3A_48, %mul3A_42 : vector<1000x32xf32>
    %add3A_50 = arith.constant 2.08653628E-9 : f32
    %add3A_51 = vector.broadcast %add3A_50 : f32 to vector<1000x32xf32>
    %add3A_52 = arith.addf %mul3A_49, %add3A_51 : vector<1000x32xf32>
    %mul3A_53 = arith.mulf %add3A_52, %mul3A_42 : vector<1000x32xf32>
    %add3A_54 = arith.constant -2.75567515E-7 : f32
    %add3A_55 = vector.broadcast %add3A_54 : f32 to vector<1000x32xf32>
    %add3A_56 = arith.addf %mul3A_53, %add3A_55 : vector<1000x32xf32>
    %mul3A_57 = arith.mulf %add3A_56, %mul3A_42 : vector<1000x32xf32>
    %add3A_58 = arith.constant 2.48015858E-5 : f32
    %add3A_59 = vector.broadcast %add3A_58 : f32 to vector<1000x32xf32>
    %add3A_60 = arith.addf %mul3A_57, %add3A_59 : vector<1000x32xf32>
    %mul3A_61 = arith.mulf %add3A_60, %mul3A_42 : vector<1000x32xf32>
    %add3A_62 = arith.constant -0.00138888916 : f32
    %add3A_63 = vector.broadcast %add3A_62 : f32 to vector<1000x32xf32>
    %add3A_64 = arith.addf %mul3A_61, %add3A_63 : vector<1000x32xf32>
    %mul3A_65 = arith.mulf %add3A_64, %mul3A_42 : vector<1000x32xf32>
    %add3A_66 = arith.constant 0.0416666679 : f32
    %add3A_67 = vector.broadcast %add3A_66 : f32 to vector<1000x32xf32>
    %add3A_68 = arith.addf %mul3A_65, %add3A_67 : vector<1000x32xf32>
    %mul3A_69 = arith.mulf %add3A_68, %mul3A_42 : vector<1000x32xf32>
    %add3A_70 = arith.constant -5.000000e-01 : f32
    %add3A_71 = vector.broadcast %add3A_70 : f32 to vector<1000x32xf32>
    %add3A_72 = arith.addf %mul3A_69, %add3A_71 : vector<1000x32xf32>
    %mul3A_73 = arith.mulf %add3A_72, %mul3A_42 : vector<1000x32xf32>
    %add3A_74 = arith.constant 1.000000e+00 : f32
    %add3A_75 = vector.broadcast %add3A_74 : f32 to vector<1000x32xf32>
    %add3A_76 = arith.addf %mul3A_73, %add3A_75 : vector<1000x32xf32>
    %get3A_77 = arith.constant 0 : index
    %get3A_78 = arith.constant 0 : index
    %get3A_79 = vector.load %arg3[%get3A_77, %get3A_78] : memref<1000x256xf32, #tpu.memory_space<vmem>>, vector<1000x256xf32>
    %concatenate3A = tpu.concatenate %get3A_79, %add3A_76 in 1 : vector<1000x256xf32>, vector<1000x32xf32> -> vector<1000x288xf32>
    %get3A_80 = arith.constant 0 : index
    %get3A_81 = arith.constant 0 : index
    %get3A_82 = vector.load %arg6[%get3A_80, %get3A_81] : memref<288x384xf32, #tpu.memory_space<vmem>>, vector<288x384xf32>
    %dot_general3A_83 = arith.constant dense<0.000000e+00> : vector<1000x384xf32>
    %dot_general3A_84 = tpu.matmul %concatenate3A, %get3A_82, %dot_general3A_83 {dimension_numbers = #tpu.dot_dimension_numbers<[1], [0], [0], [1], [0, 0, 1, 1], [], []>, transpose_lhs_hint = false} : vector<1000x288xf32>, vector<288x384xf32>, vector<1000x384xf32> -> vector<1000x384xf32>
    %get3A_85 = arith.constant 0 : index
    %get3A_86 = arith.constant 0 : index
    %get3A_87 = vector.load %arg8[%get3A_85, %get3A_86] : memref<1x384xf32, #tpu.memory_space<vmem>>, vector<1x384xf32>
    %add3A_88 = vector.broadcast %get3A_87 : vector<1x384xf32> to vector<1000x384xf32>
    %add3A_89 = arith.addf %dot_general3A_84, %add3A_88 : vector<1000x384xf32>
    %get3A_90 = arith.constant 0 : index
    %get3A_91 = arith.constant 0 : index
    %get3A_92 = vector.load %arg2[%get3A_90, %get3A_91] : memref<1000x128xf32, #tpu.memory_space<vmem>>, vector<1000x128xf32>
    %get3A_93 = arith.constant 0 : index
    %get3A_94 = arith.constant 0 : index
    %get3A_95 = vector.load %arg7[%get3A_93, %get3A_94] : memref<128x384xf32, #tpu.memory_space<vmem>>, vector<128x384xf32>
    %dot_general3A_96 = arith.constant dense<0.000000e+00> : vector<1000x384xf32>
    %dot_general3A_97 = tpu.matmul %get3A_92, %get3A_95, %dot_general3A_96 {dimension_numbers = #tpu.dot_dimension_numbers<[1], [0], [0], [1], [0, 0, 1, 1], [], []>, transpose_lhs_hint = false} : vector<1000x128xf32>, vector<128x384xf32>, vector<1000x384xf32> -> vector<1000x384xf32>
    %get3A_98 = arith.constant 0 : index
    %get3A_99 = arith.constant 0 : index
    %get3A_100 = vector.load %arg9[%get3A_98, %get3A_99] : memref<1x384xf32, #tpu.memory_space<vmem>>, vector<1x384xf32>
    %add3A_101 = vector.broadcast %get3A_100 : vector<1x384xf32> to vector<1000x384xf32>
    %add3A_102 = arith.addf %dot_general3A_97, %add3A_101 : vector<1000x384xf32>
    %slice3A = vector.extract_strided_slice %add3A_89 {offsets = [0, 0], sizes = [1000, 128], strides = [1, 1]} : vector<1000x384xf32> to vector<1000x128xf32>
    %slice3A_103 = vector.extract_strided_slice %add3A_102 {offsets = [0, 0], sizes = [1000, 128], strides = [1, 1]} : vector<1000x384xf32> to vector<1000x128xf32>
    %add3A_104 = arith.addf %slice3A, %slice3A_103 : vector<1000x128xf32>
    %logistic3A = arith.negf %add3A_104 : vector<1000x128xf32>
    %logistic3A_105 = math.exp %logistic3A : vector<1000x128xf32>
    %logistic3A_106 = arith.constant 1.000000e+00 : f32
    %logistic3A_107 = vector.broadcast %logistic3A_106 : f32 to vector<1000x128xf32>
    %logistic3A_108 = arith.addf %logistic3A_107, %logistic3A_105 : vector<1000x128xf32>
    %logistic3A_109 = arith.divf %logistic3A_107, %logistic3A_108 : vector<1000x128xf32>
    %slice3A_110 = vector.extract_strided_slice %add3A_89 {offsets = [0, 128], sizes = [1000, 128], strides = [1, 1]} : vector<1000x384xf32> to vector<1000x128xf32>
    %slice3A_111 = vector.extract_strided_slice %add3A_102 {offsets = [0, 128], sizes = [1000, 128], strides = [1, 1]} : vector<1000x384xf32> to vector<1000x128xf32>
    %add3A_112 = arith.addf %slice3A_110, %slice3A_111 : vector<1000x128xf32>
    %logistic3A_113 = arith.negf %add3A_112 : vector<1000x128xf32>
    %logistic3A_114 = math.exp %logistic3A_113 : vector<1000x128xf32>
    %logistic3A_115 = arith.constant 1.000000e+00 : f32
    %logistic3A_116 = vector.broadcast %logistic3A_115 : f32 to vector<1000x128xf32>
    %logistic3A_117 = arith.addf %logistic3A_116, %logistic3A_114 : vector<1000x128xf32>
    %logistic3A_118 = arith.divf %logistic3A_116, %logistic3A_117 : vector<1000x128xf32>
    %slice3A_119 = vector.extract_strided_slice %add3A_89 {offsets = [0, 256], sizes = [1000, 128], strides = [1, 1]} : vector<1000x384xf32> to vector<1000x128xf32>
    %slice3A_120 = vector.extract_strided_slice %add3A_102 {offsets = [0, 256], sizes = [1000, 128], strides = [1, 1]} : vector<1000x384xf32> to vector<1000x128xf32>
    %mul3A_121 = arith.mulf %logistic3A_109, %slice3A_120 : vector<1000x128xf32>
    %add3A_122 = arith.addf %slice3A_119, %mul3A_121 : vector<1000x128xf32>
    %tanh3A = math.tanh %add3A_122 : vector<1000x128xf32>
    %sub3A_123 = arith.constant 1.000000e+00 : f32
    %sub3A_124 = vector.broadcast %sub3A_123 : f32 to vector<1000x128xf32>
    %sub3A_125 = arith.subf %sub3A_124, %logistic3A_118 : vector<1000x128xf32>
    %mul3A_126 = arith.mulf %sub3A_125, %tanh3A : vector<1000x128xf32>
    %get3A_127 = arith.constant 0 : index
    %get3A_128 = arith.constant 0 : index
    %get3A_129 = vector.load %arg2[%get3A_127, %get3A_128] : memref<1000x128xf32, #tpu.memory_space<vmem>>, vector<1000x128xf32>
    %mul3A_130 = arith.mulf %logistic3A_118, %get3A_129 : vector<1000x128xf32>
    %add3A_131 = arith.addf %mul3A_126, %mul3A_130 : vector<1000x128xf32>
    %get3A_132 = arith.constant 0 : index
    %get3A_133 = arith.constant 0 : index
    %get3A_134 = vector.load %arg1[%get3A_132, %get3A_133] : memref<1000x128xf32, #tpu.memory_space<vmem>>, vector<1000x128xf32>
    %get3A_135 = arith.constant 0 : index
    %get3A_136 = arith.constant 0 : index
    %get3A_137 = vector.load %arg10[%get3A_135, %get3A_136] : memref<128x128xf32, #tpu.memory_space<vmem>>, vector<128x128xf32>
    %dot_general3A_138 = arith.constant dense<0.000000e+00> : vector<1000x128xf32>
    %dot_general3A_139 = tpu.matmul %get3A_134, %get3A_137, %dot_general3A_138 {dimension_numbers = #tpu.dot_dimension_numbers<[1], [0], [0], [1], [0, 0, 1, 1], [], []>, transpose_lhs_hint = false} : vector<1000x128xf32>, vector<128x128xf32>, vector<1000x128xf32> -> vector<1000x128xf32>
    %add3A_140 = arith.addf %add3A_131, %dot_general3A_139 : vector<1000x128xf32>
    %get3A_141 = arith.constant 0 : index
    %get3A_142 = arith.constant 0 : index
    %get3A_143 = vector.load %arg11[%get3A_141, %get3A_142] : memref<1x128xf32, #tpu.memory_space<vmem>>, vector<1x128xf32>
    %add3A_144 = vector.broadcast %get3A_143 : vector<1x128xf32> to vector<1000x128xf32>
    %add3A_145 = arith.addf %add3A_140, %add3A_144 : vector<1000x128xf32>
    %sub3A_146 = arith.subf %get3A_7, %get3A_10 : vector<1000x1xf32>
    %max3A = arith.constant 0.000000e+00 : f32
    %max3A_147 = vector.broadcast %max3A : f32 to vector<1000x1xf32>
    %max3A_148 = arith.maximumf %sub3A_146, %max3A_147 : vector<1000x1xf32>
    %get3A_149 = arith.constant 0 : index
    %get3A_150 = arith.constant 0 : index
    %get3A_151 = vector.load %arg14[%get3A_149, %get3A_150] : memref<1x128xf32, #tpu.memory_space<vmem>>, vector<1x128xf32>
    %dot_general3A_152 = arith.constant dense<0.000000e+00> : vector<1000x128xf32>
    %dot_general3A_153 = tpu.matmul %max3A_148, %get3A_151, %dot_general3A_152 {dimension_numbers = #tpu.dot_dimension_numbers<[1], [0], [0], [1], [0, 0, 1, 1], [], []>, transpose_lhs_hint = false} : vector<1000x1xf32>, vector<1x128xf32>, vector<1000x128xf32> -> vector<1000x128xf32>
    %get3A_154 = arith.constant 0 : index
    %get3A_155 = arith.constant 0 : index
    %get3A_156 = vector.load %arg15[%get3A_154, %get3A_155] : memref<1x128xf32, #tpu.memory_space<vmem>>, vector<1x128xf32>
    %add3A_157 = vector.broadcast %get3A_156 : vector<1x128xf32> to vector<1000x128xf32>
    %add3A_158 = arith.addf %dot_general3A_153, %add3A_157 : vector<1000x128xf32>
    %mul3A_159 = arith.constant 0.159154937 : f32
    %mul3A_160 = vector.broadcast %mul3A_159 : f32 to vector<1000x128xf32>
    %mul3A_161 = arith.mulf %add3A_158, %mul3A_160 : vector<1000x128xf32>
    %add3A_162 = arith.constant 0x4B400000 : f32
    %add3A_163 = vector.broadcast %add3A_162 : f32 to vector<1000x128xf32>
    %add3A_164 = arith.addf %mul3A_161, %add3A_163 : vector<1000x128xf32>
    %sub3A_165 = arith.constant 0x4B400000 : f32
    %sub3A_166 = vector.broadcast %sub3A_165 : f32 to vector<1000x128xf32>
    %sub3A_167 = arith.subf %add3A_164, %sub3A_166 : vector<1000x128xf32>
    %mul3A_168 = arith.constant 6.281250e+00 : f32
    %mul3A_169 = vector.broadcast %mul3A_168 : f32 to vector<1000x128xf32>
    %mul3A_170 = arith.mulf %sub3A_167, %mul3A_169 : vector<1000x128xf32>
    %sub3A_171 = arith.subf %add3A_158, %mul3A_170 : vector<1000x128xf32>
    %mul3A_172 = arith.constant 0.00193530717 : f32
    %mul3A_173 = vector.broadcast %mul3A_172 : f32 to vector<1000x128xf32>
    %mul3A_174 = arith.mulf %sub3A_167, %mul3A_173 : vector<1000x128xf32>
    %sub3A_175 = arith.subf %sub3A_171, %mul3A_174 : vector<1000x128xf32>
    %mul3A_176 = arith.constant 1.02531317E-11 : f32
    %mul3A_177 = vector.broadcast %mul3A_176 : f32 to vector<1000x128xf32>
    %mul3A_178 = arith.mulf %sub3A_167, %mul3A_177 : vector<1000x128xf32>
    %sub3A_179 = arith.subf %sub3A_175, %mul3A_178 : vector<1000x128xf32>
    %mul3A_180 = arith.mulf %sub3A_179, %sub3A_179 : vector<1000x128xf32>
    %mul3A_181 = arith.constant 4.12447854E-14 : f32
    %mul3A_182 = vector.broadcast %mul3A_181 : f32 to vector<1000x128xf32>
    %mul3A_183 = arith.mulf %mul3A_182, %mul3A_180 : vector<1000x128xf32>
    %add3A_184 = arith.constant -1.13527313E-11 : f32
    %add3A_185 = vector.broadcast %add3A_184 : f32 to vector<1000x128xf32>
    %add3A_186 = arith.addf %mul3A_183, %add3A_185 : vector<1000x128xf32>
    %mul3A_187 = arith.mulf %add3A_186, %mul3A_180 : vector<1000x128xf32>
    %add3A_188 = arith.constant 2.08653628E-9 : f32
    %add3A_189 = vector.broadcast %add3A_188 : f32 to vector<1000x128xf32>
    %add3A_190 = arith.addf %mul3A_187, %add3A_189 : vector<1000x128xf32>
    %mul3A_191 = arith.mulf %add3A_190, %mul3A_180 : vector<1000x128xf32>
    %add3A_192 = arith.constant -2.75567515E-7 : f32
    %add3A_193 = vector.broadcast %add3A_192 : f32 to vector<1000x128xf32>
    %add3A_194 = arith.addf %mul3A_191, %add3A_193 : vector<1000x128xf32>
    %mul3A_195 = arith.mulf %add3A_194, %mul3A_180 : vector<1000x128xf32>
    %add3A_196 = arith.constant 2.48015858E-5 : f32
    %add3A_197 = vector.broadcast %add3A_196 : f32 to vector<1000x128xf32>
    %add3A_198 = arith.addf %mul3A_195, %add3A_197 : vector<1000x128xf32>
    %mul3A_199 = arith.mulf %add3A_198, %mul3A_180 : vector<1000x128xf32>
    %add3A_200 = arith.constant -0.00138888916 : f32
    %add3A_201 = vector.broadcast %add3A_200 : f32 to vector<1000x128xf32>
    %add3A_202 = arith.addf %mul3A_199, %add3A_201 : vector<1000x128xf32>
    %mul3A_203 = arith.mulf %add3A_202, %mul3A_180 : vector<1000x128xf32>
    %add3A_204 = arith.constant 0.0416666679 : f32
    %add3A_205 = vector.broadcast %add3A_204 : f32 to vector<1000x128xf32>
    %add3A_206 = arith.addf %mul3A_203, %add3A_205 : vector<1000x128xf32>
    %mul3A_207 = arith.mulf %add3A_206, %mul3A_180 : vector<1000x128xf32>
    %add3A_208 = arith.constant -5.000000e-01 : f32
    %add3A_209 = vector.broadcast %add3A_208 : f32 to vector<1000x128xf32>
    %add3A_210 = arith.addf %mul3A_207, %add3A_209 : vector<1000x128xf32>
    %mul3A_211 = arith.mulf %add3A_210, %mul3A_180 : vector<1000x128xf32>
    %add3A_212 = arith.constant 1.000000e+00 : f32
    %add3A_213 = vector.broadcast %add3A_212 : f32 to vector<1000x128xf32>
    %add3A_214 = arith.addf %mul3A_211, %add3A_213 : vector<1000x128xf32>
    %get3A_215 = arith.constant 0 : index
    %get3A_216 = arith.constant 0 : index
    %get3A_217 = vector.load %arg4[%get3A_215, %get3A_216] : memref<1000x128xf32, #tpu.memory_space<vmem>>, vector<1000x128xf32>
    %concatenate3A_218 = tpu.concatenate %get3A_217, %add3A_214 in 1 : vector<1000x128xf32>, vector<1000x128xf32> -> vector<1000x256xf32>
    %get3A_219 = arith.constant 0 : index
    %get3A_220 = arith.constant 0 : index
    %get3A_221 = vector.load %arg16[%get3A_219, %get3A_220] : memref<256x128xf32, #tpu.memory_space<vmem>>, vector<256x128xf32>
    %dot_general3A_222 = arith.constant dense<0.000000e+00> : vector<1000x128xf32>
    %dot_general3A_223 = tpu.matmul %concatenate3A_218, %get3A_221, %dot_general3A_222 {dimension_numbers = #tpu.dot_dimension_numbers<[1], [0], [0], [1], [0, 0, 1, 1], [], []>, transpose_lhs_hint = false} : vector<1000x256xf32>, vector<256x128xf32>, vector<1000x128xf32> -> vector<1000x128xf32>
    %get3A_224 = arith.constant 0 : index
    %get3A_225 = arith.constant 0 : index
    %get3A_226 = vector.load %arg17[%get3A_224, %get3A_225] : memref<1x128xf32, #tpu.memory_space<vmem>>, vector<1x128xf32>
    %add3A_227 = vector.broadcast %get3A_226 : vector<1x128xf32> to vector<1000x128xf32>
    %add3A_228 = arith.addf %dot_general3A_223, %add3A_227 : vector<1000x128xf32>
    %max3A_229 = arith.constant 0.000000e+00 : f32
    %max3A_230 = vector.broadcast %max3A_229 : f32 to vector<1000x128xf32>
    %max3A_231 = arith.maximumf %add3A_228, %max3A_230 : vector<1000x128xf32>
    %get3A_232 = arith.constant 0 : index
    %get3A_233 = arith.constant 0 : index
    %get3A_234 = vector.load %arg18[%get3A_232, %get3A_233] : memref<128x128xf32, #tpu.memory_space<vmem>>, vector<128x128xf32>
    %dot_general3A_235 = arith.constant dense<0.000000e+00> : vector<1000x128xf32>
    %dot_general3A_236 = tpu.matmul %max3A_231, %get3A_234, %dot_general3A_235 {dimension_numbers = #tpu.dot_dimension_numbers<[1], [0], [0], [1], [0, 0, 1, 1], [], []>, transpose_lhs_hint = false} : vector<1000x128xf32>, vector<128x128xf32>, vector<1000x128xf32> -> vector<1000x128xf32>
    %get3A_237 = arith.constant 0 : index
    %get3A_238 = arith.constant 0 : index
    %get3A_239 = vector.load %arg19[%get3A_237, %get3A_238] : memref<1x128xf32, #tpu.memory_space<vmem>>, vector<1x128xf32>
    %add3A_240 = vector.broadcast %get3A_239 : vector<1x128xf32> to vector<1000x128xf32>
    %add3A_241 = arith.addf %dot_general3A_236, %add3A_240 : vector<1000x128xf32>
    %get3A_242 = arith.constant 0 : index
    %get3A_243 = arith.constant 0 : index
    %get3A_244 = vector.load %arg22[%get3A_242, %get3A_243] : memref<1x128xf32, #tpu.memory_space<vmem>>, vector<1x128xf32>
    %dot_general3A_245 = arith.constant dense<0.000000e+00> : vector<1000x128xf32>
    %dot_general3A_246 = tpu.matmul %get3A_13, %get3A_244, %dot_general3A_245 {dimension_numbers = #tpu.dot_dimension_numbers<[1], [0], [0], [1], [0, 0, 1, 1], [], []>, transpose_lhs_hint = false} : vector<1000x1xf32>, vector<1x128xf32>, vector<1000x128xf32> -> vector<1000x128xf32>
    %gt3A = arith.constant 5.000000e-01 : f32
    %gt3A_247 = vector.broadcast %gt3A : f32 to vector<1000x128xf32>
    %gt3A_248 = arith.cmpf ogt, %dot_general3A_246, %gt3A_247 : vector<1000x128xf32>
    %select_n3A = arith.select %gt3A_248, %add3A_241, %add3A_145 : vector<1000x128xi1>, vector<1000x128xf32>
    %swap3A = arith.constant 0 : index
    %swap3A_249 = arith.constant 0 : index
    %swap3A_250 = vector.load %arg23[%swap3A, %swap3A_249] : memref<1000x128xf32, #tpu.memory_space<vmem>>, vector<1000x128xf32>
    tpu.vector_store %arg23[%swap3A, %swap3A_249], %select_n3A {strides = array<i32>} : memref<1000x128xf32, #tpu.memory_space<vmem>>, vector<1000x128xf32>,
    %get3A_251 = arith.constant 0 : index
    %get3A_252 = arith.constant 0 : index
    %get3A_253 = vector.load %arg20[%get3A_251, %get3A_252] : memref<128x256xf32, #tpu.memory_space<vmem>>, vector<128x256xf32>
    %dot_general3A_254 = arith.constant dense<0.000000e+00> : vector<1000x256xf32>
    %dot_general3A_255 = tpu.matmul %select_n3A, %get3A_253, %dot_general3A_254 {dimension_numbers = #tpu.dot_dimension_numbers<[1], [0], [0], [1], [0, 0, 1, 1], [], []>, transpose_lhs_hint = false} : vector<1000x128xf32>, vector<128x256xf32>, vector<1000x256xf32> -> vector<1000x256xf32>
    %swap3A_256 = arith.constant 0 : index
    %swap3A_257 = arith.constant 0 : index
    %swap3A_258 = vector.load %arg24[%swap3A_256, %swap3A_257] : memref<1000x256xf32, #tpu.memory_space<vmem>>, vector<1000x256xf32>
    tpu.vector_store %arg24[%swap3A_256, %swap3A_257], %dot_general3A_255 {strides = array<i32>} : memref<1000x256xf32, #tpu.memory_space<vmem>>, vector<1000x256xf32>,
    %get3A_259 = arith.constant 0 : index
    %get3A_260 = arith.constant 0 : index
    %get3A_261 = vector.load %arg21[%get3A_259, %get3A_260] : memref<128x224xf32, #tpu.memory_space<vmem>>, vector<128x224xf32>
    %dot_general3A_262 = arith.constant dense<0.000000e+00> : vector<1000x224xf32>
    %dot_general3A_263 = tpu.matmul %select_n3A, %get3A_261, %dot_general3A_262 {dimension_numbers = #tpu.dot_dimension_numbers<[1], [0], [0], [1], [0, 0, 1, 1], [], []>, transpose_lhs_hint = false} : vector<1000x128xf32>, vector<128x224xf32>, vector<1000x224xf32> -> vector<1000x224xf32>
    %broadcast_in_dim3A = arith.constant 0.000000e+00 : f32
    %broadcast_in_dim3A_264 = vector.broadcast %broadcast_in_dim3A : f32 to vector<1000x31xf32>
    %concatenate3A_265 = tpu.concatenate %dot_general3A_263, %get3A_7, %broadcast_in_dim3A_264 in 1 : vector<1000x224xf32>, vector<1000x1xf32>, vector<1000x31xf32> -> vector<1000x256xf32>
    %swap3A_266 = arith.constant 0 : index
    %swap3A_267 = arith.constant 0 : index
    %swap3A_268 = vector.load %arg25[%swap3A_266, %swap3A_267] : memref<1000x256xf32, #tpu.memory_space<vmem>>, vector<1000x256xf32>
    tpu.vector_store %arg25[%swap3A_266, %swap3A_267], %concatenate3A_265 {strides = array<i32>} : memref<1000x256xf32, #tpu.memory_space<vmem>>, vector<1000x256xf32>,
    return
  }
  func.func @transform_0(%arg0: i32) -> (i32, i32) {
    %c0_i32 = arith.constant 0 : i32
    %c0_i32_0 = arith.constant 0 : i32
    return %arg0, %c0_i32 : i32, i32
  }
  func.func @transform_1(%arg0: i32) -> (i32, i32) {
    %c0_i32 = arith.constant 0 : i32
    %c0_i32_0 = arith.constant 0 : i32
    return %arg0, %c0_i32 : i32, i32
  }
  func.func @transform_2(%arg0: i32) -> (i32, i32) {
    %c0_i32 = arith.constant 0 : i32
    %c0_i32_0 = arith.constant 0 : i32
    return %arg0, %c0_i32 : i32, i32
  }
  func.func @transform_3(%arg0: i32) -> (i32, i32) {
    %c0_i32 = arith.constant 0 : i32
    %c0_i32_0 = arith.constant 0 : i32
    return %arg0, %c0_i32 : i32, i32
  }
  func.func @transform_4(%arg0: i32) -> (i32, i32) {
    %c0_i32 = arith.constant 0 : i32
    %c0_i32_0 = arith.constant 0 : i32
    return %arg0, %c0_i32 : i32, i32
  }
  func.func @transform_5(%arg0: i32) -> (i32, i32) {
    %c0_i32 = arith.constant 0 : i32
    %c0_i32_0 = arith.constant 0 : i32
    %c0_i32_1 = arith.constant 0 : i32
    return %c0_i32, %c0_i32_0 : i32, i32
  }
  func.func @transform_6(%arg0: i32) -> (i32, i32) {
    %c0_i32 = arith.constant 0 : i32
    %c0_i32_0 = arith.constant 0 : i32
    %c0_i32_1 = arith.constant 0 : i32
    return %c0_i32, %c0_i32_0 : i32, i32
  }
  func.func @transform_7(%arg0: i32) -> (i32, i32) {
    %c0_i32 = arith.constant 0 : i32
    %c0_i32_0 = arith.constant 0 : i32
    %c0_i32_1 = arith.constant 0 : i32
    return %c0_i32, %c0_i32_0 : i32, i32
  }
  func.func @transform_8(%arg0: i32) -> (i32, i32) {
    %c0_i32 = arith.constant 0 : i32
    %c0_i32_0 = arith.constant 0 : i32
    %c0_i32_1 = arith.constant 0 : i32
    return %c0_i32, %c0_i32_0 : i32, i32
  }
  func.func @transform_9(%arg0: i32) -> (i32, i32) {
    %c0_i32 = arith.constant 0 : i32
    %c0_i32_0 = arith.constant 0 : i32
    %c0_i32_1 = arith.constant 0 : i32
    return %c0_i32, %c0_i32_0 : i32, i32
  }
  func.func @transform_10(%arg0: i32) -> (i32, i32) {
    %c0_i32 = arith.constant 0 : i32
    %c0_i32_0 = arith.constant 0 : i32
    %c0_i32_1 = arith.constant 0 : i32
    return %c0_i32, %c0_i32_0 : i32, i32
  }
  func.func @transform_11(%arg0: i32) -> (i32, i32) {
    %c0_i32 = arith.constant 0 : i32
    %c0_i32_0 = arith.constant 0 : i32
    %c0_i32_1 = arith.constant 0 : i32
    return %c0_i32, %c0_i32_0 : i32, i32
  }
  func.func @transform_12(%arg0: i32) -> (i32, i32) {
    %c0_i32 = arith.constant 0 : i32
    %c0_i32_0 = arith.constant 0 : i32
    %c0_i32_1 = arith.constant 0 : i32
    return %c0_i32, %c0_i32_0 : i32, i32
  }
  func.func @transform_13(%arg0: i32) -> (i32, i32) {
    %c0_i32 = arith.constant 0 : i32
    %c0_i32_0 = arith.constant 0 : i32
    %c0_i32_1 = arith.constant 0 : i32
    return %c0_i32, %c0_i32_0 : i32, i32
  }
  func.func @transform_14(%arg0: i32) -> (i32, i32) {
    %c0_i32 = arith.constant 0 : i32
    %c0_i32_0 = arith.constant 0 : i32
    %c0_i32_1 = arith.constant 0 : i32
    return %c0_i32, %c0_i32_0 : i32, i32
  }
  func.func @transform_15(%arg0: i32) -> (i32, i32) {
    %c0_i32 = arith.constant 0 : i32
    %c0_i32_0 = arith.constant 0 : i32
    %c0_i32_1 = arith.constant 0 : i32
    return %c0_i32, %c0_i32_0 : i32, i32
  }
  func.func @transform_16(%arg0: i32) -> (i32, i32) {
    %c0_i32 = arith.constant 0 : i32
    %c0_i32_0 = arith.constant 0 : i32
    %c0_i32_1 = arith.constant 0 : i32
    return %c0_i32, %c0_i32_0 : i32, i32
  }
  func.func @transform_17(%arg0: i32) -> (i32, i32) {
    %c0_i32 = arith.constant 0 : i32
    %c0_i32_0 = arith.constant 0 : i32
    %c0_i32_1 = arith.constant 0 : i32
    return %c0_i32, %c0_i32_0 : i32, i32
  }
  func.func @transform_18(%arg0: i32) -> (i32, i32) {
    %c0_i32 = arith.constant 0 : i32
    %c0_i32_0 = arith.constant 0 : i32
    %c0_i32_1 = arith.constant 0 : i32
    return %c0_i32, %c0_i32_0 : i32, i32
  }
  func.func @transform_19(%arg0: i32) -> (i32, i32) {
    %c0_i32 = arith.constant 0 : i32
    %c0_i32_0 = arith.constant 0 : i32
    %c0_i32_1 = arith.constant 0 : i32
    return %c0_i32, %c0_i32_0 : i32, i32
  }
  func.func @transform_20(%arg0: i32) -> (i32, i32) {
    %c0_i32 = arith.constant 0 : i32
    %c0_i32_0 = arith.constant 0 : i32
    %c0_i32_1 = arith.constant 0 : i32
    return %c0_i32, %c0_i32_0 : i32, i32
  }
  func.func @transform_21(%arg0: i32) -> (i32, i32) {
    %c0_i32 = arith.constant 0 : i32
    %c0_i32_0 = arith.constant 0 : i32
    %c0_i32_1 = arith.constant 0 : i32
    return %c0_i32, %c0_i32_0 : i32, i32
  }
  func.func @transform_22(%arg0: i32) -> (i32, i32) {
    %c0_i32 = arith.constant 0 : i32
    %c0_i32_0 = arith.constant 0 : i32
    return %arg0, %c0_i32 : i32, i32
  }
  func.func @transform_23(%arg0: i32) -> (i32, i32) {
    %c0_i32 = arith.constant 0 : i32
    %c0_i32_0 = arith.constant 0 : i32
    return %arg0, %c0_i32 : i32, i32
  }
  func.func @transform_24(%arg0: i32) -> (i32, i32) {
    %c0_i32 = arith.constant 0 : i32
    %c0_i32_0 = arith.constant 0 : i32
    return %arg0, %c0_i32 : i32, i32
  }
}

module attributes {stable_mosaic.version = 14 : i64} {
  func.func @_edge_body(%arg0: i32, %arg1: memref<1280x256xf32, #tpu.memory_space<vmem>>, %arg2: memref<1280x256xf32, #tpu.memory_space<vmem>>, %arg3: memref<1280x16xf32, #tpu.memory_space<vmem>>, %arg4: memref<1280x1xf32, #tpu.memory_space<vmem>>, %arg5: memref<224x2xf32, #tpu.memory_space<vmem>>, %arg6: memref<1x32xf32, #tpu.memory_space<vmem>>, %arg7: memref<1x32xf32, #tpu.memory_space<vmem>>, %arg8: memref<48x128xf32, #tpu.memory_space<vmem>>, %arg9: memref<48x96xf32, #tpu.memory_space<vmem>>, %arg10: memref<2x128xf32, #tpu.memory_space<vmem>>, %arg11: memref<1280x128xf32, #tpu.memory_space<vmem>>, %arg12: memref<160x16xf32, #tpu.memory_space<vmem>>) attributes {dimension_semantics = [#tpu.dimension_semantics<arbitrary>], iteration_bounds = array<i64: 124>, scalar_prefetch = 0 : i64, scratch_operands = 0 : i64, tpu.core_type = #tpu.core_type<tc>, window_params = [{transform_indices = @transform_0, window_bounds = array<i64: 1280, 256>}, {transform_indices = @transform_1, window_bounds = array<i64: 1280, 256>}, {transform_indices = @transform_2, window_bounds = array<i64: 1280, 16>}, {transform_indices = @transform_3, window_bounds = array<i64: 1280, 1>}, {pipeline_mode = #tpu.pipeline_mode<synchronous>, transform_indices = @transform_4, window_bounds = array<i64: 224, 2>}, {pipeline_mode = #tpu.pipeline_mode<synchronous>, transform_indices = @transform_5, window_bounds = array<i64: 1, 32>}, {pipeline_mode = #tpu.pipeline_mode<synchronous>, transform_indices = @transform_6, window_bounds = array<i64: 1, 32>}, {pipeline_mode = #tpu.pipeline_mode<synchronous>, transform_indices = @transform_7, window_bounds = array<i64: 48, 128>}, {pipeline_mode = #tpu.pipeline_mode<synchronous>, transform_indices = @transform_8, window_bounds = array<i64: 48, 96>}, {pipeline_mode = #tpu.pipeline_mode<synchronous>, transform_indices = @transform_9, window_bounds = array<i64: 2, 128>}, {transform_indices = @transform_10, window_bounds = array<i64: 1280, 128>}, {transform_indices = @transform_11, window_bounds = array<i64: 160, 16>}]} {
    %get3A = arith.constant 0 : index
    %get3A_0 = arith.constant 0 : index
    %get3A_1 = vector.load %arg2[%get3A, %get3A_0] : memref<1280x256xf32, #tpu.memory_space<vmem>>, vector<1280x256xf32>
    %get3A_2 = arith.constant 0 : index
    %get3A_3 = arith.constant 0 : index
    %get3A_4 = vector.load %arg1[%get3A_2, %get3A_3] : memref<1280x256xf32, #tpu.memory_space<vmem>>, vector<1280x256xf32>
    %slice3A = vector.extract_strided_slice %get3A_1 {offsets = [0, 224], sizes = [1280, 1], strides = [1, 1]} : vector<1280x256xf32> to vector<1280x1xf32>
    %get3A_5 = arith.constant 0 : index
    %get3A_6 = arith.constant 0 : index
    %get3A_7 = vector.load %arg4[%get3A_5, %get3A_6] : memref<1280x1xf32, #tpu.memory_space<vmem>>, vector<1280x1xf32>
    %sub3A = arith.subf %slice3A, %get3A_7 : vector<1280x1xf32>
    %get3A_8 = arith.constant 0 : index
    %get3A_9 = arith.constant 0 : index
    %get3A_10 = vector.load %arg6[%get3A_8, %get3A_9] : memref<1x32xf32, #tpu.memory_space<vmem>>, vector<1x32xf32>
    %dot_general3A = arith.constant dense<0.000000e+00> : vector<1280x32xf32>
    %dot_general3A_11 = tpu.matmul %sub3A, %get3A_10, %dot_general3A {dimension_numbers = #tpu.dot_dimension_numbers<[1], [0], [0], [1], [0, 0, 1, 1], [], []>, transpose_lhs_hint = false} : vector<1280x1xf32>, vector<1x32xf32>, vector<1280x32xf32> -> vector<1280x32xf32>
    %get3A_12 = arith.constant 0 : index
    %get3A_13 = arith.constant 0 : index
    %get3A_14 = vector.load %arg7[%get3A_12, %get3A_13] : memref<1x32xf32, #tpu.memory_space<vmem>>, vector<1x32xf32>
    %add3A = vector.broadcast %get3A_14 : vector<1x32xf32> to vector<1280x32xf32>
    %add3A_15 = arith.addf %dot_general3A_11, %add3A : vector<1280x32xf32>
    %mul3A = arith.constant 0.159154937 : f32
    %mul3A_16 = vector.broadcast %mul3A : f32 to vector<1280x32xf32>
    %mul3A_17 = arith.mulf %add3A_15, %mul3A_16 : vector<1280x32xf32>
    %add3A_18 = arith.constant 0x4B400000 : f32
    %add3A_19 = vector.broadcast %add3A_18 : f32 to vector<1280x32xf32>
    %add3A_20 = arith.addf %mul3A_17, %add3A_19 : vector<1280x32xf32>
    %sub3A_21 = arith.constant 0x4B400000 : f32
    %sub3A_22 = vector.broadcast %sub3A_21 : f32 to vector<1280x32xf32>
    %sub3A_23 = arith.subf %add3A_20, %sub3A_22 : vector<1280x32xf32>
    %mul3A_24 = arith.constant 6.281250e+00 : f32
    %mul3A_25 = vector.broadcast %mul3A_24 : f32 to vector<1280x32xf32>
    %mul3A_26 = arith.mulf %sub3A_23, %mul3A_25 : vector<1280x32xf32>
    %sub3A_27 = arith.subf %add3A_15, %mul3A_26 : vector<1280x32xf32>
    %mul3A_28 = arith.constant 0.00193530717 : f32
    %mul3A_29 = vector.broadcast %mul3A_28 : f32 to vector<1280x32xf32>
    %mul3A_30 = arith.mulf %sub3A_23, %mul3A_29 : vector<1280x32xf32>
    %sub3A_31 = arith.subf %sub3A_27, %mul3A_30 : vector<1280x32xf32>
    %mul3A_32 = arith.constant 1.02531317E-11 : f32
    %mul3A_33 = vector.broadcast %mul3A_32 : f32 to vector<1280x32xf32>
    %mul3A_34 = arith.mulf %sub3A_23, %mul3A_33 : vector<1280x32xf32>
    %sub3A_35 = arith.subf %sub3A_31, %mul3A_34 : vector<1280x32xf32>
    %mul3A_36 = arith.mulf %sub3A_35, %sub3A_35 : vector<1280x32xf32>
    %mul3A_37 = arith.constant 4.12447854E-14 : f32
    %mul3A_38 = vector.broadcast %mul3A_37 : f32 to vector<1280x32xf32>
    %mul3A_39 = arith.mulf %mul3A_38, %mul3A_36 : vector<1280x32xf32>
    %add3A_40 = arith.constant -1.13527313E-11 : f32
    %add3A_41 = vector.broadcast %add3A_40 : f32 to vector<1280x32xf32>
    %add3A_42 = arith.addf %mul3A_39, %add3A_41 : vector<1280x32xf32>
    %mul3A_43 = arith.mulf %add3A_42, %mul3A_36 : vector<1280x32xf32>
    %add3A_44 = arith.constant 2.08653628E-9 : f32
    %add3A_45 = vector.broadcast %add3A_44 : f32 to vector<1280x32xf32>
    %add3A_46 = arith.addf %mul3A_43, %add3A_45 : vector<1280x32xf32>
    %mul3A_47 = arith.mulf %add3A_46, %mul3A_36 : vector<1280x32xf32>
    %add3A_48 = arith.constant -2.75567515E-7 : f32
    %add3A_49 = vector.broadcast %add3A_48 : f32 to vector<1280x32xf32>
    %add3A_50 = arith.addf %mul3A_47, %add3A_49 : vector<1280x32xf32>
    %mul3A_51 = arith.mulf %add3A_50, %mul3A_36 : vector<1280x32xf32>
    %add3A_52 = arith.constant 2.48015858E-5 : f32
    %add3A_53 = vector.broadcast %add3A_52 : f32 to vector<1280x32xf32>
    %add3A_54 = arith.addf %mul3A_51, %add3A_53 : vector<1280x32xf32>
    %mul3A_55 = arith.mulf %add3A_54, %mul3A_36 : vector<1280x32xf32>
    %add3A_56 = arith.constant -0.00138888916 : f32
    %add3A_57 = vector.broadcast %add3A_56 : f32 to vector<1280x32xf32>
    %add3A_58 = arith.addf %mul3A_55, %add3A_57 : vector<1280x32xf32>
    %mul3A_59 = arith.mulf %add3A_58, %mul3A_36 : vector<1280x32xf32>
    %add3A_60 = arith.constant 0.0416666679 : f32
    %add3A_61 = vector.broadcast %add3A_60 : f32 to vector<1280x32xf32>
    %add3A_62 = arith.addf %mul3A_59, %add3A_61 : vector<1280x32xf32>
    %mul3A_63 = arith.mulf %add3A_62, %mul3A_36 : vector<1280x32xf32>
    %add3A_64 = arith.constant -5.000000e-01 : f32
    %add3A_65 = vector.broadcast %add3A_64 : f32 to vector<1280x32xf32>
    %add3A_66 = arith.addf %mul3A_63, %add3A_65 : vector<1280x32xf32>
    %mul3A_67 = arith.mulf %add3A_66, %mul3A_36 : vector<1280x32xf32>
    %add3A_68 = arith.constant 1.000000e+00 : f32
    %add3A_69 = vector.broadcast %add3A_68 : f32 to vector<1280x32xf32>
    %add3A_70 = arith.addf %mul3A_67, %add3A_69 : vector<1280x32xf32>
    %get3A_71 = arith.constant 0 : index
    %get3A_72 = arith.constant 0 : index
    %get3A_73 = vector.load %arg3[%get3A_71, %get3A_72] : memref<1280x16xf32, #tpu.memory_space<vmem>>, vector<1280x16xf32>
    %concatenate3A = tpu.concatenate %get3A_73, %add3A_70 in 1 : vector<1280x16xf32>, vector<1280x32xf32> -> vector<1280x48xf32>
    %get3A_74 = arith.constant 0 : index
    %get3A_75 = arith.constant 0 : index
    %get3A_76 = vector.load %arg9[%get3A_74, %get3A_75] : memref<48x96xf32, #tpu.memory_space<vmem>>, vector<48x96xf32>
    %dot_general3A_77 = arith.constant dense<0.000000e+00> : vector<1280x96xf32>
    %dot_general3A_78 = tpu.matmul %concatenate3A, %get3A_76, %dot_general3A_77 {dimension_numbers = #tpu.dot_dimension_numbers<[1], [0], [0], [1], [0, 0, 1, 1], [], []>, transpose_lhs_hint = false} : vector<1280x48xf32>, vector<48x96xf32>, vector<1280x96xf32> -> vector<1280x96xf32>
    %slice3A_79 = vector.extract_strided_slice %get3A_1 {offsets = [0, 0], sizes = [1280, 128], strides = [1, 1]} : vector<1280x256xf32> to vector<1280x128xf32>
    %slice3A_80 = vector.extract_strided_slice %get3A_4 {offsets = [0, 0], sizes = [1280, 128], strides = [1, 1]} : vector<1280x256xf32> to vector<1280x128xf32>
    %mul3A_81 = arith.mulf %slice3A_79, %slice3A_80 : vector<1280x128xf32>
    %slice3A_82 = vector.extract_strided_slice %get3A_1 {offsets = [0, 128], sizes = [1280, 96], strides = [1, 1]} : vector<1280x256xf32> to vector<1280x96xf32>
    %mul3A_83 = arith.mulf %slice3A_82, %dot_general3A_78 : vector<1280x96xf32>
    %concatenate3A_84 = tpu.concatenate %mul3A_81, %mul3A_83 in 1 : vector<1280x128xf32>, vector<1280x96xf32> -> vector<1280x224xf32>
    %get3A_85 = arith.constant 0 : index
    %get3A_86 = arith.constant 0 : index
    %get3A_87 = vector.load %arg5[%get3A_85, %get3A_86] : memref<224x2xf32, #tpu.memory_space<vmem>>, vector<224x2xf32>
    %dot_general3A_88 = arith.constant dense<0.000000e+00> : vector<1280x2xf32>
    %dot_general3A_89 = tpu.matmul %concatenate3A_84, %get3A_87, %dot_general3A_88 {dimension_numbers = #tpu.dot_dimension_numbers<[1], [0], [0], [1], [0, 0, 1, 1], [], []>, transpose_lhs_hint = false} : vector<1280x224xf32>, vector<224x2xf32>, vector<1280x2xf32> -> vector<1280x2xf32>
    %min3A = arith.constant 6.000000e+01 : f32
    %min3A_90 = vector.broadcast %min3A : f32 to vector<1280x2xf32>
    %min3A_91 = arith.minimumf %dot_general3A_89, %min3A_90 : vector<1280x2xf32>
    %exp3A = math.exp %min3A_91 : vector<1280x2xf32>
    %get3A_92 = arith.constant 0 : index
    %get3A_93 = arith.constant 0 : index
    %get3A_94 = vector.load %arg10[%get3A_92, %get3A_93] : memref<2x128xf32, #tpu.memory_space<vmem>>, vector<2x128xf32>
    %dot_general3A_95 = arith.constant dense<0.000000e+00> : vector<1280x128xf32>
    %dot_general3A_96 = tpu.matmul %exp3A, %get3A_94, %dot_general3A_95 {dimension_numbers = #tpu.dot_dimension_numbers<[1], [0], [0], [1], [0, 0, 1, 1], [], []>, transpose_lhs_hint = false} : vector<1280x2xf32>, vector<2x128xf32>, vector<1280x128xf32> -> vector<1280x128xf32>
    %slice3A_97 = vector.extract_strided_slice %get3A_4 {offsets = [0, 128], sizes = [1280, 128], strides = [1, 1]} : vector<1280x256xf32> to vector<1280x128xf32>
    %get3A_98 = arith.constant 0 : index
    %get3A_99 = arith.constant 0 : index
    %get3A_100 = vector.load %arg8[%get3A_98, %get3A_99] : memref<48x128xf32, #tpu.memory_space<vmem>>, vector<48x128xf32>
    %dot_general3A_101 = arith.constant dense<0.000000e+00> : vector<1280x128xf32>
    %dot_general3A_102 = tpu.matmul %concatenate3A, %get3A_100, %dot_general3A_101 {dimension_numbers = #tpu.dot_dimension_numbers<[1], [0], [0], [1], [0, 0, 1, 1], [], []>, transpose_lhs_hint = false} : vector<1280x48xf32>, vector<48x128xf32>, vector<1280x128xf32> -> vector<1280x128xf32>
    %add3A_103 = arith.addf %slice3A_97, %dot_general3A_102 : vector<1280x128xf32>
    %mul3A_104 = arith.mulf %dot_general3A_96, %add3A_103 : vector<1280x128xf32>
    %swap3A = arith.constant 0 : index
    %swap3A_105 = arith.constant 0 : index
    %swap3A_106 = vector.load %arg11[%swap3A, %swap3A_105] : memref<1280x128xf32, #tpu.memory_space<vmem>>, vector<1280x128xf32>
    tpu.vector_store %arg11[%swap3A, %swap3A_105], %mul3A_104 {strides = array<i32>} : memref<1280x128xf32, #tpu.memory_space<vmem>>, vector<1280x128xf32>,
    %slice3A_107 = vector.extract_strided_slice %exp3A {offsets = [0, 0], sizes = [1280, 1], strides = [1, 1]} : vector<1280x2xf32> to vector<1280x1xf32>
    %reshape3A = vector.shape_cast %slice3A_107 : vector<1280x1xf32> to vector<160x8xf32>
    %slice3A_108 = vector.extract_strided_slice %exp3A {offsets = [0, 1], sizes = [1280, 1], strides = [1, 1]} : vector<1280x2xf32> to vector<1280x1xf32>
    %reshape3A_109 = vector.shape_cast %slice3A_108 : vector<1280x1xf32> to vector<160x8xf32>
    %concatenate3A_110 = tpu.concatenate %reshape3A, %reshape3A_109 in 1 : vector<160x8xf32>, vector<160x8xf32> -> vector<160x16xf32>
    %swap3A_111 = arith.constant 0 : index
    %swap3A_112 = arith.constant 0 : index
    %swap3A_113 = vector.load %arg12[%swap3A_111, %swap3A_112] : memref<160x16xf32, #tpu.memory_space<vmem>>, vector<160x16xf32>
    tpu.vector_store %arg12[%swap3A_111, %swap3A_112], %concatenate3A_110 {strides = array<i32>} : memref<160x16xf32, #tpu.memory_space<vmem>>, vector<160x16xf32>,
    return
  }
  func.func @transform_0(%arg0: i32) -> (i32, i32) {
    %c0_i32 = arith.constant 0 : i32
    %c0_i32_0 = arith.constant 0 : i32
    return %arg0, %c0_i32 : i32, i32
  }
  func.func @transform_1(%arg0: i32) -> (i32, i32) {
    %c0_i32 = arith.constant 0 : i32
    %c0_i32_0 = arith.constant 0 : i32
    return %arg0, %c0_i32 : i32, i32
  }
  func.func @transform_2(%arg0: i32) -> (i32, i32) {
    %add3A = arith.constant 126 : i32
    %add3A_0 = arith.addi %arg0, %add3A : i32
    %c0_i32 = arith.constant 0 : i32
    %c0_i32_1 = arith.constant 0 : i32
    return %add3A_0, %c0_i32 : i32, i32
  }
  func.func @transform_3(%arg0: i32) -> (i32, i32) {
    %add3A = arith.constant 126 : i32
    %add3A_0 = arith.addi %arg0, %add3A : i32
    %c0_i32 = arith.constant 0 : i32
    %c0_i32_1 = arith.constant 0 : i32
    return %add3A_0, %c0_i32 : i32, i32
  }
  func.func @transform_4(%arg0: i32) -> (i32, i32) {
    %c0_i32 = arith.constant 0 : i32
    %c0_i32_0 = arith.constant 0 : i32
    %c0_i32_1 = arith.constant 0 : i32
    return %c0_i32, %c0_i32_0 : i32, i32
  }
  func.func @transform_5(%arg0: i32) -> (i32, i32) {
    %c0_i32 = arith.constant 0 : i32
    %c0_i32_0 = arith.constant 0 : i32
    %c0_i32_1 = arith.constant 0 : i32
    return %c0_i32, %c0_i32_0 : i32, i32
  }
  func.func @transform_6(%arg0: i32) -> (i32, i32) {
    %c0_i32 = arith.constant 0 : i32
    %c0_i32_0 = arith.constant 0 : i32
    %c0_i32_1 = arith.constant 0 : i32
    return %c0_i32, %c0_i32_0 : i32, i32
  }
  func.func @transform_7(%arg0: i32) -> (i32, i32) {
    %c0_i32 = arith.constant 0 : i32
    %c0_i32_0 = arith.constant 0 : i32
    %c0_i32_1 = arith.constant 0 : i32
    return %c0_i32, %c0_i32_0 : i32, i32
  }
  func.func @transform_8(%arg0: i32) -> (i32, i32) {
    %c0_i32 = arith.constant 0 : i32
    %c0_i32_0 = arith.constant 0 : i32
    %c0_i32_1 = arith.constant 0 : i32
    return %c0_i32, %c0_i32_0 : i32, i32
  }
  func.func @transform_9(%arg0: i32) -> (i32, i32) {
    %c0_i32 = arith.constant 0 : i32
    %c0_i32_0 = arith.constant 0 : i32
    %c0_i32_1 = arith.constant 0 : i32
    return %c0_i32, %c0_i32_0 : i32, i32
  }
  func.func @transform_10(%arg0: i32) -> (i32, i32) {
    %c0_i32 = arith.constant 0 : i32
    %c0_i32_0 = arith.constant 0 : i32
    return %arg0, %c0_i32 : i32, i32
  }
  func.func @transform_11(%arg0: i32) -> (i32, i32) {
    %c0_i32 = arith.constant 0 : i32
    %c0_i32_0 = arith.constant 0 : i32
    return %arg0, %c0_i32 : i32, i32
  }
}

module attributes {stable_mosaic.version = 14 : i64} {
  func.func @_edge_body(%arg0: i32, %arg1: memref<1280x256xf32, #tpu.memory_space<vmem>>, %arg2: memref<1280x256xf32, #tpu.memory_space<vmem>>, %arg3: memref<1280x16xf32, #tpu.memory_space<vmem>>, %arg4: memref<1280x1xf32, #tpu.memory_space<vmem>>, %arg5: memref<224x2xf32, #tpu.memory_space<vmem>>, %arg6: memref<1x32xf32, #tpu.memory_space<vmem>>, %arg7: memref<1x32xf32, #tpu.memory_space<vmem>>, %arg8: memref<48x128xf32, #tpu.memory_space<vmem>>, %arg9: memref<48x96xf32, #tpu.memory_space<vmem>>, %arg10: memref<2x128xf32, #tpu.memory_space<vmem>>, %arg11: memref<1280x128xf32, #tpu.memory_space<vmem>>, %arg12: memref<160x16xf32, #tpu.memory_space<vmem>>) attributes {dimension_semantics = [#tpu.dimension_semantics<arbitrary>], iteration_bounds = array<i64: 126>, scalar_prefetch = 0 : i64, scratch_operands = 0 : i64, tpu.core_type = #tpu.core_type<tc>, window_params = [{transform_indices = @transform_0, window_bounds = array<i64: 1280, 256>}, {transform_indices = @transform_1, window_bounds = array<i64: 1280, 256>}, {transform_indices = @transform_2, window_bounds = array<i64: 1280, 16>}, {transform_indices = @transform_3, window_bounds = array<i64: 1280, 1>}, {pipeline_mode = #tpu.pipeline_mode<synchronous>, transform_indices = @transform_4, window_bounds = array<i64: 224, 2>}, {pipeline_mode = #tpu.pipeline_mode<synchronous>, transform_indices = @transform_5, window_bounds = array<i64: 1, 32>}, {pipeline_mode = #tpu.pipeline_mode<synchronous>, transform_indices = @transform_6, window_bounds = array<i64: 1, 32>}, {pipeline_mode = #tpu.pipeline_mode<synchronous>, transform_indices = @transform_7, window_bounds = array<i64: 48, 128>}, {pipeline_mode = #tpu.pipeline_mode<synchronous>, transform_indices = @transform_8, window_bounds = array<i64: 48, 96>}, {pipeline_mode = #tpu.pipeline_mode<synchronous>, transform_indices = @transform_9, window_bounds = array<i64: 2, 128>}, {transform_indices = @transform_10, window_bounds = array<i64: 1280, 128>}, {transform_indices = @transform_11, window_bounds = array<i64: 160, 16>}]} {
    %get3A = arith.constant 0 : index
    %get3A_0 = arith.constant 0 : index
    %get3A_1 = vector.load %arg2[%get3A, %get3A_0] : memref<1280x256xf32, #tpu.memory_space<vmem>>, vector<1280x256xf32>
    %get3A_2 = arith.constant 0 : index
    %get3A_3 = arith.constant 0 : index
    %get3A_4 = vector.load %arg1[%get3A_2, %get3A_3] : memref<1280x256xf32, #tpu.memory_space<vmem>>, vector<1280x256xf32>
    %slice3A = vector.extract_strided_slice %get3A_1 {offsets = [0, 224], sizes = [1280, 1], strides = [1, 1]} : vector<1280x256xf32> to vector<1280x1xf32>
    %get3A_5 = arith.constant 0 : index
    %get3A_6 = arith.constant 0 : index
    %get3A_7 = vector.load %arg4[%get3A_5, %get3A_6] : memref<1280x1xf32, #tpu.memory_space<vmem>>, vector<1280x1xf32>
    %sub3A = arith.subf %slice3A, %get3A_7 : vector<1280x1xf32>
    %get3A_8 = arith.constant 0 : index
    %get3A_9 = arith.constant 0 : index
    %get3A_10 = vector.load %arg6[%get3A_8, %get3A_9] : memref<1x32xf32, #tpu.memory_space<vmem>>, vector<1x32xf32>
    %dot_general3A = arith.constant dense<0.000000e+00> : vector<1280x32xf32>
    %dot_general3A_11 = tpu.matmul %sub3A, %get3A_10, %dot_general3A {dimension_numbers = #tpu.dot_dimension_numbers<[1], [0], [0], [1], [0, 0, 1, 1], [], []>, transpose_lhs_hint = false} : vector<1280x1xf32>, vector<1x32xf32>, vector<1280x32xf32> -> vector<1280x32xf32>
    %get3A_12 = arith.constant 0 : index
    %get3A_13 = arith.constant 0 : index
    %get3A_14 = vector.load %arg7[%get3A_12, %get3A_13] : memref<1x32xf32, #tpu.memory_space<vmem>>, vector<1x32xf32>
    %add3A = vector.broadcast %get3A_14 : vector<1x32xf32> to vector<1280x32xf32>
    %add3A_15 = arith.addf %dot_general3A_11, %add3A : vector<1280x32xf32>
    %mul3A = arith.constant 0.159154937 : f32
    %mul3A_16 = vector.broadcast %mul3A : f32 to vector<1280x32xf32>
    %mul3A_17 = arith.mulf %add3A_15, %mul3A_16 : vector<1280x32xf32>
    %add3A_18 = arith.constant 0x4B400000 : f32
    %add3A_19 = vector.broadcast %add3A_18 : f32 to vector<1280x32xf32>
    %add3A_20 = arith.addf %mul3A_17, %add3A_19 : vector<1280x32xf32>
    %sub3A_21 = arith.constant 0x4B400000 : f32
    %sub3A_22 = vector.broadcast %sub3A_21 : f32 to vector<1280x32xf32>
    %sub3A_23 = arith.subf %add3A_20, %sub3A_22 : vector<1280x32xf32>
    %mul3A_24 = arith.constant 6.281250e+00 : f32
    %mul3A_25 = vector.broadcast %mul3A_24 : f32 to vector<1280x32xf32>
    %mul3A_26 = arith.mulf %sub3A_23, %mul3A_25 : vector<1280x32xf32>
    %sub3A_27 = arith.subf %add3A_15, %mul3A_26 : vector<1280x32xf32>
    %mul3A_28 = arith.constant 0.00193530717 : f32
    %mul3A_29 = vector.broadcast %mul3A_28 : f32 to vector<1280x32xf32>
    %mul3A_30 = arith.mulf %sub3A_23, %mul3A_29 : vector<1280x32xf32>
    %sub3A_31 = arith.subf %sub3A_27, %mul3A_30 : vector<1280x32xf32>
    %mul3A_32 = arith.constant 1.02531317E-11 : f32
    %mul3A_33 = vector.broadcast %mul3A_32 : f32 to vector<1280x32xf32>
    %mul3A_34 = arith.mulf %sub3A_23, %mul3A_33 : vector<1280x32xf32>
    %sub3A_35 = arith.subf %sub3A_31, %mul3A_34 : vector<1280x32xf32>
    %mul3A_36 = arith.mulf %sub3A_35, %sub3A_35 : vector<1280x32xf32>
    %mul3A_37 = arith.constant 4.12447854E-14 : f32
    %mul3A_38 = vector.broadcast %mul3A_37 : f32 to vector<1280x32xf32>
    %mul3A_39 = arith.mulf %mul3A_38, %mul3A_36 : vector<1280x32xf32>
    %add3A_40 = arith.constant -1.13527313E-11 : f32
    %add3A_41 = vector.broadcast %add3A_40 : f32 to vector<1280x32xf32>
    %add3A_42 = arith.addf %mul3A_39, %add3A_41 : vector<1280x32xf32>
    %mul3A_43 = arith.mulf %add3A_42, %mul3A_36 : vector<1280x32xf32>
    %add3A_44 = arith.constant 2.08653628E-9 : f32
    %add3A_45 = vector.broadcast %add3A_44 : f32 to vector<1280x32xf32>
    %add3A_46 = arith.addf %mul3A_43, %add3A_45 : vector<1280x32xf32>
    %mul3A_47 = arith.mulf %add3A_46, %mul3A_36 : vector<1280x32xf32>
    %add3A_48 = arith.constant -2.75567515E-7 : f32
    %add3A_49 = vector.broadcast %add3A_48 : f32 to vector<1280x32xf32>
    %add3A_50 = arith.addf %mul3A_47, %add3A_49 : vector<1280x32xf32>
    %mul3A_51 = arith.mulf %add3A_50, %mul3A_36 : vector<1280x32xf32>
    %add3A_52 = arith.constant 2.48015858E-5 : f32
    %add3A_53 = vector.broadcast %add3A_52 : f32 to vector<1280x32xf32>
    %add3A_54 = arith.addf %mul3A_51, %add3A_53 : vector<1280x32xf32>
    %mul3A_55 = arith.mulf %add3A_54, %mul3A_36 : vector<1280x32xf32>
    %add3A_56 = arith.constant -0.00138888916 : f32
    %add3A_57 = vector.broadcast %add3A_56 : f32 to vector<1280x32xf32>
    %add3A_58 = arith.addf %mul3A_55, %add3A_57 : vector<1280x32xf32>
    %mul3A_59 = arith.mulf %add3A_58, %mul3A_36 : vector<1280x32xf32>
    %add3A_60 = arith.constant 0.0416666679 : f32
    %add3A_61 = vector.broadcast %add3A_60 : f32 to vector<1280x32xf32>
    %add3A_62 = arith.addf %mul3A_59, %add3A_61 : vector<1280x32xf32>
    %mul3A_63 = arith.mulf %add3A_62, %mul3A_36 : vector<1280x32xf32>
    %add3A_64 = arith.constant -5.000000e-01 : f32
    %add3A_65 = vector.broadcast %add3A_64 : f32 to vector<1280x32xf32>
    %add3A_66 = arith.addf %mul3A_63, %add3A_65 : vector<1280x32xf32>
    %mul3A_67 = arith.mulf %add3A_66, %mul3A_36 : vector<1280x32xf32>
    %add3A_68 = arith.constant 1.000000e+00 : f32
    %add3A_69 = vector.broadcast %add3A_68 : f32 to vector<1280x32xf32>
    %add3A_70 = arith.addf %mul3A_67, %add3A_69 : vector<1280x32xf32>
    %get3A_71 = arith.constant 0 : index
    %get3A_72 = arith.constant 0 : index
    %get3A_73 = vector.load %arg3[%get3A_71, %get3A_72] : memref<1280x16xf32, #tpu.memory_space<vmem>>, vector<1280x16xf32>
    %concatenate3A = tpu.concatenate %get3A_73, %add3A_70 in 1 : vector<1280x16xf32>, vector<1280x32xf32> -> vector<1280x48xf32>
    %get3A_74 = arith.constant 0 : index
    %get3A_75 = arith.constant 0 : index
    %get3A_76 = vector.load %arg9[%get3A_74, %get3A_75] : memref<48x96xf32, #tpu.memory_space<vmem>>, vector<48x96xf32>
    %dot_general3A_77 = arith.constant dense<0.000000e+00> : vector<1280x96xf32>
    %dot_general3A_78 = tpu.matmul %concatenate3A, %get3A_76, %dot_general3A_77 {dimension_numbers = #tpu.dot_dimension_numbers<[1], [0], [0], [1], [0, 0, 1, 1], [], []>, transpose_lhs_hint = false} : vector<1280x48xf32>, vector<48x96xf32>, vector<1280x96xf32> -> vector<1280x96xf32>
    %slice3A_79 = vector.extract_strided_slice %get3A_1 {offsets = [0, 0], sizes = [1280, 128], strides = [1, 1]} : vector<1280x256xf32> to vector<1280x128xf32>
    %slice3A_80 = vector.extract_strided_slice %get3A_4 {offsets = [0, 0], sizes = [1280, 128], strides = [1, 1]} : vector<1280x256xf32> to vector<1280x128xf32>
    %mul3A_81 = arith.mulf %slice3A_79, %slice3A_80 : vector<1280x128xf32>
    %slice3A_82 = vector.extract_strided_slice %get3A_1 {offsets = [0, 128], sizes = [1280, 96], strides = [1, 1]} : vector<1280x256xf32> to vector<1280x96xf32>
    %mul3A_83 = arith.mulf %slice3A_82, %dot_general3A_78 : vector<1280x96xf32>
    %concatenate3A_84 = tpu.concatenate %mul3A_81, %mul3A_83 in 1 : vector<1280x128xf32>, vector<1280x96xf32> -> vector<1280x224xf32>
    %get3A_85 = arith.constant 0 : index
    %get3A_86 = arith.constant 0 : index
    %get3A_87 = vector.load %arg5[%get3A_85, %get3A_86] : memref<224x2xf32, #tpu.memory_space<vmem>>, vector<224x2xf32>
    %dot_general3A_88 = arith.constant dense<0.000000e+00> : vector<1280x2xf32>
    %dot_general3A_89 = tpu.matmul %concatenate3A_84, %get3A_87, %dot_general3A_88 {dimension_numbers = #tpu.dot_dimension_numbers<[1], [0], [0], [1], [0, 0, 1, 1], [], []>, transpose_lhs_hint = false} : vector<1280x224xf32>, vector<224x2xf32>, vector<1280x2xf32> -> vector<1280x2xf32>
    %min3A = arith.constant 6.000000e+01 : f32
    %min3A_90 = vector.broadcast %min3A : f32 to vector<1280x2xf32>
    %min3A_91 = arith.minimumf %dot_general3A_89, %min3A_90 : vector<1280x2xf32>
    %exp3A = math.exp %min3A_91 : vector<1280x2xf32>
    %get3A_92 = arith.constant 0 : index
    %get3A_93 = arith.constant 0 : index
    %get3A_94 = vector.load %arg10[%get3A_92, %get3A_93] : memref<2x128xf32, #tpu.memory_space<vmem>>, vector<2x128xf32>
    %dot_general3A_95 = arith.constant dense<0.000000e+00> : vector<1280x128xf32>
    %dot_general3A_96 = tpu.matmul %exp3A, %get3A_94, %dot_general3A_95 {dimension_numbers = #tpu.dot_dimension_numbers<[1], [0], [0], [1], [0, 0, 1, 1], [], []>, transpose_lhs_hint = false} : vector<1280x2xf32>, vector<2x128xf32>, vector<1280x128xf32> -> vector<1280x128xf32>
    %slice3A_97 = vector.extract_strided_slice %get3A_4 {offsets = [0, 128], sizes = [1280, 128], strides = [1, 1]} : vector<1280x256xf32> to vector<1280x128xf32>
    %get3A_98 = arith.constant 0 : index
    %get3A_99 = arith.constant 0 : index
    %get3A_100 = vector.load %arg8[%get3A_98, %get3A_99] : memref<48x128xf32, #tpu.memory_space<vmem>>, vector<48x128xf32>
    %dot_general3A_101 = arith.constant dense<0.000000e+00> : vector<1280x128xf32>
    %dot_general3A_102 = tpu.matmul %concatenate3A, %get3A_100, %dot_general3A_101 {dimension_numbers = #tpu.dot_dimension_numbers<[1], [0], [0], [1], [0, 0, 1, 1], [], []>, transpose_lhs_hint = false} : vector<1280x48xf32>, vector<48x128xf32>, vector<1280x128xf32> -> vector<1280x128xf32>
    %add3A_103 = arith.addf %slice3A_97, %dot_general3A_102 : vector<1280x128xf32>
    %mul3A_104 = arith.mulf %dot_general3A_96, %add3A_103 : vector<1280x128xf32>
    %swap3A = arith.constant 0 : index
    %swap3A_105 = arith.constant 0 : index
    %swap3A_106 = vector.load %arg11[%swap3A, %swap3A_105] : memref<1280x128xf32, #tpu.memory_space<vmem>>, vector<1280x128xf32>
    tpu.vector_store %arg11[%swap3A, %swap3A_105], %mul3A_104 {strides = array<i32>} : memref<1280x128xf32, #tpu.memory_space<vmem>>, vector<1280x128xf32>,
    %slice3A_107 = vector.extract_strided_slice %exp3A {offsets = [0, 0], sizes = [1280, 1], strides = [1, 1]} : vector<1280x2xf32> to vector<1280x1xf32>
    %reshape3A = vector.shape_cast %slice3A_107 : vector<1280x1xf32> to vector<160x8xf32>
    %slice3A_108 = vector.extract_strided_slice %exp3A {offsets = [0, 1], sizes = [1280, 1], strides = [1, 1]} : vector<1280x2xf32> to vector<1280x1xf32>
    %reshape3A_109 = vector.shape_cast %slice3A_108 : vector<1280x1xf32> to vector<160x8xf32>
    %concatenate3A_110 = tpu.concatenate %reshape3A, %reshape3A_109 in 1 : vector<160x8xf32>, vector<160x8xf32> -> vector<160x16xf32>
    %swap3A_111 = arith.constant 0 : index
    %swap3A_112 = arith.constant 0 : index
    %swap3A_113 = vector.load %arg12[%swap3A_111, %swap3A_112] : memref<160x16xf32, #tpu.memory_space<vmem>>, vector<160x16xf32>
    tpu.vector_store %arg12[%swap3A_111, %swap3A_112], %concatenate3A_110 {strides = array<i32>} : memref<160x16xf32, #tpu.memory_space<vmem>>, vector<160x16xf32>,
    return
  }
  func.func @transform_0(%arg0: i32) -> (i32, i32) {
    %c0_i32 = arith.constant 0 : i32
    %c0_i32_0 = arith.constant 0 : i32
    return %arg0, %c0_i32 : i32, i32
  }
  func.func @transform_1(%arg0: i32) -> (i32, i32) {
    %c0_i32 = arith.constant 0 : i32
    %c0_i32_0 = arith.constant 0 : i32
    return %arg0, %c0_i32 : i32, i32
  }
  func.func @transform_2(%arg0: i32) -> (i32, i32) {
    %add3A = arith.constant 0 : i32
    %add3A_0 = arith.addi %arg0, %add3A : i32
    %c0_i32 = arith.constant 0 : i32
    %c0_i32_1 = arith.constant 0 : i32
    return %add3A_0, %c0_i32 : i32, i32
  }
  func.func @transform_3(%arg0: i32) -> (i32, i32) {
    %add3A = arith.constant 0 : i32
    %add3A_0 = arith.addi %arg0, %add3A : i32
    %c0_i32 = arith.constant 0 : i32
    %c0_i32_1 = arith.constant 0 : i32
    return %add3A_0, %c0_i32 : i32, i32
  }
  func.func @transform_4(%arg0: i32) -> (i32, i32) {
    %c0_i32 = arith.constant 0 : i32
    %c0_i32_0 = arith.constant 0 : i32
    %c0_i32_1 = arith.constant 0 : i32
    return %c0_i32, %c0_i32_0 : i32, i32
  }
  func.func @transform_5(%arg0: i32) -> (i32, i32) {
    %c0_i32 = arith.constant 0 : i32
    %c0_i32_0 = arith.constant 0 : i32
    %c0_i32_1 = arith.constant 0 : i32
    return %c0_i32, %c0_i32_0 : i32, i32
  }
  func.func @transform_6(%arg0: i32) -> (i32, i32) {
    %c0_i32 = arith.constant 0 : i32
    %c0_i32_0 = arith.constant 0 : i32
    %c0_i32_1 = arith.constant 0 : i32
    return %c0_i32, %c0_i32_0 : i32, i32
  }
  func.func @transform_7(%arg0: i32) -> (i32, i32) {
    %c0_i32 = arith.constant 0 : i32
    %c0_i32_0 = arith.constant 0 : i32
    %c0_i32_1 = arith.constant 0 : i32
    return %c0_i32, %c0_i32_0 : i32, i32
  }
  func.func @transform_8(%arg0: i32) -> (i32, i32) {
    %c0_i32 = arith.constant 0 : i32
    %c0_i32_0 = arith.constant 0 : i32
    %c0_i32_1 = arith.constant 0 : i32
    return %c0_i32, %c0_i32_0 : i32, i32
  }
  func.func @transform_9(%arg0: i32) -> (i32, i32) {
    %c0_i32 = arith.constant 0 : i32
    %c0_i32_0 = arith.constant 0 : i32
    %c0_i32_1 = arith.constant 0 : i32
    return %c0_i32, %c0_i32_0 : i32, i32
  }
  func.func @transform_10(%arg0: i32) -> (i32, i32) {
    %c0_i32 = arith.constant 0 : i32
    %c0_i32_0 = arith.constant 0 : i32
    return %arg0, %c0_i32 : i32, i32
  }
  func.func @transform_11(%arg0: i32) -> (i32, i32) {
    %c0_i32 = arith.constant 0 : i32
    %c0_i32_0 = arith.constant 0 : i32
    return %arg0, %c0_i32 : i32, i32
  }
}

module attributes {stable_mosaic.version = 14 : i64} {
  func.func @_final_body(%arg0: i32, %arg1: memref<2x1000x128xf32, #tpu.memory_space<vmem>>, %arg2: memref<2x1000x128xf32, #tpu.memory_space<vmem>>, %arg3: memref<1000x8xf32, #tpu.memory_space<vmem>>, %arg4: memref<1000x128xf32, #tpu.memory_space<vmem>>, %arg5: memref<1000x128xf32, #tpu.memory_space<vmem>>, %arg6: memref<1000x8xf32, #tpu.memory_space<vmem>>, %arg7: memref<256x128xf32, #tpu.memory_space<vmem>>, %arg8: memref<1x128xf32, #tpu.memory_space<vmem>>, %arg9: memref<1x128xf32, #tpu.memory_space<vmem>>, %arg10: memref<1x128xf32, #tpu.memory_space<vmem>>, %arg11: memref<256x128xf32, #tpu.memory_space<vmem>>, %arg12: memref<1x128xf32, #tpu.memory_space<vmem>>, %arg13: memref<128x128xf32, #tpu.memory_space<vmem>>, %arg14: memref<1x128xf32, #tpu.memory_space<vmem>>, %arg15: memref<2x128xf32, #tpu.memory_space<vmem>>, %arg16: memref<1x128xf32, #tpu.memory_space<vmem>>, %arg17: memref<1000x128xf32, #tpu.memory_space<vmem>>) attributes {dimension_semantics = [#tpu.dimension_semantics<arbitrary>], iteration_bounds = array<i64: 10>, scalar_prefetch = 0 : i64, scratch_operands = 0 : i64, tpu.core_type = #tpu.core_type<tc>, window_params = [{transform_indices = @transform_0, window_bounds = array<i64: 2, 1000, 128>}, {transform_indices = @transform_1, window_bounds = array<i64: 2, 1000, 128>}, {transform_indices = @transform_2, window_bounds = array<i64: 1000, 8>}, {transform_indices = @transform_3, window_bounds = array<i64: 1000, 128>}, {transform_indices = @transform_4, window_bounds = array<i64: 1000, 128>}, {transform_indices = @transform_5, window_bounds = array<i64: 1000, 8>}, {pipeline_mode = #tpu.pipeline_mode<synchronous>, transform_indices = @transform_6, window_bounds = array<i64: 256, 128>}, {pipeline_mode = #tpu.pipeline_mode<synchronous>, transform_indices = @transform_7, window_bounds = array<i64: 1, 128>}, {pipeline_mode = #tpu.pipeline_mode<synchronous>, transform_indices = @transform_8, window_bounds = array<i64: 1, 128>}, {pipeline_mode = #tpu.pipeline_mode<synchronous>, transform_indices = @transform_9, window_bounds = array<i64: 1, 128>}, {pipeline_mode = #tpu.pipeline_mode<synchronous>, transform_indices = @transform_10, window_bounds = array<i64: 256, 128>}, {pipeline_mode = #tpu.pipeline_mode<synchronous>, transform_indices = @transform_11, window_bounds = array<i64: 1, 128>}, {pipeline_mode = #tpu.pipeline_mode<synchronous>, transform_indices = @transform_12, window_bounds = array<i64: 128, 128>}, {pipeline_mode = #tpu.pipeline_mode<synchronous>, transform_indices = @transform_13, window_bounds = array<i64: 1, 128>}, {pipeline_mode = #tpu.pipeline_mode<synchronous>, transform_indices = @transform_14, window_bounds = array<i64: 2, 128>}, {pipeline_mode = #tpu.pipeline_mode<synchronous>, transform_indices = @transform_15, window_bounds = array<i64: 1, 128>}, {transform_indices = @transform_16, window_bounds = array<i64: 1000, 128>}]} {
    %get3A = arith.constant 0 : index
    %get3A_0 = arith.constant 0 : index
    %get3A_1 = arith.constant 0 : index
    %get3A_2 = vector.load %arg1[%get3A, %get3A_0, %get3A_1] : memref<2x1000x128xf32, #tpu.memory_space<vmem>>, vector<1x1000x128xf32>
    %get3A_3 = vector.shape_cast %get3A_2 : vector<1x1000x128xf32> to vector<1000x128xf32>
    %get3A_4 = arith.constant 1 : index
    %get3A_5 = arith.constant 0 : index
    %get3A_6 = arith.constant 0 : index
    %get3A_7 = vector.load %arg1[%get3A_4, %get3A_5, %get3A_6] : memref<2x1000x128xf32, #tpu.memory_space<vmem>>, vector<1x1000x128xf32>
    %get3A_8 = vector.shape_cast %get3A_7 : vector<1x1000x128xf32> to vector<1000x128xf32>
    %add3A = arith.addf %get3A_3, %get3A_8 : vector<1000x128xf32>
    %get3A_9 = arith.constant 0 : index
    %get3A_10 = arith.constant 0 : index
    %get3A_11 = arith.constant 0 : index
    %get3A_12 = vector.load %arg2[%get3A_9, %get3A_10, %get3A_11] : memref<2x1000x128xf32, #tpu.memory_space<vmem>>, vector<1x1000x128xf32>
    %get3A_13 = vector.shape_cast %get3A_12 : vector<1x1000x128xf32> to vector<1000x128xf32>
    %get3A_14 = arith.constant 1 : index
    %get3A_15 = arith.constant 0 : index
    %get3A_16 = arith.constant 0 : index
    %get3A_17 = vector.load %arg2[%get3A_14, %get3A_15, %get3A_16] : memref<2x1000x128xf32, #tpu.memory_space<vmem>>, vector<1x1000x128xf32>
    %get3A_18 = vector.shape_cast %get3A_17 : vector<1x1000x128xf32> to vector<1000x128xf32>
    %add3A_19 = arith.addf %get3A_13, %get3A_18 : vector<1000x128xf32>
    %add3A_20 = arith.addf %add3A, %add3A_19 : vector<1000x128xf32>
    %get3A_21 = arith.constant 0 : index
    %get3A_22 = arith.constant 0 : index
    %get3A_23 = vector.load %arg3[%get3A_21, %get3A_22] : memref<1000x8xf32, #tpu.memory_space<vmem>>, vector<1000x2xf32>
    %add3A_24 = arith.constant 1.000000e-16 : f32
    %add3A_25 = vector.broadcast %add3A_24 : f32 to vector<1000x2xf32>
    %add3A_26 = arith.addf %get3A_23, %add3A_25 : vector<1000x2xf32>
    %div3A = arith.constant 1.000000e+00 : f32
    %div3A_27 = vector.broadcast %div3A : f32 to vector<1000x2xf32>
    %div3A_28 = arith.divf %div3A_27, %add3A_26 : vector<1000x2xf32>
    %get3A_29 = arith.constant 0 : index
    %get3A_30 = arith.constant 0 : index
    %get3A_31 = vector.load %arg15[%get3A_29, %get3A_30] : memref<2x128xf32, #tpu.memory_space<vmem>>, vector<2x128xf32>
    %dot_general3A = arith.constant dense<0.000000e+00> : vector<1000x128xf32>
    %dot_general3A_32 = tpu.matmul %div3A_28, %get3A_31, %dot_general3A {dimension_numbers = #tpu.dot_dimension_numbers<[1], [0], [0], [1], [0, 0, 1, 1], [], []>, transpose_lhs_hint = false} : vector<1000x2xf32>, vector<2x128xf32>, vector<1000x128xf32> -> vector<1000x128xf32>
    %mul3A = arith.mulf %add3A_20, %dot_general3A_32 : vector<1000x128xf32>
    %get3A_33 = arith.constant 0 : index
    %get3A_34 = arith.constant 0 : index
    %get3A_35 = vector.load %arg4[%get3A_33, %get3A_34] : memref<1000x128xf32, #tpu.memory_space<vmem>>, vector<1000x128xf32>
    %concatenate3A = tpu.concatenate %mul3A, %get3A_35 in 1 : vector<1000x128xf32>, vector<1000x128xf32> -> vector<1000x256xf32>
    %get3A_36 = arith.constant 0 : index
    %get3A_37 = arith.constant 0 : index
    %get3A_38 = vector.load %arg7[%get3A_36, %get3A_37] : memref<256x128xf32, #tpu.memory_space<vmem>>, vector<256x128xf32>
    %dot_general3A_39 = arith.constant dense<0.000000e+00> : vector<1000x128xf32>
    %dot_general3A_40 = tpu.matmul %concatenate3A, %get3A_38, %dot_general3A_39 {dimension_numbers = #tpu.dot_dimension_numbers<[1], [0], [0], [1], [0, 0, 1, 1], [], []>, transpose_lhs_hint = false} : vector<1000x256xf32>, vector<256x128xf32>, vector<1000x128xf32> -> vector<1000x128xf32>
    %get3A_41 = arith.constant 0 : index
    %get3A_42 = arith.constant 0 : index
    %get3A_43 = vector.load %arg8[%get3A_41, %get3A_42] : memref<1x128xf32, #tpu.memory_space<vmem>>, vector<1x128xf32>
    %add3A_44 = vector.broadcast %get3A_43 : vector<1x128xf32> to vector<1000x128xf32>
    %add3A_45 = arith.addf %dot_general3A_40, %add3A_44 : vector<1000x128xf32>
    %max3A = arith.constant 0.000000e+00 : f32
    %max3A_46 = vector.broadcast %max3A : f32 to vector<1000x128xf32>
    %max3A_47 = arith.maximumf %add3A_45, %max3A_46 : vector<1000x128xf32>
    %get3A_48 = arith.constant 0 : index
    %get3A_49 = arith.constant 0 : index
    %get3A_50 = vector.load %arg6[%get3A_48, %get3A_49] : memref<1000x8xf32, #tpu.memory_space<vmem>>, vector<1000x1xf32>
    %get3A_51 = arith.constant 0 : index
    %get3A_52 = arith.constant 1 : index
    %get3A_53 = vector.load %arg6[%get3A_51, %get3A_52] : memref<1000x8xf32, #tpu.memory_space<vmem>>, vector<1000x1xf32>
    %get3A_54 = arith.constant 0 : index
    %get3A_55 = arith.constant 2 : index
    %get3A_56 = vector.load %arg6[%get3A_54, %get3A_55] : memref<1000x8xf32, #tpu.memory_space<vmem>>, vector<1000x1xf32>
    %sub3A = arith.subf %get3A_50, %get3A_53 : vector<1000x1xf32>
    %max3A_57 = arith.constant 0.000000e+00 : f32
    %max3A_58 = vector.broadcast %max3A_57 : f32 to vector<1000x1xf32>
    %max3A_59 = arith.maximumf %sub3A, %max3A_58 : vector<1000x1xf32>
    %get3A_60 = arith.constant 0 : index
    %get3A_61 = arith.constant 0 : index
    %get3A_62 = vector.load %arg9[%get3A_60, %get3A_61] : memref<1x128xf32, #tpu.memory_space<vmem>>, vector<1x128xf32>
    %dot_general3A_63 = arith.constant dense<0.000000e+00> : vector<1000x128xf32>
    %dot_general3A_64 = tpu.matmul %max3A_59, %get3A_62, %dot_general3A_63 {dimension_numbers = #tpu.dot_dimension_numbers<[1], [0], [0], [1], [0, 0, 1, 1], [], []>, transpose_lhs_hint = false} : vector<1000x1xf32>, vector<1x128xf32>, vector<1000x128xf32> -> vector<1000x128xf32>
    %get3A_65 = arith.constant 0 : index
    %get3A_66 = arith.constant 0 : index
    %get3A_67 = vector.load %arg10[%get3A_65, %get3A_66] : memref<1x128xf32, #tpu.memory_space<vmem>>, vector<1x128xf32>
    %add3A_68 = vector.broadcast %get3A_67 : vector<1x128xf32> to vector<1000x128xf32>
    %add3A_69 = arith.addf %dot_general3A_64, %add3A_68 : vector<1000x128xf32>
    %mul3A_70 = arith.constant 0.159154937 : f32
    %mul3A_71 = vector.broadcast %mul3A_70 : f32 to vector<1000x128xf32>
    %mul3A_72 = arith.mulf %add3A_69, %mul3A_71 : vector<1000x128xf32>
    %add3A_73 = arith.constant 0x4B400000 : f32
    %add3A_74 = vector.broadcast %add3A_73 : f32 to vector<1000x128xf32>
    %add3A_75 = arith.addf %mul3A_72, %add3A_74 : vector<1000x128xf32>
    %sub3A_76 = arith.constant 0x4B400000 : f32
    %sub3A_77 = vector.broadcast %sub3A_76 : f32 to vector<1000x128xf32>
    %sub3A_78 = arith.subf %add3A_75, %sub3A_77 : vector<1000x128xf32>
    %mul3A_79 = arith.constant 6.281250e+00 : f32
    %mul3A_80 = vector.broadcast %mul3A_79 : f32 to vector<1000x128xf32>
    %mul3A_81 = arith.mulf %sub3A_78, %mul3A_80 : vector<1000x128xf32>
    %sub3A_82 = arith.subf %add3A_69, %mul3A_81 : vector<1000x128xf32>
    %mul3A_83 = arith.constant 0.00193530717 : f32
    %mul3A_84 = vector.broadcast %mul3A_83 : f32 to vector<1000x128xf32>
    %mul3A_85 = arith.mulf %sub3A_78, %mul3A_84 : vector<1000x128xf32>
    %sub3A_86 = arith.subf %sub3A_82, %mul3A_85 : vector<1000x128xf32>
    %mul3A_87 = arith.constant 1.02531317E-11 : f32
    %mul3A_88 = vector.broadcast %mul3A_87 : f32 to vector<1000x128xf32>
    %mul3A_89 = arith.mulf %sub3A_78, %mul3A_88 : vector<1000x128xf32>
    %sub3A_90 = arith.subf %sub3A_86, %mul3A_89 : vector<1000x128xf32>
    %mul3A_91 = arith.mulf %sub3A_90, %sub3A_90 : vector<1000x128xf32>
    %mul3A_92 = arith.constant 4.12447854E-14 : f32
    %mul3A_93 = vector.broadcast %mul3A_92 : f32 to vector<1000x128xf32>
    %mul3A_94 = arith.mulf %mul3A_93, %mul3A_91 : vector<1000x128xf32>
    %add3A_95 = arith.constant -1.13527313E-11 : f32
    %add3A_96 = vector.broadcast %add3A_95 : f32 to vector<1000x128xf32>
    %add3A_97 = arith.addf %mul3A_94, %add3A_96 : vector<1000x128xf32>
    %mul3A_98 = arith.mulf %add3A_97, %mul3A_91 : vector<1000x128xf32>
    %add3A_99 = arith.constant 2.08653628E-9 : f32
    %add3A_100 = vector.broadcast %add3A_99 : f32 to vector<1000x128xf32>
    %add3A_101 = arith.addf %mul3A_98, %add3A_100 : vector<1000x128xf32>
    %mul3A_102 = arith.mulf %add3A_101, %mul3A_91 : vector<1000x128xf32>
    %add3A_103 = arith.constant -2.75567515E-7 : f32
    %add3A_104 = vector.broadcast %add3A_103 : f32 to vector<1000x128xf32>
    %add3A_105 = arith.addf %mul3A_102, %add3A_104 : vector<1000x128xf32>
    %mul3A_106 = arith.mulf %add3A_105, %mul3A_91 : vector<1000x128xf32>
    %add3A_107 = arith.constant 2.48015858E-5 : f32
    %add3A_108 = vector.broadcast %add3A_107 : f32 to vector<1000x128xf32>
    %add3A_109 = arith.addf %mul3A_106, %add3A_108 : vector<1000x128xf32>
    %mul3A_110 = arith.mulf %add3A_109, %mul3A_91 : vector<1000x128xf32>
    %add3A_111 = arith.constant -0.00138888916 : f32
    %add3A_112 = vector.broadcast %add3A_111 : f32 to vector<1000x128xf32>
    %add3A_113 = arith.addf %mul3A_110, %add3A_112 : vector<1000x128xf32>
    %mul3A_114 = arith.mulf %add3A_113, %mul3A_91 : vector<1000x128xf32>
    %add3A_115 = arith.constant 0.0416666679 : f32
    %add3A_116 = vector.broadcast %add3A_115 : f32 to vector<1000x128xf32>
    %add3A_117 = arith.addf %mul3A_114, %add3A_116 : vector<1000x128xf32>
    %mul3A_118 = arith.mulf %add3A_117, %mul3A_91 : vector<1000x128xf32>
    %add3A_119 = arith.constant -5.000000e-01 : f32
    %add3A_120 = vector.broadcast %add3A_119 : f32 to vector<1000x128xf32>
    %add3A_121 = arith.addf %mul3A_118, %add3A_120 : vector<1000x128xf32>
    %mul3A_122 = arith.mulf %add3A_121, %mul3A_91 : vector<1000x128xf32>
    %add3A_123 = arith.constant 1.000000e+00 : f32
    %add3A_124 = vector.broadcast %add3A_123 : f32 to vector<1000x128xf32>
    %add3A_125 = arith.addf %mul3A_122, %add3A_124 : vector<1000x128xf32>
    %get3A_126 = arith.constant 0 : index
    %get3A_127 = arith.constant 0 : index
    %get3A_128 = vector.load %arg5[%get3A_126, %get3A_127] : memref<1000x128xf32, #tpu.memory_space<vmem>>, vector<1000x128xf32>
    %concatenate3A_129 = tpu.concatenate %get3A_128, %add3A_125 in 1 : vector<1000x128xf32>, vector<1000x128xf32> -> vector<1000x256xf32>
    %get3A_130 = arith.constant 0 : index
    %get3A_131 = arith.constant 0 : index
    %get3A_132 = vector.load %arg11[%get3A_130, %get3A_131] : memref<256x128xf32, #tpu.memory_space<vmem>>, vector<256x128xf32>
    %dot_general3A_133 = arith.constant dense<0.000000e+00> : vector<1000x128xf32>
    %dot_general3A_134 = tpu.matmul %concatenate3A_129, %get3A_132, %dot_general3A_133 {dimension_numbers = #tpu.dot_dimension_numbers<[1], [0], [0], [1], [0, 0, 1, 1], [], []>, transpose_lhs_hint = false} : vector<1000x256xf32>, vector<256x128xf32>, vector<1000x128xf32> -> vector<1000x128xf32>
    %get3A_135 = arith.constant 0 : index
    %get3A_136 = arith.constant 0 : index
    %get3A_137 = vector.load %arg12[%get3A_135, %get3A_136] : memref<1x128xf32, #tpu.memory_space<vmem>>, vector<1x128xf32>
    %add3A_138 = vector.broadcast %get3A_137 : vector<1x128xf32> to vector<1000x128xf32>
    %add3A_139 = arith.addf %dot_general3A_134, %add3A_138 : vector<1000x128xf32>
    %max3A_140 = arith.constant 0.000000e+00 : f32
    %max3A_141 = vector.broadcast %max3A_140 : f32 to vector<1000x128xf32>
    %max3A_142 = arith.maximumf %add3A_139, %max3A_141 : vector<1000x128xf32>
    %get3A_143 = arith.constant 0 : index
    %get3A_144 = arith.constant 0 : index
    %get3A_145 = vector.load %arg13[%get3A_143, %get3A_144] : memref<128x128xf32, #tpu.memory_space<vmem>>, vector<128x128xf32>
    %dot_general3A_146 = arith.constant dense<0.000000e+00> : vector<1000x128xf32>
    %dot_general3A_147 = tpu.matmul %max3A_142, %get3A_145, %dot_general3A_146 {dimension_numbers = #tpu.dot_dimension_numbers<[1], [0], [0], [1], [0, 0, 1, 1], [], []>, transpose_lhs_hint = false} : vector<1000x128xf32>, vector<128x128xf32>, vector<1000x128xf32> -> vector<1000x128xf32>
    %get3A_148 = arith.constant 0 : index
    %get3A_149 = arith.constant 0 : index
    %get3A_150 = vector.load %arg14[%get3A_148, %get3A_149] : memref<1x128xf32, #tpu.memory_space<vmem>>, vector<1x128xf32>
    %add3A_151 = vector.broadcast %get3A_150 : vector<1x128xf32> to vector<1000x128xf32>
    %add3A_152 = arith.addf %dot_general3A_147, %add3A_151 : vector<1000x128xf32>
    %get3A_153 = arith.constant 0 : index
    %get3A_154 = arith.constant 0 : index
    %get3A_155 = vector.load %arg16[%get3A_153, %get3A_154] : memref<1x128xf32, #tpu.memory_space<vmem>>, vector<1x128xf32>
    %dot_general3A_156 = arith.constant dense<0.000000e+00> : vector<1000x128xf32>
    %dot_general3A_157 = tpu.matmul %get3A_56, %get3A_155, %dot_general3A_156 {dimension_numbers = #tpu.dot_dimension_numbers<[1], [0], [0], [1], [0, 0, 1, 1], [], []>, transpose_lhs_hint = false} : vector<1000x1xf32>, vector<1x128xf32>, vector<1000x128xf32> -> vector<1000x128xf32>
    %gt3A = arith.constant 5.000000e-01 : f32
    %gt3A_158 = vector.broadcast %gt3A : f32 to vector<1000x128xf32>
    %gt3A_159 = arith.cmpf ogt, %dot_general3A_157, %gt3A_158 : vector<1000x128xf32>
    %select_n3A = arith.select %gt3A_159, %add3A_152, %max3A_47 : vector<1000x128xi1>, vector<1000x128xf32>
    %swap3A = arith.constant 0 : index
    %swap3A_160 = arith.constant 0 : index
    %swap3A_161 = vector.load %arg17[%swap3A, %swap3A_160] : memref<1000x128xf32, #tpu.memory_space<vmem>>, vector<1000x128xf32>
    tpu.vector_store %arg17[%swap3A, %swap3A_160], %select_n3A {strides = array<i32>} : memref<1000x128xf32, #tpu.memory_space<vmem>>, vector<1000x128xf32>,
    return
  }
  func.func @transform_0(%arg0: i32) -> (i32, i32, i32) {
    %c0_i32 = arith.constant 0 : i32
    %c0_i32_0 = arith.constant 0 : i32
    %c0_i32_1 = arith.constant 0 : i32
    return %c0_i32, %arg0, %c0_i32_0 : i32, i32, i32
  }
  func.func @transform_1(%arg0: i32) -> (i32, i32, i32) {
    %c0_i32 = arith.constant 0 : i32
    %c0_i32_0 = arith.constant 0 : i32
    %c0_i32_1 = arith.constant 0 : i32
    return %c0_i32, %arg0, %c0_i32_0 : i32, i32, i32
  }
  func.func @transform_2(%arg0: i32) -> (i32, i32) {
    %c0_i32 = arith.constant 0 : i32
    %c0_i32_0 = arith.constant 0 : i32
    return %arg0, %c0_i32 : i32, i32
  }
  func.func @transform_3(%arg0: i32) -> (i32, i32) {
    %c0_i32 = arith.constant 0 : i32
    %c0_i32_0 = arith.constant 0 : i32
    return %arg0, %c0_i32 : i32, i32
  }
  func.func @transform_4(%arg0: i32) -> (i32, i32) {
    %c0_i32 = arith.constant 0 : i32
    %c0_i32_0 = arith.constant 0 : i32
    return %arg0, %c0_i32 : i32, i32
  }
  func.func @transform_5(%arg0: i32) -> (i32, i32) {
    %c0_i32 = arith.constant 0 : i32
    %c0_i32_0 = arith.constant 0 : i32
    return %arg0, %c0_i32 : i32, i32
  }
  func.func @transform_6(%arg0: i32) -> (i32, i32) {
    %c0_i32 = arith.constant 0 : i32
    %c0_i32_0 = arith.constant 0 : i32
    %c0_i32_1 = arith.constant 0 : i32
    return %c0_i32, %c0_i32_0 : i32, i32
  }
  func.func @transform_7(%arg0: i32) -> (i32, i32) {
    %c0_i32 = arith.constant 0 : i32
    %c0_i32_0 = arith.constant 0 : i32
    %c0_i32_1 = arith.constant 0 : i32
    return %c0_i32, %c0_i32_0 : i32, i32
  }
  func.func @transform_8(%arg0: i32) -> (i32, i32) {
    %c0_i32 = arith.constant 0 : i32
    %c0_i32_0 = arith.constant 0 : i32
    %c0_i32_1 = arith.constant 0 : i32
    return %c0_i32, %c0_i32_0 : i32, i32
  }
  func.func @transform_9(%arg0: i32) -> (i32, i32) {
    %c0_i32 = arith.constant 0 : i32
    %c0_i32_0 = arith.constant 0 : i32
    %c0_i32_1 = arith.constant 0 : i32
    return %c0_i32, %c0_i32_0 : i32, i32
  }
  func.func @transform_10(%arg0: i32) -> (i32, i32) {
    %c0_i32 = arith.constant 0 : i32
    %c0_i32_0 = arith.constant 0 : i32
    %c0_i32_1 = arith.constant 0 : i32
    return %c0_i32, %c0_i32_0 : i32, i32
  }
  func.func @transform_11(%arg0: i32) -> (i32, i32) {
    %c0_i32 = arith.constant 0 : i32
    %c0_i32_0 = arith.constant 0 : i32
    %c0_i32_1 = arith.constant 0 : i32
    return %c0_i32, %c0_i32_0 : i32, i32
  }
  func.func @transform_12(%arg0: i32) -> (i32, i32) {
    %c0_i32 = arith.constant 0 : i32
    %c0_i32_0 = arith.constant 0 : i32
    %c0_i32_1 = arith.constant 0 : i32
    return %c0_i32, %c0_i32_0 : i32, i32
  }
  func.func @transform_13(%arg0: i32) -> (i32, i32) {
    %c0_i32 = arith.constant 0 : i32
    %c0_i32_0 = arith.constant 0 : i32
    %c0_i32_1 = arith.constant 0 : i32
    return %c0_i32, %c0_i32_0 : i32, i32
  }
  func.func @transform_14(%arg0: i32) -> (i32, i32) {
    %c0_i32 = arith.constant 0 : i32
    %c0_i32_0 = arith.constant 0 : i32
    %c0_i32_1 = arith.constant 0 : i32
    return %c0_i32, %c0_i32_0 : i32, i32
  }
  func.func @transform_15(%arg0: i32) -> (i32, i32) {
    %c0_i32 = arith.constant 0 : i32
    %c0_i32_0 = arith.constant 0 : i32
    %c0_i32_1 = arith.constant 0 : i32
    return %c0_i32, %c0_i32_0 : i32, i32
  }
  func.func @transform_16(%arg0: i32) -> (i32, i32) {
    %c0_i32 = arith.constant 0 : i32
    %c0_i32_0 = arith.constant 0 : i32
    return %arg0, %c0_i32 : i32, i32
  }
}

</mosaic_0001>

<sc_bundles>
// kernel: kernel.10.cloned.1.call-start
scs
__scs_entry_jumppad:
0x0: {  	(pc) =	sbr.rel $0x88, $3  }
0x1: {  	(tag) =	ssettag $0x0;
	lr =	simm.s32 $0x1  }
0x2: {  	[smem:$0x3F7B] =	sst lr;
	_ =	strace $0xD0000000  }
0x3: {  	_ = 	snop  }
0x4: {  	_ = 	snop  }
0x5: {  	_ = 	snop  }
0x6: {  	_ = 	snop  }
0x7: {  	_ = 	snop  }
__scs_overlays_trampoline_lowered:
0x8: {  	[smem:$0x3F8A] =	sst s0  }
0x9: {  	[smem:$0x3F8B] =	sst s1  }
0xa: {  	[smem:$0x3F8C] =	sst s2  }
0xb: {  	[smem:$0x3F8D] =	sst s3  }
0xc: {  	[smem:$0x3F8E] =	sst s4  }
0xd: {  	[smem:$0x3F8F] =	sst s5  }
0xe: {  	[smem:$0x3F90] =	sst s6  }
0xf: {  	[smem:$0x3F91] =	sst s7  }
0x10: {  	[smem:$0x3F92] =	sst s8  }
0x11: {  	[smem:$0x3F93] =	sst s9;
	s0 =	simm.s32 @!p0 $0x0  }
0x12: {  	s1 =	sld [smem:$0x3F79];
	s0 =	simm.s32 @p0 $0x1  }
0x13: {  	[smem:$0x3F94] =	sst s0;
	s0 =	simm.s32 @!p1 $0x0  }
0x14: {  	s2 =	sld [smem:$0x3F78];
	s0 =	simm.s32 @p1 $0x1  }
0x15: {  	[smem:$0x3F95] =	sst s0;
	s0 =	simm.s32 @!p2 $0x0  }
0x16: {  	s3 =	sld [smem:$0x3FDB];
	s0 =	simm.s32 @p2 $0x1  }
0x17: {  	s4 =	simm.s32 $0x1BF5;
	[smem:$0x3F97] =	sst s0  }
0x18: {  	s0 =	sld [smem:$0x3F7A];
	_ =	swait.ge [sflag:s4], $0x0  }
0x19: {  	s7 =	sld [smem:$0x3F7B]  }
0x1a: {  	s8 =	sadd.s32 $0xFFFFE003, lr  }
0x1b: {  	s9 =	sadd.s32 $0xFFFFFEF7, lr;
	s5 =	simm.s32 $0xFFFFFFFF;
	p2 =	slt.u32 s8, $0xFFFFF086  }
0x1c: {  	p1 =	slt.u32 s9, $0xF7A;
	s5 =	simm.s32 @!p2 $0x0  }
0x1d: {  	s5 =	simm.s32 @p1 $0x1;
	p0 =	seq.s32 s7, s2  }
0x1e: {  	s7 =	smul.u32 @!p0 $0xF7A, s2;
	p2 =	seq.s32 @!p0 s5, $0x0  }
0x1f: {  	s9 =	smul.u32 $0xF7A, s1;
	s8 =	simm.s32 @!p0 $0x1BF5;
	p2 =	por !p2, p0  }
0x20: {  	[sflag:s8] =	ssyncset.s32 @!p0 $0xFFFFF086;
	s6 =	sadd.s32 @!p0 s3, s7;
	s7 =	simm.s32 @!p0 $0x108  }
0x21: {  	s3 =	sadd.s32 s3, s9;
	s6 =	sadd.s32 @!p0 $0x88, s6;
	s7 =	simm.s32 @p2 $0x1082  }
0x22: {  	[simem:s7], [sflag:s8] =	dma.local @!p0 [hbm:s6], $0xF7A  }
0x23: {  	s9 =	sor.u32 $0xD0000000, s2;
	s6 =	simm.s32 $0x108;
	_ =	swait.ge @!p0 [sflag:s8], $0x0  }
0x24: {  	s3 =	sadd.s32 $0x88, s3;
	s6 =	simm.s32 @!p1 $0x1082;
	[sflag:s4] =	ssyncset.s32 $0xFFFFF086  }
0x25: {  	[simem:s6], [sflag:s4] =	dma.local [hbm:s3], $0xF7A  }
0x26: {  	[smem:$0x3F7B] =	sst s1;
	(tag) =	ssettag s2;
	_ =	strace s9  }
0x27: {  	s1 =	sld [smem:$0x3F8B]  }
0x28: {  	s2 =	sld [smem:$0x3F8C]  }
0x29: {  	s4 =	sld [smem:$0x3F8E]  }
0x2a: {  	p0 =	seq.s32 s5, $0x0;
	s5 =	sld [smem:$0x3F8F]  }
0x2b: {  	s6 =	sld [smem:$0x3F90]  }
0x2c: {  	s7 =	sld [smem:$0x3F91]  }
0x2d: {  	s3 =	simm.s32 $0x108;
	s8 =	sld [smem:$0x3F92]  }
0x2e: {  	s3 =	simm.s32 @!p0 $0x1082;
	s9 =	sld [smem:$0x3F93]  }
0x2f: {  	lr =	sadd.s32 s0, s3;
	s0 =	sld [smem:$0x3F8A]  }
0x30: {  	s3 =	sld [smem:$0x3F8D]  }
0x31: {  	[smem:$0x3F96] =	sst s10  }
0x32: {  	s10 =	sld [smem:$0x3F94];
	_ =	sdelay $0x3  }
0x33: {  	p0 =	seq.s32 s10, $0x1;
	s10 =	sld [smem:$0x3F96];
	_ =	sdelay $0x3  }
0x34: {  	[smem:$0x3F96] =	sst s10  }
0x35: {  	s10 =	sld [smem:$0x3F95];
	_ =	sdelay $0x3  }
0x36: {  	p1 =	seq.s32 s10, $0x1;
	s10 =	sld [smem:$0x3F96];
	_ =	sdelay $0x3  }
0x37: {  	[smem:$0x3F96] =	sst s10  }
0x38: {  	s10 =	sld [smem:$0x3F97]  }
0x39: {  	_ = 	snop;
	(pc) =	sbr.ind lr, $3  }
0x3a: {  	_ = 	snop  }
0x3b: {  	_ = 	snop  }
0x3c: {  	p2 =	seq.s32 s10, $0x1;
	s10 =	sld [smem:$0x3F96]  }
0x3d: {  	_ =	shalt  }
0x3e: {  	_ =	shalt  }
0x3f: {  	_ =	shalt  }
0x40: {  	_ =	shalt  }
0x41: {  	_ =	shalt  }
0x42: {  	_ =	shalt  }
0x43: {  	_ =	shalt  }
0x44: {  	_ =	shalt  }
0x45: {  	_ =	shalt  }
0x46: {  	_ =	shalt  }
0x47: {  	_ =	shalt  }
0x48: {  	_ =	shalt  }
0x49: {  	_ =	shalt  }
0x4a: {  	_ =	shalt  }
0x4b: {  	_ =	shalt  }
0x4c: {  	_ =	shalt  }
0x4d: {  	_ =	shalt  }
0x4e: {  	_ =	shalt  }
0x4f: {  	_ =	shalt  }
0x50: {  	_ =	shalt  }
0x51: {  	_ =	shalt  }
0x52: {  	_ =	shalt  }
0x53: {  	_ =	shalt  }
0x54: {  	_ =	shalt  }
0x55: {  	_ =	shalt  }
0x56: {  	_ =	shalt  }
0x57: {  	_ =	shalt  }
0x58: {  	_ =	shalt  }
0x59: {  	_ =	shalt  }
0x5a: {  	_ =	shalt  }
0x5b: {  	_ =	shalt  }
0x5c: {  	_ =	shalt  }
0x5d: {  	_ =	shalt  }
0x5e: {  	_ =	shalt  }
0x5f: {  	_ =	shalt  }
0x60: {  	_ =	shalt  }
0x61: {  	_ =	shalt  }
0x62: {  	_ =	shalt  }
0x63: {  	_ =	shalt  }
0x64: {  	_ =	shalt  }
0x65: {  	_ =	shalt  }
0x66: {  	_ =	shalt  }
0x67: {  	_ =	shalt  }
0x68: {  	_ =	shalt  }
0x69: {  	_ =	shalt  }
0x6a: {  	_ =	shalt  }
0x6b: {  	_ =	shalt  }
0x6c: {  	_ =	shalt  }
0x6d: {  	_ =	shalt  }
0x6e: {  	_ =	shalt  }
0x6f: {  	_ =	shalt  }
0x70: {  	_ =	shalt  }
0x71: {  	_ =	shalt  }
0x72: {  	_ =	shalt  }
0x73: {  	_ =	shalt  }
0x74: {  	_ =	shalt  }
0x75: {  	_ =	shalt  }
0x76: {  	_ =	shalt  }
0x77: {  	_ =	shalt  }
0x78: {  	_ =	shalt  }
0x79: {  	_ =	shalt  }
0x7a: {  	_ =	shalt  }
0x7b: {  	_ =	shalt  }
0x7c: {  	_ =	shalt  }
0x7d: {  	_ =	shalt  }
0x7e: {  	_ =	shalt  }
0x7f: {  	_ =	shalt  }
0x80: {  	_ =	shalt  }
0x81: {  	_ =	shalt  }
0x82: {  	_ =	shalt  }
0x83: {  	_ =	shalt  }
0x84: {  	_ =	shalt  }
0x85: {  	_ =	shalt  }
0x86: {  	_ =	shalt  }
0x87: {  	_ =	shalt  }
.Lfunc_end0:
.L_simem_size_0:
called_computation_lowered:
.L_overlay_start_0:
0x88: {  	s2 =	sld [smem:$0x3FD9]  }
0x89: {  	s3 =	sld [smem:$0x3FFE];
	_ =	sdelay $0x1  }
0x8a: {  	s1 =	srdreg.scid  }
0x8b: {  	s0 =	sand.u32 $0x1, s1  }
0x8c: {  	s17 =	sshll.u32 s0, $0xA;
	s2 =	sadd.s32 s3, s2  }
0x8d: {  	s2 =	sadd.s32 s2, s17  }
0x8e: {  	[smem:$0x3FA2] =	sst s2  }
0x8f: {  	_ = 	snop  }
0x90: {  	(tm) =	ssettm $0x1  }
0x91: {  	s18 =	sld [smem:$0x3FFB];
	_ =	sdelay $0x3  }
0x92: {  	_ =	strace s18  }
0x93: {  	s2 =	sld [smem:$0x3FFC];
	_ =	sdelay $0x3  }
0x94: {  	_ =	strace s2  }
0x95: {  	s2 =	sld [smem:$0x3FFD];
	_ =	sdelay $0x3  }
0x96: {  	_ =	strace s2  }
0x97: {  	_ =	strace $0x8FFFFFFF  }
0x98: {  	s19 =	sld [smem:$0x3FDB];
	_ =	sdelay $0x1  }
0x99: {  	s20 =	simm.s32 $_scs_section_size  }
0x9a: {  	s4 =	simm.s32 $_size__tile_overlayer_lowered;
	s5 =	simm.s32 $_tile_overlayer_lowered  }
0x9b: {  	s6 =	simm.s32 $0x1BFF;
	s21 =	sshll.u32 s5, $0x1;
	s3 =	sadd.s32 s20, s19  }
0x9c: {  	s22 =	simm.s32 $0x0;
	s4 =	sshll.u32 s4, $0x1;
	s5 =	sadd.s32 s21, s3  }
0x9d: {  	[timem:s22], [sflag:s6] =	dma.local [hbm:s5], s4  }
0x9e: {  	_ =	swait.ge [sflag:s6], s4  }
0x9f: {  	s4 =	ssub.s32 $0x0, s4;
	[sflag:s6] =	ssyncset.done $0x0  }
0xa0: {  	[sflag:s6] =	ssyncadd.s32 s4;
	_ =	sdelay $0x1  }
0xa1: {  	s23 =	simm.s32 $0x1B8B  }
0xa2: {  	_ =	swait.ge [sflag:s23], $0x1  }
0xa3: {  	[sflag:s23] =	ssyncset.done $0x0  }
0xa4: {  	[sflag:s23] =	ssyncadd.s32 $0xFFFFFFFF  }
0xa5: {  	s4 =	sld [smem:$0x0]  }
0xa6: {  	s5 =	sand.u32 $0xFFFFFFFE, s1  }
0xa7: {  	p0 =	sne.s32 s1, s5  }
0xa8: {  	s5 =	sshll.u32 @p0 s5, $0xE  }
0xa9: {  	s5 =	sadd.s32 @p0 $0x11B8D, s5;
	s6 =	sshll.u32 @p0 s4, $0x11  }
0xaa: {  	s5 =	sor.u32 @p0 s6, s5  }
0xab: {  	[sflag:s5] =	ssyncadd.remote.s32 @p0 $0x1;
	_ =	sdelay $0x1  }
0xac: {  	s5 =	simm.s32 @p0 $0x1B8D  }
0xad: {  	_ =	swait.eq @p0 [sflag:s5], $0x1  }
0xae: {  	[sflag:s5] =	ssyncadd.s32 @p0 $0xFFFFFFFF  }
0xaf: {  	s6 =	sshll.u32 @!p0 s1, $0xE  }
0xb0: {  	s6 =	sor.u32 @!p0 $0x4000, s6;
	s5 =	simm.s32 @!p0 $0x1B8D  }
0xb1: {  	s4 =	sshll.u32 @!p0 s4, $0x11;
	s6 =	sadd.s32 @!p0 $0x11B8D, s6;
	_ =	swait.eq @!p0 [sflag:s5], $0x1  }
0xb2: {  	s4 =	sor.u32 @!p0 s4, s6;
	[sflag:s5] =	ssyncadd.s32 @!p0 $0xFFFFFFFF  }
0xb3: {  	s25 =	simm.s32 $0x1B8E;
	s24 =	sld [smem:$0x3FFE];
	[sflag:s4] =	ssyncadd.remote.s32 @!p0 $0x1  }
0xb4: {  	s26 =	simm.s32 $execute0_lowered;
	[smem:$0x3FD2] =	sst s25  }
0xb5: {  	s5 =	sshll.u32 s26, $0x1;
	_ =	strace $0x80000049;
	[dreg:$0x1] =	wrdreg $0xFFFFFFFF  }
0xb6: {  	s28 =	simm.s32 $_size_execute0_lowered;
	s3 =	sadd.s32 s3, s5;
	[dreg:$0x0] =	wrdreg $0x0  }
0xb7: {  	s5 =	sshll.u32 s28, $0x1;
	[dreg:$0x2] =	wrdreg s3  }
0xb8: {  	[dreg:$0x3] =	wrdreg s5  }
0xb9: {  	[dreg:$0x4] =	wrdreg $0xC0  }
0xba: {  	_ =	task [dreg:s22], $0x5FFFF  }
0xbb: {  	[dreg:$0x1] =	wrdreg $0xFFFFFFFF  }
0xbc: {  	[dreg:$0x0] =	wrdreg $0x60  }
0xbd: {  	[dreg:$0x2] =	wrdreg s24  }
0xbe: {  	[dreg:$0x3] =	wrdreg $0x9  }
0xbf: {  	_ =	task.clear_ibuf [dreg:s22], $0x4FFFF;
	_ =	strace $0x90000049  }
0xc0: {  	s29 =	simm.s32 $0x9;
	_ =	strace $0x8000004B  }
0xc1: {  	_ =	swait.ge [sflag:s29], $0x1  }
0xc2: {  	[sflag:s29] =	ssyncadd.s32 $0xFFFFFFFF  }
0xc3: {  	_ =	strace $0x9000004B  }
0xc4: {  	_ =	sfence  }
0xc5: {  	s30 =	sld [smem:$0x0];
	_ =	sdelay $0x2  }
0xc6: {  	s31 =	sshll.u32 s1, $0xD;
	s1 =	sshrl.u32 s1, $0x2  }
0xc7: {  	s4 =	sand.u32 $0x4000, s31;
	s1 =	sadd.s32 s1, s30  }
0xc8: {  	s0 =	sor.u32 s4, s0;
	s1 =	sshll.u32 s1, $0x11  }
0xc9: {  	s0 =	sor.u32 s1, s0  }
0xca: {  	s0 =	sadd.s32 $0x8F2B, s0  }
0xcb: {  	[sflag:s0] =	ssyncadd.remote.s32 $0x1  }
0xcc: {  	_ =	sfence.sel $0xFFFF  }
0xcd: {  	[dreg:$0x0] =	wrdreg $0xFFFFFFFF;
	(pc) =	sbr.abs _section_cstart, $3  }
0xce: {  	[dreg:$0x1] =	wrdreg $0xFFFFFFFF  }
0xcf: {  	_ =	task.clear_ibuf [dreg:s22], $0x2FFFF;
	_ =	strace $0x9FFFFFFF  }
0xd0: {  	(tm) =	ssettm $0x7FFFFFFF  }
0xd1: {  	_ =	shalt  }
tec
execute0_lowered:
.L_overlay_start_1:
0x0: {  	(tag) =	ssettag $0x1  }
0x1: {  	s0 =	rddreg [dreg:$0x0]  }
0x2: {  	s1 =	simm.s32 $0x0;
	s2 =	srdreg.scid;
	s7 =	stileid.u32  }
0x3: {  	s25 =	simm.s32 $0x4800;
	s10 =	simm.s32 $0x4000;
	s26 =	simm.s32 $0x5000  }
0x4: {  	s11 =	simm.s32 $0x5800;
	s12 =	simm.s32 $0x6000;
	s13 =	simm.s32 $0x6800  }
0x5: {  	s14 =	simm.s32 $0x7000;
	s15 =	simm.s32 $0x7800;
	s16 =	simm.s32 $0x8000  }
0x6: {  	s17 =	simm.s32 $0x8800;
	s18 =	simm.s32 $0x9000;
	s19 =	simm.s32 $0x9800  }
0x7: {  	s20 =	simm.s32 $0xA000;
	s28 =	simm.s32 $0xD800;
	s29 =	simm.s32 $0x1  }
0x8: {  	s30 =	simm.s32 $0x2;
	s31 =	simm.s32 $0x0;
	[smem:$0x7FF] =	sst s1  }
0x9: {  	s2 =	sand.u32 $0x1, s2;
	s3 =	sadd.s32 $0x1A200, s0;
	s4 =	sadd.s32 $0x68400, s0  }
0xa: {  	s6 =	sshll.u32 s7, $0xA;
	s7 =	smul.u32 $0x27600, s7;
	_ =	strace $0x8000004A  }
0xb: {  	s5 =	smul.u32 $0x276000, s2;
	s8 =	sshll.u32 s2, $0xE;
	[dreg:$0x4] =	wrdreg s25  }
0xc: {  	s2 =	ssub.s32 $0x2, s2;
	[dreg:$0x5] =	wrdreg s26;
	s25 =	simm.s32 $0xC800  }
0xd: {  	s26 =	simm.s32 $0xD000;
	s6 =	sor.u32 s6, s8;
	s21 =	sshrl.u32 s2, $0x1  }
0xe: {  	s8 =	simm.s32 $0x3;
	s5 =	sadd.s32 s5, s0;
	s0 =	sadd.s32 s6, s0  }
0xf: {  	s2 =	ssub.s32 s2, s21;
	s21 =	simm.s32 $0xA800;
	s23 =	sadd.s32 $0xA95800, s0  }
0x10: {  	s7 =	sadd.s32 s7, s5;
	s0 =	sadd.s32 $0xA8D800, s0;
	[dreg:$0x6] =	wrdreg s23  }
0x11: {  	v2 =	vlaneseq.u32;
	s22 =	sadd.s32 $0xF89800, s7;
	s24 =	sadd.s32 $0xA9D800, s7;
	[dreg:$0x7] =	wrdreg s0  }
0x12: {  	vm0 =	vmmov $0xffff;
	v1 =	vshrl.u32 v2, $0x3;
	s7 =	smax.u32 s2, $0x1;
	s23 =	simm.s32 $0xB800;
	[dreg:$0x2] =	wrdreg s22  }
0x13: {  	v0 =	vand.u32 $0x7, v2;
	v2 =	vor.u32 $0x8, v2;
	v1 =	vmul.u32 $0x8, v1;
	[dreg:$0x3] =	wrdreg s24;
	s22 =	simm.s32 $0xB000;
	s24 =	simm.s32 $0xC000  }
.LBB2_1:
0x14: {  	s0 =	rddreg [dreg:$0x6]  }
0x15: {  	[tilespmem:s1], [sflag:$0x3] =	stream.linear.gather [hbm4b:s0+s1], $0x1F80, $0x38;
	[tilespmem:$0xE000] =	vst v63  }
0x16: {  	_ =	swait.ge [sflag:s8], $0x1F80  }
0x17: {  	[sflag:s8] =	ssyncset.done $0x0  }
0x18: {  	s2 =	simm.s32 $0x2000;
	s9 =	rddreg [dreg:$0x7];
	[sflag:s8] =	ssyncadd.s32 $0xFFFFE080  }
0x19: {  	[tilespmem:s2], [sflag:$0x3] =	stream.linear.gather [hbm4b:s9+s1], $0x1F80, $0x38;
	[tilespmem:$0xE000] =	vst v63  }
0x1a: {  	_ =	swait.ge [sflag:s8], $0x1F80  }
0x1b: {  	s0 =	simm.s32 $0x2020;
	[sflag:s8] =	ssyncset.done $0x0  }
0x1c: {  	s2 =	simm.s32 $0x20;
	s9 =	simm.s32 $0x0;
	[sflag:s8] =	ssyncadd.s32 $0xFFFFE080  }
.LBB2_2:
0x1d: {  	v3 =	vld [tilespmem:s2+$0xFFFFFFE0];
	_ =	sdelay $0x4  }
0x1e: {  	v4 =	vshll.u32 v3, $0x1  }
0x1f: {  	v3 =	vand.u32 $0x7, v3;
	v4 =	vand.u32 $0xFFFFFFF0, v4  }
0x20: {  	v3 =	vor.u32 v3, v4  }
0x21: {  	v4 =	vperm.xlane v3, v0;
	_ =	sdelay $0x1  }
0x22: {  	v3 =	vperm.xlane v3, v2;
	v4 =	vadd.s32 v1, v4;
	_ =	sdelay $0x1  }
0x23: {  	v3 =	vadd.s32 v1, v3;
	_ =	sdelay $0x2  }
0x24: {  	[tilespmem:s10], [sflag:$0x1] =	stream.indirect_vreg.gather [hbm4b:s3+s1], $0x80, v4, vm0, $0xb8;
	[tilespmem:$0xE000] =	vst v63  }
0x25: {  	s5 =	rddreg [dreg:$0x4]  }
0x26: {  	[tilespmem:s5], [sflag:$0x1] =	stream.indirect_vreg.gather [hbm4b:s3+s1], $0x80, v3, vm0, $0xb8;
	[tilespmem:$0xE000] =	vst v63  }
0x27: {  	v3 =	vld [tilespmem:s2+$0xFFFFFFF0];
	_ =	sdelay $0x4  }
0x28: {  	v55 =	vshll.u32 v3, $0x1  }
0x29: {  	v3 =	vand.u32 $0x7, v3;
	v4 =	vand.u32 $0xFFFFFFF0, v55  }
0x2a: {  	v3 =	vor.u32 v3, v4  }
0x2b: {  	v4 =	vperm.xlane v3, v0;
	_ =	sdelay $0x1  }
0x2c: {  	v3 =	vperm.xlane v3, v2;
	v4 =	vadd.s32 v1, v4;
	_ =	sdelay $0x1  }
0x2d: {  	v3 =	vadd.s32 v1, v3;
	_ =	sdelay $0x1  }
0x2e: {  	s6 =	rddreg [dreg:$0x5]  }
0x2f: {  	[tilespmem:s6], [sflag:$0x1] =	stream.indirect_vreg.gather [hbm4b:s3+s1], $0x80, v4, vm0, $0xb8;
	[tilespmem:$0xE000] =	vst v63  }
0x30: {  	_ = 	snop  }
0x31: {  	[tilespmem:s11], [sflag:$0x1] =	stream.indirect_vreg.gather [hbm4b:s3+s1], $0x80, v3, vm0, $0xb8;
	[tilespmem:$0xE000] =	vst v63  }
0x32: {  	v3 =	vld [tilespmem:s2+$0x0];
	_ =	sdelay $0x4  }
0x33: {  	v56 =	vshll.u32 v3, $0x1  }
0x34: {  	v3 =	vand.u32 $0x7, v3;
	v4 =	vand.u32 $0xFFFFFFF0, v56  }
0x35: {  	v3 =	vor.u32 v3, v4  }
0x36: {  	v4 =	vperm.xlane v3, v0;
	_ =	sdelay $0x1  }
0x37: {  	v3 =	vperm.xlane v3, v2;
	v4 =	vadd.s32 v1, v4;
	_ =	sdelay $0x1  }
0x38: {  	v3 =	vadd.s32 v1, v3;
	_ =	sdelay $0x2  }
0x39: {  	[tilespmem:s12], [sflag:$0x1] =	stream.indirect_vreg.gather [hbm4b:s3+s1], $0x80, v4, vm0, $0xb8;
	[tilespmem:$0xE000] =	vst v63  }
0x3a: {  	_ = 	snop  }
0x3b: {  	[tilespmem:s13], [sflag:$0x1] =	stream.indirect_vreg.gather [hbm4b:s3+s1], $0x80, v3, vm0, $0xb8;
	[tilespmem:$0xE000] =	vst v63  }
0x3c: {  	v3 =	vld [tilespmem:s2+$0x10];
	_ =	sdelay $0x4  }
0x3d: {  	v57 =	vshll.u32 v3, $0x1  }
0x3e: {  	v3 =	vand.u32 $0x7, v3;
	v4 =	vand.u32 $0xFFFFFFF0, v57  }
0x3f: {  	v3 =	vor.u32 v3, v4  }
0x40: {  	v4 =	vperm.xlane v3, v0;
	_ =	sdelay $0x1  }
0x41: {  	v3 =	vperm.xlane v3, v2;
	v4 =	vadd.s32 v1, v4;
	_ =	sdelay $0x1  }
0x42: {  	v3 =	vadd.s32 v1, v3;
	_ =	sdelay $0x2  }
0x43: {  	[tilespmem:s14], [sflag:$0x1] =	stream.indirect_vreg.gather [hbm4b:s3+s1], $0x80, v4, vm0, $0xb8;
	[tilespmem:$0xE000] =	vst v63  }
0x44: {  	_ = 	snop  }
0x45: {  	[tilespmem:s15], [sflag:$0x1] =	stream.indirect_vreg.gather [hbm4b:s3+s1], $0x80, v3, vm0, $0xb8;
	[tilespmem:$0xE000] =	vst v63  }
0x46: {  	v3 =	vld [tilespmem:s2+$0x20];
	_ =	sdelay $0x4  }
0x47: {  	v58 =	vshll.u32 v3, $0x1  }
0x48: {  	v3 =	vand.u32 $0x7, v3;
	v4 =	vand.u32 $0xFFFFFFF0, v58  }
0x49: {  	v3 =	vor.u32 v3, v4  }
0x4a: {  	v4 =	vperm.xlane v3, v0;
	_ =	sdelay $0x1  }
0x4b: {  	v3 =	vperm.xlane v3, v2;
	v4 =	vadd.s32 v1, v4;
	_ =	sdelay $0x1  }
0x4c: {  	v3 =	vadd.s32 v1, v3;
	_ =	sdelay $0x2  }
0x4d: {  	[tilespmem:s16], [sflag:$0x1] =	stream.indirect_vreg.gather [hbm4b:s3+s1], $0x80, v4, vm0, $0xb8;
	[tilespmem:$0xE000] =	vst v63  }
0x4e: {  	_ = 	snop  }
0x4f: {  	[tilespmem:s17], [sflag:$0x1] =	stream.indirect_vreg.gather [hbm4b:s3+s1], $0x80, v3, vm0, $0xb8;
	[tilespmem:$0xE000] =	vst v63  }
0x50: {  	v3 =	vld [tilespmem:s0+$0xFFFFFFE0];
	_ =	sdelay $0x4  }
0x51: {  	v59 =	vshll.u32 v3, $0x1  }
0x52: {  	v3 =	vand.u32 $0x7, v3;
	v4 =	vand.u32 $0xFFFFFFF0, v59  }
0x53: {  	v3 =	vor.u32 v3, v4  }
0x54: {  	v4 =	vperm.xlane v3, v0;
	_ =	sdelay $0x1  }
0x55: {  	v3 =	vperm.xlane v3, v2;
	v4 =	vadd.s32 v1, v4;
	_ =	sdelay $0x1  }
0x56: {  	v3 =	vadd.s32 v1, v3;
	_ =	sdelay $0x2  }
0x57: {  	[tilespmem:s18], [sflag:$0x2] =	stream.indirect_vreg.gather [hbm4b:s4+s1], $0x80, v4, vm0, $0xb8;
	[tilespmem:$0xE000] =	vst v63  }
0x58: {  	_ = 	snop  }
0x59: {  	[tilespmem:s19], [sflag:$0x2] =	stream.indirect_vreg.gather [hbm4b:s4+s1], $0x80, v3, vm0, $0xb8;
	[tilespmem:$0xE000] =	vst v63  }
0x5a: {  	v3 =	vld [tilespmem:s0+$0xFFFFFFF0];
	_ =	sdelay $0x4  }
0x5b: {  	v60 =	vshll.u32 v3, $0x1  }
0x5c: {  	v3 =	vand.u32 $0x7, v3;
	v4 =	vand.u32 $0xFFFFFFF0, v60  }
0x5d: {  	v3 =	vor.u32 v3, v4  }
0x5e: {  	v4 =	vperm.xlane v3, v0;
	_ =	sdelay $0x1  }
0x5f: {  	v3 =	vperm.xlane v3, v2;
	v4 =	vadd.s32 v1, v4;
	_ =	sdelay $0x1  }
0x60: {  	v3 =	vadd.s32 v1, v3;
	_ =	sdelay $0x2  }
0x61: {  	[tilespmem:s20], [sflag:$0x2] =	stream.indirect_vreg.gather [hbm4b:s4+s1], $0x80, v4, vm0, $0xb8;
	[tilespmem:$0xE000] =	vst v63  }
0x62: {  	_ = 	snop  }
0x63: {  	[tilespmem:s21], [sflag:$0x2] =	stream.indirect_vreg.gather [hbm4b:s4+s1], $0x80, v3, vm0, $0xb8;
	[tilespmem:$0xE000] =	vst v63  }
0x64: {  	v3 =	vld [tilespmem:s0+$0x0];
	_ =	sdelay $0x4  }
0x65: {  	v61 =	vshll.u32 v3, $0x1  }
0x66: {  	v3 =	vand.u32 $0x7, v3;
	v4 =	vand.u32 $0xFFFFFFF0, v61  }
0x67: {  	v3 =	vor.u32 v3, v4  }
0x68: {  	v4 =	vperm.xlane v3, v0;
	_ =	sdelay $0x1  }
0x69: {  	v3 =	vperm.xlane v3, v2;
	v4 =	vadd.s32 v1, v4;
	_ =	sdelay $0x1  }
0x6a: {  	v3 =	vadd.s32 v1, v3;
	_ =	sdelay $0x2  }
0x6b: {  	[tilespmem:s22], [sflag:$0x2] =	stream.indirect_vreg.gather [hbm4b:s4+s1], $0x80, v4, vm0, $0xb8;
	[tilespmem:$0xE000] =	vst v63  }
0x6c: {  	_ = 	snop  }
0x6d: {  	[tilespmem:s23], [sflag:$0x2] =	stream.indirect_vreg.gather [hbm4b:s4+s1], $0x80, v3, vm0, $0xb8;
	[tilespmem:$0xE000] =	vst v63  }
0x6e: {  	v3 =	vld [tilespmem:s0+$0x10];
	_ =	sdelay $0x4  }
0x6f: {  	v62 =	vshll.u32 v3, $0x1  }
0x70: {  	v3 =	vand.u32 $0x7, v3;
	v4 =	vand.u32 $0xFFFFFFF0, v62  }
0x71: {  	v3 =	vor.u32 v3, v4  }
0x72: {  	v4 =	vperm.xlane v3, v0;
	_ =	sdelay $0x1  }
0x73: {  	v3 =	vperm.xlane v3, v2;
	v4 =	vadd.s32 v1, v4;
	_ =	sdelay $0x1  }
0x74: {  	v3 =	vadd.s32 v1, v3;
	_ =	sdelay $0x2  }
0x75: {  	[tilespmem:s24], [sflag:$0x2] =	stream.indirect_vreg.gather [hbm4b:s4+s1], $0x80, v4, vm0, $0xb8;
	[tilespmem:$0xE000] =	vst v63  }
0x76: {  	_ = 	snop  }
0x77: {  	[tilespmem:s25], [sflag:$0x2] =	stream.indirect_vreg.gather [hbm4b:s4+s1], $0x80, v3, vm0, $0xb8;
	[tilespmem:$0xE000] =	vst v63  }
0x78: {  	v3 =	vld [tilespmem:s0+$0x20];
	_ =	sdelay $0x4  }
0x79: {  	v63 =	vshll.u32 v3, $0x1  }
0x7a: {  	v3 =	vand.u32 $0x7, v3;
	v4 =	vand.u32 $0xFFFFFFF0, v63  }
0x7b: {  	v3 =	vor.u32 v3, v4  }
0x7c: {  	v4 =	vperm.xlane v3, v0;
	_ =	sdelay $0x1  }
0x7d: {  	v3 =	vperm.xlane v3, v2;
	v4 =	vadd.s32 v1, v4;
	_ =	sdelay $0x1  }
0x7e: {  	v3 =	vadd.s32 v1, v3;
	_ =	sdelay $0x2  }
0x7f: {  	[tilespmem:s26], [sflag:$0x2] =	stream.indirect_vreg.gather [hbm4b:s4+s1], $0x80, v4, vm0, $0xb8;
	[tilespmem:$0xE000] =	vst v63  }
0x80: {  	_ = 	snop  }
0x81: {  	[tilespmem:s28], [sflag:$0x2] =	stream.indirect_vreg.gather [hbm4b:s4+s1], $0x80, v3, vm0, $0xb8;
	[tilespmem:$0xE000] =	vst v63  }
0x82: {  	_ =	swait.ge [sflag:s29], $0x5000  }
0x83: {  	[sflag:s29] =	ssyncset.done $0x0  }
0x84: {  	[sflag:s29] =	ssyncadd.s32 $0xFFFFB000  }
0x85: {  	_ =	swait.ge [sflag:s30], $0x5000  }
0x86: {  	s5 =	rddreg [dreg:$0x3];
	[sflag:s30] =	ssyncset.done $0x0  }
0x87: {  	s6 =	rddreg [dreg:$0x2];
	[sflag:s30] =	ssyncadd.s32 $0xFFFFB000;
	s5 =	sadd.s32 s9, s5  }
0x88: {  	[hbm4b:s5+s1] =	stream.linear.scatter [tilespmem:s10], [sflag:$0x1], $0x5000, $0x38;
	[tilespmem:$0xE000] =	vst v63  }
0x89: {  	s6 =	sadd.s32 s9, s6  }
0x8a: {  	[hbm4b:s6+s1] =	stream.linear.scatter [tilespmem:s18], [sflag:$0x2], $0x5000, $0x38;
	[tilespmem:$0xE000] =	vst v63  }
0x8b: {  	p0 =	sne.s32 s9, $0x26C00;
	_ =	swait.ge [sflag:s29], $0x5000  }
.Ltmp0:
0x8c: {  	[sflag:s29] =	ssyncset.done $0x0;
	(pc) =	sbr.rel @p0 .LBB2_2-.Ltmp0, $4  }
0x8d: {  	[sflag:s29] =	ssyncadd.s32 $0xFFFFB000  }
0x8e: {  	_ =	swait.ge [sflag:s30], $0x5000  }
0x8f: {  	s2 =	sadd.s32 $0x80, s2;
	[sflag:s30] =	ssyncset.done $0x0  }
0x90: {  	s0 =	sadd.s32 $0x80, s0;
	s9 =	sadd.s32 $0xA00, s9;
	[sflag:s30] =	ssyncadd.s32 $0xFFFFB000  }
0x91: {  	s31 =	sadd.s32 $0x1, s31  }
0x92: {  	p0 =	sne.s32 s31, s7  }
.Ltmp1:
0x93: {  	_ = 	snop;
	(pc) =	sbr.rel @p0 .LBB2_1-.Ltmp1, $1  }
0x94: {  	_ =	sdelay $0x3  }
0x95: {  	_ =	sfence.sel $0x180000  }
0x96: {  	[bflag:$0x0] =	sbarrier.arrive $0xFFFF  }
0x97: {  	_ =	strace $0x9000004A  }
0x98: {  	s0 =	stileid.u32;
	[bflag:$0x2] =	sbarrier.arrive $0xFFFF  }
0x99: {  	p0 =	sne.s32 s0, $0x0;
	s0 =	rddreg [dreg:$0x1]  }
0x9a: {  	s0 =	sadd.s32 @!p0 $0x100000, s0  }
0x9b: {  	[sflag:s0] =	ssyncadd.tile.s32 @!p0 $0x1;
	_ =	shalt  }
.Lfunc_end2:
_tile_overlayer_lowered:
.L_overlay_start_2:
0x9c: {  	(tag) =	ssettag $0x2  }
0x9d: {  	s0 =	rddreg [dreg:$0x0];
	s2 =	stileid.u32  }
0x9e: {  	s1 =	rddreg [dreg:$0x1];
	p0 =	sne.s32 s2, $0x0  }
0x9f: {  	s3 =	rddreg [dreg:$0x2];
	[bflag:$0x3] =	sbarrier.arrive $0xFFFF;
	s2 =	simm.s32 @!p0 $0x1C03  }
0xa0: {  	[timem:s3], [sflag:s2] =	dma.local @!p0 [hbm:s0], s1  }
0xa1: {  	s0 =	simm.s32 @!p0 $0x3  }
0xa2: {  	_ =	swait.ge @!p0 [sflag:s0], s1  }
0xa3: {  	s1 =	ssub.s32 @!p0 $0x0, s1;
	[sflag:s0] =	ssyncset.done @!p0 $0x0  }
0xa4: {  	[sflag:s0] =	ssyncadd.s32 @!p0 s1  }
0xa5: {  	[bflag:$0x3] =	sbarrier.arrive $0xFFFF  }
0xa6: {  	_ =	shalt  }

// kernel: kernel.13.cloned.1.call-start
scs
__scs_entry_jumppad:
0x0: {  	(pc) =	sbr.rel $0x88, $3  }
0x1: {  	(tag) =	ssettag $0x0;
	lr =	simm.s32 $0x1  }
0x2: {  	[smem:$0x3F7B] =	sst lr;
	_ =	strace $0xD0000000  }
0x3: {  	_ = 	snop  }
0x4: {  	_ = 	snop  }
0x5: {  	_ = 	snop  }
0x6: {  	_ = 	snop  }
0x7: {  	_ = 	snop  }
__scs_overlays_trampoline_lowered:
0x8: {  	[smem:$0x3F8A] =	sst s0  }
0x9: {  	[smem:$0x3F8B] =	sst s1  }
0xa: {  	[smem:$0x3F8C] =	sst s2  }
0xb: {  	[smem:$0x3F8D] =	sst s3  }
0xc: {  	[smem:$0x3F8E] =	sst s4  }
0xd: {  	[smem:$0x3F8F] =	sst s5  }
0xe: {  	[smem:$0x3F90] =	sst s6  }
0xf: {  	[smem:$0x3F91] =	sst s7  }
0x10: {  	[smem:$0x3F92] =	sst s8  }
0x11: {  	[smem:$0x3F93] =	sst s9;
	s0 =	simm.s32 @!p0 $0x0  }
0x12: {  	s1 =	sld [smem:$0x3F79];
	s0 =	simm.s32 @p0 $0x1  }
0x13: {  	[smem:$0x3F94] =	sst s0;
	s0 =	simm.s32 @!p1 $0x0  }
0x14: {  	s2 =	sld [smem:$0x3F78];
	s0 =	simm.s32 @p1 $0x1  }
0x15: {  	[smem:$0x3F95] =	sst s0;
	s0 =	simm.s32 @!p2 $0x0  }
0x16: {  	s3 =	sld [smem:$0x3FDB];
	s0 =	simm.s32 @p2 $0x1  }
0x17: {  	s4 =	simm.s32 $0x1BF5;
	[smem:$0x3F97] =	sst s0  }
0x18: {  	s0 =	sld [smem:$0x3F7A];
	_ =	swait.ge [sflag:s4], $0x0  }
0x19: {  	s7 =	sld [smem:$0x3F7B]  }
0x1a: {  	s8 =	sadd.s32 $0xFFFFE003, lr  }
0x1b: {  	s9 =	sadd.s32 $0xFFFFFEF7, lr;
	s5 =	simm.s32 $0xFFFFFFFF;
	p2 =	slt.u32 s8, $0xFFFFF086  }
0x1c: {  	p1 =	slt.u32 s9, $0xF7A;
	s5 =	simm.s32 @!p2 $0x0  }
0x1d: {  	s5 =	simm.s32 @p1 $0x1;
	p0 =	seq.s32 s7, s2  }
0x1e: {  	s7 =	smul.u32 @!p0 $0xF7A, s2;
	p2 =	seq.s32 @!p0 s5, $0x0  }
0x1f: {  	s9 =	smul.u32 $0xF7A, s1;
	s8 =	simm.s32 @!p0 $0x1BF5;
	p2 =	por !p2, p0  }
0x20: {  	[sflag:s8] =	ssyncset.s32 @!p0 $0xFFFFF086;
	s6 =	sadd.s32 @!p0 s3, s7;
	s7 =	simm.s32 @!p0 $0x108  }
0x21: {  	s3 =	sadd.s32 s3, s9;
	s6 =	sadd.s32 @!p0 $0x88, s6;
	s7 =	simm.s32 @p2 $0x1082  }
0x22: {  	[simem:s7], [sflag:s8] =	dma.local @!p0 [hbm:s6], $0xF7A  }
0x23: {  	s9 =	sor.u32 $0xD0000000, s2;
	s6 =	simm.s32 $0x108;
	_ =	swait.ge @!p0 [sflag:s8], $0x0  }
0x24: {  	s3 =	sadd.s32 $0x88, s3;
	s6 =	simm.s32 @!p1 $0x1082;
	[sflag:s4] =	ssyncset.s32 $0xFFFFF086  }
0x25: {  	[simem:s6], [sflag:s4] =	dma.local [hbm:s3], $0xF7A  }
0x26: {  	[smem:$0x3F7B] =	sst s1;
	(tag) =	ssettag s2;
	_ =	strace s9  }
0x27: {  	s1 =	sld [smem:$0x3F8B]  }
0x28: {  	s2 =	sld [smem:$0x3F8C]  }
0x29: {  	s4 =	sld [smem:$0x3F8E]  }
0x2a: {  	p0 =	seq.s32 s5, $0x0;
	s5 =	sld [smem:$0x3F8F]  }
0x2b: {  	s6 =	sld [smem:$0x3F90]  }
0x2c: {  	s7 =	sld [smem:$0x3F91]  }
0x2d: {  	s3 =	simm.s32 $0x108;
	s8 =	sld [smem:$0x3F92]  }
0x2e: {  	s3 =	simm.s32 @!p0 $0x1082;
	s9 =	sld [smem:$0x3F93]  }
0x2f: {  	lr =	sadd.s32 s0, s3;
	s0 =	sld [smem:$0x3F8A]  }
0x30: {  	s3 =	sld [smem:$0x3F8D]  }
0x31: {  	[smem:$0x3F96] =	sst s10  }
0x32: {  	s10 =	sld [smem:$0x3F94];
	_ =	sdelay $0x3  }
0x33: {  	p0 =	seq.s32 s10, $0x1;
	s10 =	sld [smem:$0x3F96];
	_ =	sdelay $0x3  }
0x34: {  	[smem:$0x3F96] =	sst s10  }
0x35: {  	s10 =	sld [smem:$0x3F95];
	_ =	sdelay $0x3  }
0x36: {  	p1 =	seq.s32 s10, $0x1;
	s10 =	sld [smem:$0x3F96];
	_ =	sdelay $0x3  }
0x37: {  	[smem:$0x3F96] =	sst s10  }
0x38: {  	s10 =	sld [smem:$0x3F97]  }
0x39: {  	_ = 	snop;
	(pc) =	sbr.ind lr, $3  }
0x3a: {  	_ = 	snop  }
0x3b: {  	_ = 	snop  }
0x3c: {  	p2 =	seq.s32 s10, $0x1;
	s10 =	sld [smem:$0x3F96]  }
0x3d: {  	_ =	shalt  }
0x3e: {  	_ =	shalt  }
0x3f: {  	_ =	shalt  }
0x40: {  	_ =	shalt  }
0x41: {  	_ =	shalt  }
0x42: {  	_ =	shalt  }
0x43: {  	_ =	shalt  }
0x44: {  	_ =	shalt  }
0x45: {  	_ =	shalt  }
0x46: {  	_ =	shalt  }
0x47: {  	_ =	shalt  }
0x48: {  	_ =	shalt  }
0x49: {  	_ =	shalt  }
0x4a: {  	_ =	shalt  }
0x4b: {  	_ =	shalt  }
0x4c: {  	_ =	shalt  }
0x4d: {  	_ =	shalt  }
0x4e: {  	_ =	shalt  }
0x4f: {  	_ =	shalt  }
0x50: {  	_ =	shalt  }
0x51: {  	_ =	shalt  }
0x52: {  	_ =	shalt  }
0x53: {  	_ =	shalt  }
0x54: {  	_ =	shalt  }
0x55: {  	_ =	shalt  }
0x56: {  	_ =	shalt  }
0x57: {  	_ =	shalt  }
0x58: {  	_ =	shalt  }
0x59: {  	_ =	shalt  }
0x5a: {  	_ =	shalt  }
0x5b: {  	_ =	shalt  }
0x5c: {  	_ =	shalt  }
0x5d: {  	_ =	shalt  }
0x5e: {  	_ =	shalt  }
0x5f: {  	_ =	shalt  }
0x60: {  	_ =	shalt  }
0x61: {  	_ =	shalt  }
0x62: {  	_ =	shalt  }
0x63: {  	_ =	shalt  }
0x64: {  	_ =	shalt  }
0x65: {  	_ =	shalt  }
0x66: {  	_ =	shalt  }
0x67: {  	_ =	shalt  }
0x68: {  	_ =	shalt  }
0x69: {  	_ =	shalt  }
0x6a: {  	_ =	shalt  }
0x6b: {  	_ =	shalt  }
0x6c: {  	_ =	shalt  }
0x6d: {  	_ =	shalt  }
0x6e: {  	_ =	shalt  }
0x6f: {  	_ =	shalt  }
0x70: {  	_ =	shalt  }
0x71: {  	_ =	shalt  }
0x72: {  	_ =	shalt  }
0x73: {  	_ =	shalt  }
0x74: {  	_ =	shalt  }
0x75: {  	_ =	shalt  }
0x76: {  	_ =	shalt  }
0x77: {  	_ =	shalt  }
0x78: {  	_ =	shalt  }
0x79: {  	_ =	shalt  }
0x7a: {  	_ =	shalt  }
0x7b: {  	_ =	shalt  }
0x7c: {  	_ =	shalt  }
0x7d: {  	_ =	shalt  }
0x7e: {  	_ =	shalt  }
0x7f: {  	_ =	shalt  }
0x80: {  	_ =	shalt  }
0x81: {  	_ =	shalt  }
0x82: {  	_ =	shalt  }
0x83: {  	_ =	shalt  }
0x84: {  	_ =	shalt  }
0x85: {  	_ =	shalt  }
0x86: {  	_ =	shalt  }
0x87: {  	_ =	shalt  }
.Lfunc_end0:
.L_simem_size_0:
called_computation.1_lowered:
.L_overlay_start_0:
0x88: {  	s2 =	sld [smem:$0x3FD9]  }
0x89: {  	s3 =	sld [smem:$0x3FFE];
	_ =	sdelay $0x1  }
0x8a: {  	s1 =	srdreg.scid  }
0x8b: {  	s0 =	sand.u32 $0x1, s1  }
0x8c: {  	s16 =	sshll.u32 s0, $0xA;
	s2 =	sadd.s32 s3, s2  }
0x8d: {  	s2 =	sadd.s32 s2, s16  }
0x8e: {  	[smem:$0x3FA2] =	sst s2  }
0x8f: {  	_ = 	snop  }
0x90: {  	(tm) =	ssettm $0x1  }
0x91: {  	s17 =	sld [smem:$0x3FFB];
	_ =	sdelay $0x3  }
0x92: {  	_ =	strace s17  }
0x93: {  	s2 =	sld [smem:$0x3FFC];
	_ =	sdelay $0x3  }
0x94: {  	_ =	strace s2  }
0x95: {  	s2 =	sld [smem:$0x3FFD];
	_ =	sdelay $0x3  }
0x96: {  	_ =	strace s2  }
0x97: {  	_ =	strace $0x8FFFFFFF  }
0x98: {  	s18 =	sld [smem:$0x3FDB];
	_ =	sdelay $0x1  }
0x99: {  	s19 =	simm.s32 $_scs_section_size  }
0x9a: {  	s4 =	simm.s32 $_size__tile_overlayer_lowered;
	s5 =	simm.s32 $_tile_overlayer_lowered  }
0x9b: {  	s22 =	simm.s32 $0x1BFF;
	s21 =	sshll.u32 s5, $0x1;
	s2 =	sadd.s32 s19, s18  }
0x9c: {  	s6 =	simm.s32 $0x0;
	s20 =	sshll.u32 s4, $0x1;
	s4 =	sadd.s32 s21, s2  }
0x9d: {  	[timem:s6], [sflag:s22] =	dma.local [hbm:s4], s20  }
0x9e: {  	_ =	swait.ge [sflag:s22], s20  }
0x9f: {  	s3 =	ssub.s32 $0x0, s20;
	[sflag:s22] =	ssyncset.done $0x0  }
0xa0: {  	[sflag:s22] =	ssyncadd.s32 s3;
	_ =	sdelay $0x1  }
0xa1: {  	s23 =	simm.s32 $0x1B8B  }
0xa2: {  	_ =	swait.ge [sflag:s23], $0x1  }
0xa3: {  	[sflag:s23] =	ssyncset.done $0x0  }
0xa4: {  	s25 =	simm.s32 $0x1B8E;
	s24 =	sld [smem:$0x3FFE];
	[sflag:s23] =	ssyncadd.s32 $0xFFFFFFFF  }
0xa5: {  	s26 =	simm.s32 $execute0_lowered;
	[smem:$0x3FD2] =	sst s25  }
0xa6: {  	s4 =	sshll.u32 s26, $0x1;
	_ =	strace $0x80000046;
	[dreg:$0x1] =	wrdreg $0xFFFFFFFF  }
0xa7: {  	s28 =	simm.s32 $_size_execute0_lowered;
	s2 =	sadd.s32 s2, s4;
	[dreg:$0x0] =	wrdreg $0x0  }
0xa8: {  	s4 =	sshll.u32 s28, $0x1;
	[dreg:$0x2] =	wrdreg s2  }
0xa9: {  	[dreg:$0x3] =	wrdreg s4  }
0xaa: {  	[dreg:$0x4] =	wrdreg $0xC0  }
0xab: {  	_ =	task [dreg:s6], $0x5FFFF  }
0xac: {  	[dreg:$0x1] =	wrdreg $0xFFFFFFFF  }
0xad: {  	[dreg:$0x0] =	wrdreg $0x60  }
0xae: {  	[dreg:$0x2] =	wrdreg s24  }
0xaf: {  	[dreg:$0x3] =	wrdreg $0xA  }
0xb0: {  	_ =	task.clear_ibuf [dreg:s6], $0x4FFFF;
	_ =	strace $0x90000046  }
0xb1: {  	s29 =	simm.s32 $0xA;
	_ =	strace $0x80000048  }
0xb2: {  	_ =	swait.ge [sflag:s29], $0x1  }
0xb3: {  	[sflag:s29] =	ssyncadd.s32 $0xFFFFFFFF  }
0xb4: {  	_ =	strace $0x90000048  }
0xb5: {  	_ =	sfence  }
0xb6: {  	s30 =	sld [smem:$0x0];
	_ =	sdelay $0x2  }
0xb7: {  	s31 =	sshll.u32 s1, $0xD;
	s1 =	sshrl.u32 s1, $0x2  }
0xb8: {  	s3 =	sand.u32 $0x4000, s31;
	s1 =	sadd.s32 s1, s30  }
0xb9: {  	s0 =	sor.u32 s3, s0;
	s1 =	sshll.u32 s1, $0x11  }
0xba: {  	s0 =	sor.u32 s1, s0  }
0xbb: {  	s0 =	sadd.s32 $0x8F2B, s0  }
0xbc: {  	[sflag:s0] =	ssyncadd.remote.s32 $0x1  }
0xbd: {  	_ =	sfence.sel $0xFFFF  }
0xbe: {  	[dreg:$0x0] =	wrdreg $0xFFFFFFFF;
	(pc) =	sbr.abs _section_cstart, $3  }
0xbf: {  	[dreg:$0x1] =	wrdreg $0xFFFFFFFF  }
0xc0: {  	_ =	task.clear_ibuf [dreg:s6], $0x2FFFF;
	_ =	strace $0x9FFFFFFF  }
0xc1: {  	(tm) =	ssettm $0x7FFFFFFF  }
tec
execute0_lowered:
.L_overlay_start_1:
0x0: {  	(tag) =	ssettag $0x1  }
0x1: {  	s0 =	rddreg [dreg:$0x0]  }
0x2: {  	s1 =	simm.s32 $0x0;
	s2 =	srdreg.scid;
	s7 =	stileid.u32  }
0x3: {  	s25 =	simm.s32 $0x4800;
	s10 =	simm.s32 $0x4000;
	s26 =	simm.s32 $0x5000  }
0x4: {  	s11 =	simm.s32 $0x5800;
	s12 =	simm.s32 $0x6000;
	s13 =	simm.s32 $0x6800  }
0x5: {  	s14 =	simm.s32 $0x7000;
	s15 =	simm.s32 $0x7800;
	s16 =	simm.s32 $0x8000  }
0x6: {  	s17 =	simm.s32 $0x8800;
	s18 =	simm.s32 $0x9000;
	s19 =	simm.s32 $0x9800  }
0x7: {  	s20 =	simm.s32 $0xA000;
	s28 =	simm.s32 $0xD800;
	s29 =	simm.s32 $0x1  }
0x8: {  	s30 =	simm.s32 $0x2;
	s31 =	simm.s32 $0x0;
	[smem:$0x7FF] =	sst s1  }
0x9: {  	s2 =	sand.u32 $0x1, s2;
	s3 =	sadd.s32 $0x1A200, s0;
	s4 =	sadd.s32 $0x68400, s0  }
0xa: {  	s6 =	sshll.u32 s7, $0xA;
	s7 =	smul.u32 $0x26C00, s7;
	_ =	strace $0x80000047  }
0xb: {  	s5 =	smul.u32 $0x26C000, s2;
	s8 =	sshll.u32 s2, $0xE;
	[dreg:$0x4] =	wrdreg s25  }
0xc: {  	s2 =	ssub.s32 $0x2, s2;
	[dreg:$0x5] =	wrdreg s26;
	s25 =	simm.s32 $0xC800  }
0xd: {  	s26 =	simm.s32 $0xD000;
	s6 =	sor.u32 s6, s8;
	s21 =	sshrl.u32 s2, $0x1  }
0xe: {  	s8 =	simm.s32 $0x3;
	s5 =	sadd.s32 s5, s0;
	s0 =	sadd.s32 s6, s0  }
0xf: {  	s2 =	ssub.s32 s2, s21;
	s21 =	simm.s32 $0xA800;
	s23 =	sadd.s32 $0x12000, s0  }
0x10: {  	s7 =	sadd.s32 s7, s5;
	s0 =	sadd.s32 $0xA000, s0;
	[dreg:$0x6] =	wrdreg s23  }
0x11: {  	v2 =	vlaneseq.u32;
	s22 =	sadd.s32 $0x5B5800, s7;
	s24 =	sadd.s32 $0xDD800, s7;
	[dreg:$0x7] =	wrdreg s0  }
0x12: {  	vm0 =	vmmov $0xffff;
	v1 =	vshrl.u32 v2, $0x3;
	s7 =	smax.u32 s2, $0x1;
	s23 =	simm.s32 $0xB800;
	[dreg:$0x2] =	wrdreg s22  }
0x13: {  	v0 =	vand.u32 $0x7, v2;
	v2 =	vor.u32 $0x8, v2;
	v1 =	vmul.u32 $0x8, v1;
	[dreg:$0x3] =	wrdreg s24;
	s22 =	simm.s32 $0xB000;
	s24 =	simm.s32 $0xC000  }
.LBB2_1:
0x14: {  	s0 =	rddreg [dreg:$0x6]  }
0x15: {  	[tilespmem:s1], [sflag:$0x3] =	stream.linear.gather [hbm4b:s0+s1], $0x1F00, $0x38;
	[tilespmem:$0xE000] =	vst v63  }
0x16: {  	_ =	swait.ge [sflag:s8], $0x1F00  }
0x17: {  	[sflag:s8] =	ssyncset.done $0x0  }
0x18: {  	s2 =	simm.s32 $0x2000;
	s9 =	rddreg [dreg:$0x7];
	[sflag:s8] =	ssyncadd.s32 $0xFFFFE100  }
0x19: {  	[tilespmem:s2], [sflag:$0x3] =	stream.linear.gather [hbm4b:s9+s1], $0x1F00, $0x38;
	[tilespmem:$0xE000] =	vst v63  }
0x1a: {  	_ =	swait.ge [sflag:s8], $0x1F00  }
0x1b: {  	s0 =	simm.s32 $0x2020;
	[sflag:s8] =	ssyncset.done $0x0  }
0x1c: {  	s2 =	simm.s32 $0x20;
	s9 =	simm.s32 $0x0;
	[sflag:s8] =	ssyncadd.s32 $0xFFFFE100  }
.LBB2_2:
0x1d: {  	v3 =	vld [tilespmem:s2+$0xFFFFFFE0];
	_ =	sdelay $0x4  }
0x1e: {  	v4 =	vshll.u32 v3, $0x1  }
0x1f: {  	v3 =	vand.u32 $0x7, v3;
	v4 =	vand.u32 $0xFFFFFFF0, v4  }
0x20: {  	v3 =	vor.u32 v3, v4  }
0x21: {  	v4 =	vperm.xlane v3, v0;
	_ =	sdelay $0x1  }
0x22: {  	v3 =	vperm.xlane v3, v2;
	v4 =	vadd.s32 v1, v4;
	_ =	sdelay $0x1  }
0x23: {  	v3 =	vadd.s32 v1, v3;
	_ =	sdelay $0x2  }
0x24: {  	[tilespmem:s10], [sflag:$0x1] =	stream.indirect_vreg.gather [hbm4b:s3+s1], $0x80, v4, vm0, $0xb8;
	[tilespmem:$0xE000] =	vst v63  }
0x25: {  	s5 =	rddreg [dreg:$0x4]  }
0x26: {  	[tilespmem:s5], [sflag:$0x1] =	stream.indirect_vreg.gather [hbm4b:s3+s1], $0x80, v3, vm0, $0xb8;
	[tilespmem:$0xE000] =	vst v63  }
0x27: {  	v3 =	vld [tilespmem:s2+$0xFFFFFFF0];
	_ =	sdelay $0x4  }
0x28: {  	v55 =	vshll.u32 v3, $0x1  }
0x29: {  	v3 =	vand.u32 $0x7, v3;
	v4 =	vand.u32 $0xFFFFFFF0, v55  }
0x2a: {  	v3 =	vor.u32 v3, v4  }
0x2b: {  	v4 =	vperm.xlane v3, v0;
	_ =	sdelay $0x1  }
0x2c: {  	v3 =	vperm.xlane v3, v2;
	v4 =	vadd.s32 v1, v4;
	_ =	sdelay $0x1  }
0x2d: {  	v3 =	vadd.s32 v1, v3;
	_ =	sdelay $0x1  }
0x2e: {  	s6 =	rddreg [dreg:$0x5]  }
0x2f: {  	[tilespmem:s6], [sflag:$0x1] =	stream.indirect_vreg.gather [hbm4b:s3+s1], $0x80, v4, vm0, $0xb8;
	[tilespmem:$0xE000] =	vst v63  }
0x30: {  	_ = 	snop  }
0x31: {  	[tilespmem:s11], [sflag:$0x1] =	stream.indirect_vreg.gather [hbm4b:s3+s1], $0x80, v3, vm0, $0xb8;
	[tilespmem:$0xE000] =	vst v63  }
0x32: {  	v3 =	vld [tilespmem:s2+$0x0];
	_ =	sdelay $0x4  }
0x33: {  	v56 =	vshll.u32 v3, $0x1  }
0x34: {  	v3 =	vand.u32 $0x7, v3;
	v4 =	vand.u32 $0xFFFFFFF0, v56  }
0x35: {  	v3 =	vor.u32 v3, v4  }
0x36: {  	v4 =	vperm.xlane v3, v0;
	_ =	sdelay $0x1  }
0x37: {  	v3 =	vperm.xlane v3, v2;
	v4 =	vadd.s32 v1, v4;
	_ =	sdelay $0x1  }
0x38: {  	v3 =	vadd.s32 v1, v3;
	_ =	sdelay $0x2  }
0x39: {  	[tilespmem:s12], [sflag:$0x1] =	stream.indirect_vreg.gather [hbm4b:s3+s1], $0x80, v4, vm0, $0xb8;
	[tilespmem:$0xE000] =	vst v63  }
0x3a: {  	_ = 	snop  }
0x3b: {  	[tilespmem:s13], [sflag:$0x1] =	stream.indirect_vreg.gather [hbm4b:s3+s1], $0x80, v3, vm0, $0xb8;
	[tilespmem:$0xE000] =	vst v63  }
0x3c: {  	v3 =	vld [tilespmem:s2+$0x10];
	_ =	sdelay $0x4  }
0x3d: {  	v57 =	vshll.u32 v3, $0x1  }
0x3e: {  	v3 =	vand.u32 $0x7, v3;
	v4 =	vand.u32 $0xFFFFFFF0, v57  }
0x3f: {  	v3 =	vor.u32 v3, v4  }
0x40: {  	v4 =	vperm.xlane v3, v0;
	_ =	sdelay $0x1  }
0x41: {  	v3 =	vperm.xlane v3, v2;
	v4 =	vadd.s32 v1, v4;
	_ =	sdelay $0x1  }
0x42: {  	v3 =	vadd.s32 v1, v3;
	_ =	sdelay $0x2  }
0x43: {  	[tilespmem:s14], [sflag:$0x1] =	stream.indirect_vreg.gather [hbm4b:s3+s1], $0x80, v4, vm0, $0xb8;
	[tilespmem:$0xE000] =	vst v63  }
0x44: {  	_ = 	snop  }
0x45: {  	[tilespmem:s15], [sflag:$0x1] =	stream.indirect_vreg.gather [hbm4b:s3+s1], $0x80, v3, vm0, $0xb8;
	[tilespmem:$0xE000] =	vst v63  }
0x46: {  	v3 =	vld [tilespmem:s2+$0x20];
	_ =	sdelay $0x4  }
0x47: {  	v58 =	vshll.u32 v3, $0x1  }
0x48: {  	v3 =	vand.u32 $0x7, v3;
	v4 =	vand.u32 $0xFFFFFFF0, v58  }
0x49: {  	v3 =	vor.u32 v3, v4  }
0x4a: {  	v4 =	vperm.xlane v3, v0;
	_ =	sdelay $0x1  }
0x4b: {  	v3 =	vperm.xlane v3, v2;
	v4 =	vadd.s32 v1, v4;
	_ =	sdelay $0x1  }
0x4c: {  	v3 =	vadd.s32 v1, v3;
	_ =	sdelay $0x2  }
0x4d: {  	[tilespmem:s16], [sflag:$0x1] =	stream.indirect_vreg.gather [hbm4b:s3+s1], $0x80, v4, vm0, $0xb8;
	[tilespmem:$0xE000] =	vst v63  }
0x4e: {  	_ = 	snop  }
0x4f: {  	[tilespmem:s17], [sflag:$0x1] =	stream.indirect_vreg.gather [hbm4b:s3+s1], $0x80, v3, vm0, $0xb8;
	[tilespmem:$0xE000] =	vst v63  }
0x50: {  	v3 =	vld [tilespmem:s0+$0xFFFFFFE0];
	_ =	sdelay $0x4  }
0x51: {  	v59 =	vshll.u32 v3, $0x1  }
0x52: {  	v3 =	vand.u32 $0x7, v3;
	v4 =	vand.u32 $0xFFFFFFF0, v59  }
0x53: {  	v3 =	vor.u32 v3, v4  }
0x54: {  	v4 =	vperm.xlane v3, v0;
	_ =	sdelay $0x1  }
0x55: {  	v3 =	vperm.xlane v3, v2;
	v4 =	vadd.s32 v1, v4;
	_ =	sdelay $0x1  }
0x56: {  	v3 =	vadd.s32 v1, v3;
	_ =	sdelay $0x2  }
0x57: {  	[tilespmem:s18], [sflag:$0x2] =	stream.indirect_vreg.gather [hbm4b:s4+s1], $0x80, v4, vm0, $0xb8;
	[tilespmem:$0xE000] =	vst v63  }
0x58: {  	_ = 	snop  }
0x59: {  	[tilespmem:s19], [sflag:$0x2] =	stream.indirect_vreg.gather [hbm4b:s4+s1], $0x80, v3, vm0, $0xb8;
	[tilespmem:$0xE000] =	vst v63  }
0x5a: {  	v3 =	vld [tilespmem:s0+$0xFFFFFFF0];
	_ =	sdelay $0x4  }
0x5b: {  	v60 =	vshll.u32 v3, $0x1  }
0x5c: {  	v3 =	vand.u32 $0x7, v3;
	v4 =	vand.u32 $0xFFFFFFF0, v60  }
0x5d: {  	v3 =	vor.u32 v3, v4  }
0x5e: {  	v4 =	vperm.xlane v3, v0;
	_ =	sdelay $0x1  }
0x5f: {  	v3 =	vperm.xlane v3, v2;
	v4 =	vadd.s32 v1, v4;
	_ =	sdelay $0x1  }
0x60: {  	v3 =	vadd.s32 v1, v3;
	_ =	sdelay $0x2  }
0x61: {  	[tilespmem:s20], [sflag:$0x2] =	stream.indirect_vreg.gather [hbm4b:s4+s1], $0x80, v4, vm0, $0xb8;
	[tilespmem:$0xE000] =	vst v63  }
0x62: {  	_ = 	snop  }
0x63: {  	[tilespmem:s21], [sflag:$0x2] =	stream.indirect_vreg.gather [hbm4b:s4+s1], $0x80, v3, vm0, $0xb8;
	[tilespmem:$0xE000] =	vst v63  }
0x64: {  	v3 =	vld [tilespmem:s0+$0x0];
	_ =	sdelay $0x4  }
0x65: {  	v61 =	vshll.u32 v3, $0x1  }
0x66: {  	v3 =	vand.u32 $0x7, v3;
	v4 =	vand.u32 $0xFFFFFFF0, v61  }
0x67: {  	v3 =	vor.u32 v3, v4  }
0x68: {  	v4 =	vperm.xlane v3, v0;
	_ =	sdelay $0x1  }
0x69: {  	v3 =	vperm.xlane v3, v2;
	v4 =	vadd.s32 v1, v4;
	_ =	sdelay $0x1  }
0x6a: {  	v3 =	vadd.s32 v1, v3;
	_ =	sdelay $0x2  }
0x6b: {  	[tilespmem:s22], [sflag:$0x2] =	stream.indirect_vreg.gather [hbm4b:s4+s1], $0x80, v4, vm0, $0xb8;
	[tilespmem:$0xE000] =	vst v63  }
0x6c: {  	_ = 	snop  }
0x6d: {  	[tilespmem:s23], [sflag:$0x2] =	stream.indirect_vreg.gather [hbm4b:s4+s1], $0x80, v3, vm0, $0xb8;
	[tilespmem:$0xE000] =	vst v63  }
0x6e: {  	v3 =	vld [tilespmem:s0+$0x10];
	_ =	sdelay $0x4  }
0x6f: {  	v62 =	vshll.u32 v3, $0x1  }
0x70: {  	v3 =	vand.u32 $0x7, v3;
	v4 =	vand.u32 $0xFFFFFFF0, v62  }
0x71: {  	v3 =	vor.u32 v3, v4  }
0x72: {  	v4 =	vperm.xlane v3, v0;
	_ =	sdelay $0x1  }
0x73: {  	v3 =	vperm.xlane v3, v2;
	v4 =	vadd.s32 v1, v4;
	_ =	sdelay $0x1  }
0x74: {  	v3 =	vadd.s32 v1, v3;
	_ =	sdelay $0x2  }
0x75: {  	[tilespmem:s24], [sflag:$0x2] =	stream.indirect_vreg.gather [hbm4b:s4+s1], $0x80, v4, vm0, $0xb8;
	[tilespmem:$0xE000] =	vst v63  }
0x76: {  	_ = 	snop  }
0x77: {  	[tilespmem:s25], [sflag:$0x2] =	stream.indirect_vreg.gather [hbm4b:s4+s1], $0x80, v3, vm0, $0xb8;
	[tilespmem:$0xE000] =	vst v63  }
0x78: {  	v3 =	vld [tilespmem:s0+$0x20];
	_ =	sdelay $0x4  }
0x79: {  	v63 =	vshll.u32 v3, $0x1  }
0x7a: {  	v3 =	vand.u32 $0x7, v3;
	v4 =	vand.u32 $0xFFFFFFF0, v63  }
0x7b: {  	v3 =	vor.u32 v3, v4  }
0x7c: {  	v4 =	vperm.xlane v3, v0;
	_ =	sdelay $0x1  }
0x7d: {  	v3 =	vperm.xlane v3, v2;
	v4 =	vadd.s32 v1, v4;
	_ =	sdelay $0x1  }
0x7e: {  	v3 =	vadd.s32 v1, v3;
	_ =	sdelay $0x2  }
0x7f: {  	[tilespmem:s26], [sflag:$0x2] =	stream.indirect_vreg.gather [hbm4b:s4+s1], $0x80, v4, vm0, $0xb8;
	[tilespmem:$0xE000] =	vst v63  }
0x80: {  	_ = 	snop  }
0x81: {  	[tilespmem:s28], [sflag:$0x2] =	stream.indirect_vreg.gather [hbm4b:s4+s1], $0x80, v3, vm0, $0xb8;
	[tilespmem:$0xE000] =	vst v63  }
0x82: {  	_ =	swait.ge [sflag:s29], $0x5000  }
0x83: {  	[sflag:s29] =	ssyncset.done $0x0  }
0x84: {  	[sflag:s29] =	ssyncadd.s32 $0xFFFFB000  }
0x85: {  	_ =	swait.ge [sflag:s30], $0x5000  }
0x86: {  	s5 =	rddreg [dreg:$0x3];
	[sflag:s30] =	ssyncset.done $0x0  }
0x87: {  	s6 =	rddreg [dreg:$0x2];
	[sflag:s30] =	ssyncadd.s32 $0xFFFFB000;
	s5 =	sadd.s32 s9, s5  }
0x88: {  	[hbm4b:s5+s1] =	stream.linear.scatter [tilespmem:s10], [sflag:$0x1], $0x5000, $0x38;
	[tilespmem:$0xE000] =	vst v63  }
0x89: {  	s6 =	sadd.s32 s9, s6  }
0x8a: {  	[hbm4b:s6+s1] =	stream.linear.scatter [tilespmem:s18], [sflag:$0x2], $0x5000, $0x38;
	[tilespmem:$0xE000] =	vst v63  }
0x8b: {  	p0 =	sne.s32 s9, $0x26200;
	_ =	swait.ge [sflag:s29], $0x5000  }
.Ltmp0:
0x8c: {  	[sflag:s29] =	ssyncset.done $0x0;
	(pc) =	sbr.rel @p0 .LBB2_2-.Ltmp0, $4  }
0x8d: {  	[sflag:s29] =	ssyncadd.s32 $0xFFFFB000  }
0x8e: {  	_ =	swait.ge [sflag:s30], $0x5000  }
0x8f: {  	s2 =	sadd.s32 $0x80, s2;
	[sflag:s30] =	ssyncset.done $0x0  }
0x90: {  	s0 =	sadd.s32 $0x80, s0;
	s9 =	sadd.s32 $0xA00, s9;
	[sflag:s30] =	ssyncadd.s32 $0xFFFFB000  }
0x91: {  	s31 =	sadd.s32 $0x1, s31  }
0x92: {  	p0 =	sne.s32 s31, s7  }
.Ltmp1:
0x93: {  	_ = 	snop;
	(pc) =	sbr.rel @p0 .LBB2_1-.Ltmp1, $1  }
0x94: {  	_ =	sdelay $0x3  }
0x95: {  	_ =	sfence.sel $0x180000  }
0x96: {  	[bflag:$0x0] =	sbarrier.arrive $0xFFFF  }
0x97: {  	_ =	strace $0x90000047  }
0x98: {  	s0 =	stileid.u32;
	[bflag:$0x2] =	sbarrier.arrive $0xFFFF  }
0x99: {  	p0 =	sne.s32 s0, $0x0;
	s0 =	rddreg [dreg:$0x1]  }
0x9a: {  	s0 =	sadd.s32 @!p0 $0x100000, s0  }
0x9b: {  	[sflag:s0] =	ssyncadd.tile.s32 @!p0 $0x1;
	_ =	shalt  }
.Lfunc_end2:
_tile_overlayer_lowered:
.L_overlay_start_2:
0x9c: {  	(tag) =	ssettag $0x2  }
0x9d: {  	s0 =	rddreg [dreg:$0x0];
	s2 =	stileid.u32  }
0x9e: {  	s1 =	rddreg [dreg:$0x1];
	p0 =	sne.s32 s2, $0x0  }
0x9f: {  	s3 =	rddreg [dreg:$0x2];
	[bflag:$0x3] =	sbarrier.arrive $0xFFFF;
	s2 =	simm.s32 @!p0 $0x1C03  }
0xa0: {  	[timem:s3], [sflag:s2] =	dma.local @!p0 [hbm:s0], s1  }
0xa1: {  	s0 =	simm.s32 @!p0 $0x3  }
0xa2: {  	_ =	swait.ge @!p0 [sflag:s0], s1  }
0xa3: {  	s1 =	ssub.s32 @!p0 $0x0, s1;
	[sflag:s0] =	ssyncset.done @!p0 $0x0  }
0xa4: {  	[sflag:s0] =	ssyncadd.s32 @!p0 s1  }
0xa5: {  	[bflag:$0x3] =	sbarrier.arrive $0xFFFF  }
0xa6: {  	_ =	shalt  }

// kernel: kernel.16.cloned.1.call-start
scs
__scs_entry_jumppad:
0x0: {  	(pc) =	sbr.rel $0x88, $3  }
0x1: {  	(tag) =	ssettag $0x0;
	lr =	simm.s32 $0x1  }
0x2: {  	[smem:$0x3F7B] =	sst lr;
	_ =	strace $0xD0000000  }
0x3: {  	_ = 	snop  }
0x4: {  	_ = 	snop  }
0x5: {  	_ = 	snop  }
0x6: {  	_ = 	snop  }
0x7: {  	_ = 	snop  }
__scs_overlays_trampoline_lowered:
0x8: {  	[smem:$0x3F8A] =	sst s0  }
0x9: {  	[smem:$0x3F8B] =	sst s1  }
0xa: {  	[smem:$0x3F8C] =	sst s2  }
0xb: {  	[smem:$0x3F8D] =	sst s3  }
0xc: {  	[smem:$0x3F8E] =	sst s4  }
0xd: {  	[smem:$0x3F8F] =	sst s5  }
0xe: {  	[smem:$0x3F90] =	sst s6  }
0xf: {  	[smem:$0x3F91] =	sst s7  }
0x10: {  	[smem:$0x3F92] =	sst s8  }
0x11: {  	[smem:$0x3F93] =	sst s9;
	s0 =	simm.s32 @!p0 $0x0  }
0x12: {  	s1 =	sld [smem:$0x3F79];
	s0 =	simm.s32 @p0 $0x1  }
0x13: {  	[smem:$0x3F94] =	sst s0;
	s0 =	simm.s32 @!p1 $0x0  }
0x14: {  	s2 =	sld [smem:$0x3F78];
	s0 =	simm.s32 @p1 $0x1  }
0x15: {  	[smem:$0x3F95] =	sst s0;
	s0 =	simm.s32 @!p2 $0x0  }
0x16: {  	s3 =	sld [smem:$0x3FDB];
	s0 =	simm.s32 @p2 $0x1  }
0x17: {  	s4 =	simm.s32 $0x1BF5;
	[smem:$0x3F97] =	sst s0  }
0x18: {  	s0 =	sld [smem:$0x3F7A];
	_ =	swait.ge [sflag:s4], $0x0  }
0x19: {  	s7 =	sld [smem:$0x3F7B]  }
0x1a: {  	s8 =	sadd.s32 $0xFFFFE003, lr  }
0x1b: {  	s9 =	sadd.s32 $0xFFFFFEF7, lr;
	s5 =	simm.s32 $0xFFFFFFFF;
	p2 =	slt.u32 s8, $0xFFFFF086  }
0x1c: {  	p1 =	slt.u32 s9, $0xF7A;
	s5 =	simm.s32 @!p2 $0x0  }
0x1d: {  	s5 =	simm.s32 @p1 $0x1;
	p0 =	seq.s32 s7, s2  }
0x1e: {  	s7 =	smul.u32 @!p0 $0xF7A, s2;
	p2 =	seq.s32 @!p0 s5, $0x0  }
0x1f: {  	s9 =	smul.u32 $0xF7A, s1;
	s8 =	simm.s32 @!p0 $0x1BF5;
	p2 =	por !p2, p0  }
0x20: {  	[sflag:s8] =	ssyncset.s32 @!p0 $0xFFFFF086;
	s6 =	sadd.s32 @!p0 s3, s7;
	s7 =	simm.s32 @!p0 $0x108  }
0x21: {  	s3 =	sadd.s32 s3, s9;
	s6 =	sadd.s32 @!p0 $0x88, s6;
	s7 =	simm.s32 @p2 $0x1082  }
0x22: {  	[simem:s7], [sflag:s8] =	dma.local @!p0 [hbm:s6], $0xF7A  }
0x23: {  	s9 =	sor.u32 $0xD0000000, s2;
	s6 =	simm.s32 $0x108;
	_ =	swait.ge @!p0 [sflag:s8], $0x0  }
0x24: {  	s3 =	sadd.s32 $0x88, s3;
	s6 =	simm.s32 @!p1 $0x1082;
	[sflag:s4] =	ssyncset.s32 $0xFFFFF086  }
0x25: {  	[simem:s6], [sflag:s4] =	dma.local [hbm:s3], $0xF7A  }
0x26: {  	[smem:$0x3F7B] =	sst s1;
	(tag) =	ssettag s2;
	_ =	strace s9  }
0x27: {  	s1 =	sld [smem:$0x3F8B]  }
0x28: {  	s2 =	sld [smem:$0x3F8C]  }
0x29: {  	s4 =	sld [smem:$0x3F8E]  }
0x2a: {  	p0 =	seq.s32 s5, $0x0;
	s5 =	sld [smem:$0x3F8F]  }
0x2b: {  	s6 =	sld [smem:$0x3F90]  }
0x2c: {  	s7 =	sld [smem:$0x3F91]  }
0x2d: {  	s3 =	simm.s32 $0x108;
	s8 =	sld [smem:$0x3F92]  }
0x2e: {  	s3 =	simm.s32 @!p0 $0x1082;
	s9 =	sld [smem:$0x3F93]  }
0x2f: {  	lr =	sadd.s32 s0, s3;
	s0 =	sld [smem:$0x3F8A]  }
0x30: {  	s3 =	sld [smem:$0x3F8D]  }
0x31: {  	[smem:$0x3F96] =	sst s10  }
0x32: {  	s10 =	sld [smem:$0x3F94];
	_ =	sdelay $0x3  }
0x33: {  	p0 =	seq.s32 s10, $0x1;
	s10 =	sld [smem:$0x3F96];
	_ =	sdelay $0x3  }
0x34: {  	[smem:$0x3F96] =	sst s10  }
0x35: {  	s10 =	sld [smem:$0x3F95];
	_ =	sdelay $0x3  }
0x36: {  	p1 =	seq.s32 s10, $0x1;
	s10 =	sld [smem:$0x3F96];
	_ =	sdelay $0x3  }
0x37: {  	[smem:$0x3F96] =	sst s10  }
0x38: {  	s10 =	sld [smem:$0x3F97]  }
0x39: {  	_ = 	snop;
	(pc) =	sbr.ind lr, $3  }
0x3a: {  	_ = 	snop  }
0x3b: {  	_ = 	snop  }
0x3c: {  	p2 =	seq.s32 s10, $0x1;
	s10 =	sld [smem:$0x3F96]  }
0x3d: {  	_ =	shalt  }
0x3e: {  	_ =	shalt  }
0x3f: {  	_ =	shalt  }
0x40: {  	_ =	shalt  }
0x41: {  	_ =	shalt  }
0x42: {  	_ =	shalt  }
0x43: {  	_ =	shalt  }
0x44: {  	_ =	shalt  }
0x45: {  	_ =	shalt  }
0x46: {  	_ =	shalt  }
0x47: {  	_ =	shalt  }
0x48: {  	_ =	shalt  }
0x49: {  	_ =	shalt  }
0x4a: {  	_ =	shalt  }
0x4b: {  	_ =	shalt  }
0x4c: {  	_ =	shalt  }
0x4d: {  	_ =	shalt  }
0x4e: {  	_ =	shalt  }
0x4f: {  	_ =	shalt  }
0x50: {  	_ =	shalt  }
0x51: {  	_ =	shalt  }
0x52: {  	_ =	shalt  }
0x53: {  	_ =	shalt  }
0x54: {  	_ =	shalt  }
0x55: {  	_ =	shalt  }
0x56: {  	_ =	shalt  }
0x57: {  	_ =	shalt  }
0x58: {  	_ =	shalt  }
0x59: {  	_ =	shalt  }
0x5a: {  	_ =	shalt  }
0x5b: {  	_ =	shalt  }
0x5c: {  	_ =	shalt  }
0x5d: {  	_ =	shalt  }
0x5e: {  	_ =	shalt  }
0x5f: {  	_ =	shalt  }
0x60: {  	_ =	shalt  }
0x61: {  	_ =	shalt  }
0x62: {  	_ =	shalt  }
0x63: {  	_ =	shalt  }
0x64: {  	_ =	shalt  }
0x65: {  	_ =	shalt  }
0x66: {  	_ =	shalt  }
0x67: {  	_ =	shalt  }
0x68: {  	_ =	shalt  }
0x69: {  	_ =	shalt  }
0x6a: {  	_ =	shalt  }
0x6b: {  	_ =	shalt  }
0x6c: {  	_ =	shalt  }
0x6d: {  	_ =	shalt  }
0x6e: {  	_ =	shalt  }
0x6f: {  	_ =	shalt  }
0x70: {  	_ =	shalt  }
0x71: {  	_ =	shalt  }
0x72: {  	_ =	shalt  }
0x73: {  	_ =	shalt  }
0x74: {  	_ =	shalt  }
0x75: {  	_ =	shalt  }
0x76: {  	_ =	shalt  }
0x77: {  	_ =	shalt  }
0x78: {  	_ =	shalt  }
0x79: {  	_ =	shalt  }
0x7a: {  	_ =	shalt  }
0x7b: {  	_ =	shalt  }
0x7c: {  	_ =	shalt  }
0x7d: {  	_ =	shalt  }
0x7e: {  	_ =	shalt  }
0x7f: {  	_ =	shalt  }
0x80: {  	_ =	shalt  }
0x81: {  	_ =	shalt  }
0x82: {  	_ =	shalt  }
0x83: {  	_ =	shalt  }
0x84: {  	_ =	shalt  }
0x85: {  	_ =	shalt  }
0x86: {  	_ =	shalt  }
0x87: {  	_ =	shalt  }
.Lfunc_end0:
.L_simem_size_0:
called_computation.2_lowered:
.L_overlay_start_0:
0x88: {  	s2 =	sld [smem:$0x3FD9]  }
0x89: {  	s3 =	sld [smem:$0x3FFE];
	_ =	sdelay $0x1  }
0x8a: {  	s1 =	srdreg.scid  }
0x8b: {  	s0 =	sand.u32 $0x1, s1  }
0x8c: {  	s17 =	sshll.u32 s0, $0xA;
	s2 =	sadd.s32 s3, s2  }
0x8d: {  	s2 =	sadd.s32 s2, s17  }
0x8e: {  	[smem:$0x3FA2] =	sst s2  }
0x8f: {  	_ = 	snop  }
0x90: {  	s18 =	sld [smem:$0x3FD0];
	(tm) =	ssettm $0x1  }
0x91: {  	s19 =	sld [smem:$0x3FFB];
	_ =	sdelay $0x3  }
0x92: {  	_ =	strace s19  }
0x93: {  	s2 =	sld [smem:$0x3FFC];
	_ =	sdelay $0x3  }
0x94: {  	_ =	strace s2  }
0x95: {  	s2 =	sld [smem:$0x3FFD];
	_ =	sdelay $0x3  }
0x96: {  	_ =	strace s2  }
0x97: {  	_ =	strace $0x8FFFFFFF  }
0x98: {  	s20 =	sld [smem:$0x3FDB];
	_ =	sdelay $0x1  }
0x99: {  	s4 =	simm.s32 $_scs_section_size  }
0x9a: {  	s5 =	simm.s32 $_size__tile_overlayer_lowered;
	s6 =	simm.s32 $_tile_overlayer_lowered  }
0x9b: {  	s7 =	simm.s32 $0x1BFF;
	s21 =	sshll.u32 s6, $0x1;
	s4 =	sadd.s32 s4, s20  }
0x9c: {  	s22 =	simm.s32 $0x0;
	s5 =	sshll.u32 s5, $0x1;
	s6 =	sadd.s32 s21, s4  }
0x9d: {  	[timem:s22], [sflag:s7] =	dma.local [hbm:s6], s5  }
0x9e: {  	_ =	swait.ge [sflag:s7], s5  }
0x9f: {  	s5 =	ssub.s32 $0x0, s5;
	[sflag:s7] =	ssyncset.done $0x0  }
0xa0: {  	[sflag:s7] =	ssyncadd.s32 s5;
	_ =	sdelay $0x1  }
0xa1: {  	s23 =	simm.s32 $0x1B8B  }
0xa2: {  	_ =	swait.ge [sflag:s23], $0x1  }
0xa3: {  	[sflag:s23] =	ssyncset.done $0x0  }
0xa4: {  	[sflag:s23] =	ssyncadd.s32 $0xFFFFFFFF  }
0xa5: {  	s5 =	sld [smem:$0x0]  }
0xa6: {  	s6 =	sand.u32 $0xFFFFFFFE, s1  }
0xa7: {  	p0 =	sne.s32 s1, s6  }
0xa8: {  	s6 =	sshll.u32 @p0 s6, $0xE  }
0xa9: {  	s6 =	sadd.s32 @p0 $0x11B8D, s6;
	s7 =	sshll.u32 @p0 s5, $0x11  }
0xaa: {  	s6 =	sor.u32 @p0 s7, s6  }
0xab: {  	[sflag:s6] =	ssyncadd.remote.s32 @p0 $0x1;
	_ =	sdelay $0x1  }
0xac: {  	s6 =	simm.s32 @p0 $0x1B8D  }
0xad: {  	_ =	swait.eq @p0 [sflag:s6], $0x1  }
0xae: {  	[sflag:s6] =	ssyncadd.s32 @p0 $0xFFFFFFFF  }
0xaf: {  	s7 =	sshll.u32 @!p0 s1, $0xE  }
0xb0: {  	s7 =	sor.u32 @!p0 $0x4000, s7;
	s6 =	simm.s32 @!p0 $0x1B8D  }
0xb1: {  	s5 =	sshll.u32 @!p0 s5, $0x11;
	s7 =	sadd.s32 @!p0 $0x11B8D, s7;
	_ =	swait.eq @!p0 [sflag:s6], $0x1  }
0xb2: {  	s5 =	sor.u32 @!p0 s5, s7;
	[sflag:s6] =	ssyncadd.s32 @!p0 $0xFFFFFFFF  }
0xb3: {  	s25 =	simm.s32 $0x1B8E;
	s24 =	sld [smem:$0x3FFE];
	[sflag:s5] =	ssyncadd.remote.s32 @!p0 $0x1  }
0xb4: {  	s26 =	simm.s32 $execute0_lowered;
	[smem:$0x3FD2] =	sst s25  }
0xb5: {  	s6 =	sshll.u32 s26, $0x1;
	_ =	strace $0x8000004F;
	[dreg:$0x1] =	wrdreg $0xFFFFFFFF  }
0xb6: {  	s28 =	simm.s32 $_size_execute0_lowered;
	s4 =	sadd.s32 s4, s6;
	[dreg:$0x0] =	wrdreg $0x0  }
0xb7: {  	s6 =	sshll.u32 s28, $0x1;
	[dreg:$0x2] =	wrdreg s4  }
0xb8: {  	[dreg:$0x3] =	wrdreg s6  }
0xb9: {  	[dreg:$0x4] =	wrdreg $0xC0  }
0xba: {  	_ =	task [dreg:s22], $0x5FFFF  }
0xbb: {  	[dreg:$0x1] =	wrdreg $0xFFFFFFFF  }
0xbc: {  	[dreg:$0x0] =	wrdreg $0x60  }
0xbd: {  	[dreg:$0x2] =	wrdreg s24  }
0xbe: {  	[dreg:$0x3] =	wrdreg s18  }
0xbf: {  	[dreg:$0x4] =	wrdreg $0x4A000  }
0xc0: {  	[dreg:$0x5] =	wrdreg $0x182800  }
0xc1: {  	[dreg:$0x6] =	wrdreg $0x9  }
0xc2: {  	_ =	task.clear_ibuf [dreg:s22], $0x7FFFF;
	_ =	strace $0x9000004F  }
0xc3: {  	s29 =	simm.s32 $0x9;
	_ =	strace $0x80000051  }
0xc4: {  	_ =	swait.ge [sflag:s29], $0x1  }
0xc5: {  	[sflag:s29] =	ssyncadd.s32 $0xFFFFFFFF  }
0xc6: {  	_ =	strace $0x90000051  }
0xc7: {  	_ =	sfence  }
0xc8: {  	s30 =	sld [smem:$0x0];
	_ =	sdelay $0x2  }
0xc9: {  	s31 =	sshll.u32 s1, $0xD;
	s1 =	sshrl.u32 s1, $0x2  }
0xca: {  	s4 =	sand.u32 $0x4000, s31;
	s1 =	sadd.s32 s1, s30  }
0xcb: {  	s0 =	sor.u32 s4, s0;
	s1 =	sshll.u32 s1, $0x11  }
0xcc: {  	s0 =	sor.u32 s1, s0  }
0xcd: {  	s0 =	sadd.s32 $0x8F2B, s0  }
0xce: {  	[sflag:s0] =	ssyncadd.remote.s32 $0x1  }
0xcf: {  	_ =	sfence.sel $0xFFFF  }
0xd0: {  	[dreg:$0x0] =	wrdreg $0xFFFFFFFF;
	(pc) =	sbr.abs _section_cstart, $3  }
0xd1: {  	[dreg:$0x1] =	wrdreg $0xFFFFFFFF  }
0xd2: {  	_ =	task.clear_ibuf [dreg:s22], $0x2FFFF;
	_ =	strace $0x9FFFFFFF  }
0xd3: {  	(tm) =	ssettm $0x7FFFFFFF  }
tec
execute0_lowered:
.L_overlay_start_1:
0x0: {  	(tag) =	ssettag $0x1  }
0x1: {  	s6 =	rddreg [dreg:$0x0]  }
0x2: {  	s0 =	rddreg [dreg:$0x1]  }
0x3: {  	s1 =	rddreg [dreg:$0x2]  }
0x4: {  	s2 =	srdreg.scid;
	s3 =	rddreg [dreg:$0x3]  }
0x5: {  	s11 =	stileid.u32;
	s4 =	simm.s32 $0x0;
	s16 =	simm.s32 $0x2000  }
0x6: {  	s17 =	simm.s32 $0x4800;
	s18 =	simm.s32 $0x4880;
	s19 =	simm.s32 $0x1  }
0x7: {  	s20 =	simm.s32 $0x2;
	s21 =	simm.s32 $0x3;
	s22 =	simm.s32 $0x50  }
0x8: {  	s23 =	simm.s32 $0x4900;
	s24 =	simm.s32 $0x4980;
	s8 =	smul.u32 $0x13B0, s11  }
0x9: {  	s7 =	sand.u32 $0x1, s2;
	s2 =	rddreg [dreg:$0x4];
	s15 =	smul.u32 $0x13B00, s11  }
0xa: {  	s25 =	simm.s32 $0x0;
	[smem:$0x7FF] =	sst s4;
	s5 =	smul.u32 $0x13B00, s7  }
0xb: {  	s9 =	sshll.u32 s11, $0xA;
	p0 =	sne.s32 s11, $0x0;
	s26 =	smul.u32 $0x13B000, s7  }
0xc: {  	s10 =	sshll.u32 s7, $0xE;
	_ =	strace $0x80000050;
	s30 =	smul.u32 $0x27100, s7  }
0xd: {  	s13 =	smul.u32 $0xA00, s7;
	s7 =	ssub.s32 $0x2, s7;
	s9 =	sor.u32 s9, s10  }
0xe: {  	s14 =	sshrl.u32 s7, $0x1;
	s5 =	sadd.s32 s8, s5;
	s28 =	sadd.s32 s9, s6  }
0xf: {  	s29 =	sadd.s32 s26, s6;
	s10 =	sadd.s32 s30, s6;
	s13 =	sadd.s32 s13, s6  }
0x10: {  	s14 =	ssub.s32 s7, s14;
	s5 =	sshrl.u32 s5, $0x3;
	s7 =	sadd.s32 $0x24200, s10  }
0x11: {  	s8 =	sadd.s32 $0x18C00, s13;
	s31 =	sadd.s32 s15, s29;
	s9 =	smax.u32 s14, $0x1  }
0x12: {  	s13 =	sshrl.u32 @!p0 s1, $0x3;
	s14 =	sshrl.u32 @!p0 s3, $0x3;
	s15 =	simm.s32 $0x4  }
0x13: {  	s12 =	sadd.s32 s5, s6;
	s5 =	sadd.s32 $0x16E00, s6;
	s6 =	sadd.s32 $0xA8D800, s28  }
0x14: {  	s10 =	sadd.s32 $0x130800, s31;
	s11 =	sadd.s32 $0x1F200, s12;
	s12 =	sadd.s32 $0x1A200, s12  }
.LBB2_1:
0x15: {  	s26 =	simm.s32 @!p0 $0x1C04;
	s28 =	simm.s32 @!p0 $0x4  }
0x16: {  	[spmem:s13], [sflag:s26] =	dma.local @!p0 [hbm:s0], $0x27100  }
0x17: {  	_ =	swait.ge @!p0 [sflag:s28], $0x27100  }
0x18: {  	[sflag:s28] =	ssyncset.done @!p0 $0x0  }
0x19: {  	[sflag:s28] =	ssyncadd.s32 @!p0 $0xFFFD8F00  }
0x1a: {  	[spmem:s14], [sflag:s26] =	dma.local @!p0 [hbm:s5], $0xA00  }
0x1b: {  	_ =	swait.ge @!p0 [sflag:s28], $0xA00  }
0x1c: {  	[sflag:s28] =	ssyncset.done @!p0 $0x0  }
0x1d: {  	[sflag:s28] =	ssyncadd.s32 @!p0 $0xFFFFF600  }
0x1e: {  	[bflag:$0x0] =	sbarrier.arrive $0xFFFF  }
0x1f: {  	[tilespmem:s4], [sflag:$0x4] =	stream.linear.gather [hbm4b:s6+s4], $0x1F80, $0x38;
	[tilespmem:$0x18780] =	vst v63  }
0x20: {  	_ =	swait.ge [sflag:s15], $0x1F80  }
0x21: {  	[sflag:s15] =	ssyncset.done $0x0  }
0x22: {  	[sflag:s15] =	ssyncadd.s32 $0xFFFFE080  }
0x23: {  	[tilespmem:s16], [sflag:$0x1] =	stream.linear.gather [hbm4b:s10+s4], $0x2800, $0x38;
	[tilespmem:$0x18780] =	vst v63  }
0x24: {  	s30 =	sadd.s32 $0x0, s12  }
0x25: {  	[tilespmem:s17], [sflag:$0x2] =	stream.linear.gather [hbm4b:s30+s4], $0x50, $0x38;
	[tilespmem:$0x18780] =	vst v63  }
0x26: {  	s31 =	sadd.s32 $0x0, s11  }
0x27: {  	[tilespmem:s18], [sflag:$0x3] =	stream.linear.gather [hbm4b:s31+s4], $0x50, $0x38;
	[tilespmem:$0x18780] =	vst v63  }
0x28: {  	v0 =	vld [tilespmem:s4+$0x0];
	_ =	sdelay $0x4  }
0x29: {  	v0 =	vshll.u32 v0, $0x1  }
0x2a: {  	[tilespmem:$0x4900] =	vst v0;
	v0 =	vor.u32 $0x1, v0  }
0x2b: {  	[tilespmem:$0x4980] =	vst v0  }
0x2c: {  	v0 =	vld [tilespmem:s4+$0x10];
	_ =	sdelay $0x4  }
0x2d: {  	v0 =	vshll.u32 v0, $0x1  }
0x2e: {  	[tilespmem:$0x4910] =	vst v0;
	v0 =	vor.u32 $0x1, v0  }
0x2f: {  	[tilespmem:$0x4990] =	vst v0  }
0x30: {  	v0 =	vld [tilespmem:s4+$0x20];
	_ =	sdelay $0x4  }
0x31: {  	v0 =	vshll.u32 v0, $0x1  }
0x32: {  	[tilespmem:$0x4920] =	vst v0;
	v0 =	vor.u32 $0x1, v0  }
0x33: {  	[tilespmem:$0x49A0] =	vst v0  }
0x34: {  	v0 =	vld [tilespmem:s4+$0x30];
	_ =	sdelay $0x4  }
0x35: {  	v0 =	vshll.u32 v0, $0x1  }
0x36: {  	[tilespmem:$0x4930] =	vst v0;
	v0 =	vor.u32 $0x1, v0  }
0x37: {  	[tilespmem:$0x49B0] =	vst v0  }
0x38: {  	v0 =	vld [tilespmem:s4+$0x40];
	_ =	sdelay $0x4  }
0x39: {  	v0 =	vshll.u32 v0, $0x1  }
0x3a: {  	[tilespmem:$0x4940] =	vst v0;
	v0 =	vor.u32 $0x1, v0  }
0x3b: {  	[tilespmem:$0x49C0] =	vst v0  }
0x3c: {  	_ =	swait.ge [sflag:s19], $0x2800  }
0x3d: {  	[sflag:s19] =	ssyncset.done $0x0  }
0x3e: {  	[sflag:s19] =	ssyncadd.s32 $0xFFFFD800  }
0x3f: {  	_ =	swait.ge [sflag:s20], $0x50  }
0x40: {  	[sflag:s20] =	ssyncset.done $0x0  }
0x41: {  	[sflag:s20] =	ssyncadd.s32 $0xFFFFFFB0  }
0x42: {  	_ =	swait.ge [sflag:s21], $0x50  }
0x43: {  	[sflag:s21] =	ssyncset.done $0x0  }
0x44: {  	[sflag:s21] =	ssyncadd.s32 $0xFFFFFFB0  }
0x45: {  	[spmem:s1] =	stream.indirect.scatter.add.f32 [tilespmem:s16], [sflag:$0x4], $0x80, s4, s22, $0xb8;
	[tilespmem:$0x18780] =	vst v63  }
0x46: {  	_ =	swait.ge [sflag:s15], $0x2800  }
0x47: {  	[sflag:s15] =	ssyncset.done $0x0  }
0x48: {  	[sflag:s15] =	ssyncadd.s32 $0xFFFFD800  }
0x49: {  	[spmem:s3] =	stream.indirect.scatter.add.f32 [tilespmem:s17], [sflag:$0x4], $0x1, s23, s22, $0xb8;
	[tilespmem:$0x18780] =	vst v63  }
0x4a: {  	_ =	swait.ge [sflag:s15], $0x50  }
0x4b: {  	[sflag:s15] =	ssyncset.done $0x0  }
0x4c: {  	[sflag:s15] =	ssyncadd.s32 $0xFFFFFFB0  }
0x4d: {  	[spmem:s3] =	stream.indirect.scatter.add.f32 [tilespmem:s18], [sflag:$0x4], $0x1, s24, s22, $0xb8;
	[tilespmem:$0x18780] =	vst v63  }
0x4e: {  	s29 =	simm.s32 $0x0;
	_ =	swait.ge [sflag:s15], $0x50  }
0x4f: {  	s26 =	simm.s32 $0xA;
	s28 =	smov.u32 s10;
	[sflag:s15] =	ssyncset.done $0x0  }
.LBB2_2:
0x50: {  	[sflag:s15] =	ssyncadd.s32 $0xFFFFFFB0  }
0x51: {  	s28 =	sadd.s32 $0x500, s28;
	s29 =	sadd.s32 $0x80, s29;
	s30 =	smov.u32 s26  }
0x52: {  	[tilespmem:s16], [sflag:$0x1] =	stream.linear.gather [hbm4b:s28+s4], $0x2800, $0x38;
	[tilespmem:$0x18780] =	vst v63  }
0x53: {  	p1 =	sne.s32 s26, $0x26C;
	s26 =	sadd.s32 $0xA, s26;
	s31 =	sadd.s32 s30, s12  }
0x54: {  	[tilespmem:s17], [sflag:$0x2] =	stream.linear.gather [hbm4b:s31+s4], $0x50, $0x38;
	[tilespmem:$0x18780] =	vst v63  }
0x55: {  	s30 =	sadd.s32 s30, s11  }
0x56: {  	[tilespmem:s18], [sflag:$0x3] =	stream.linear.gather [hbm4b:s30+s4], $0x50, $0x38;
	[tilespmem:$0x18780] =	vst v63  }
0x57: {  	v0 =	vld [tilespmem:s29+$0x0];
	_ =	sdelay $0x4  }
0x58: {  	v0 =	vshll.u32 v0, $0x1  }
0x59: {  	[tilespmem:$0x4900] =	vst v0;
	v0 =	vor.u32 $0x1, v0  }
0x5a: {  	[tilespmem:$0x4980] =	vst v0  }
0x5b: {  	v0 =	vld [tilespmem:s29+$0x10];
	_ =	sdelay $0x4  }
0x5c: {  	v0 =	vshll.u32 v0, $0x1  }
0x5d: {  	[tilespmem:$0x4910] =	vst v0;
	v0 =	vor.u32 $0x1, v0  }
0x5e: {  	[tilespmem:$0x4990] =	vst v0  }
0x5f: {  	v0 =	vld [tilespmem:s29+$0x20];
	_ =	sdelay $0x4  }
0x60: {  	v0 =	vshll.u32 v0, $0x1  }
0x61: {  	[tilespmem:$0x4920] =	vst v0;
	v0 =	vor.u32 $0x1, v0  }
0x62: {  	[tilespmem:$0x49A0] =	vst v0  }
0x63: {  	v0 =	vld [tilespmem:s29+$0x30];
	_ =	sdelay $0x4  }
0x64: {  	v0 =	vshll.u32 v0, $0x1  }
0x65: {  	[tilespmem:$0x4930] =	vst v0;
	v0 =	vor.u32 $0x1, v0  }
0x66: {  	[tilespmem:$0x49B0] =	vst v0  }
0x67: {  	v0 =	vld [tilespmem:s29+$0x40];
	_ =	sdelay $0x4  }
0x68: {  	v0 =	vshll.u32 v0, $0x1  }
0x69: {  	[tilespmem:$0x4940] =	vst v0;
	v0 =	vor.u32 $0x1, v0  }
0x6a: {  	[tilespmem:$0x49C0] =	vst v0  }
0x6b: {  	_ =	swait.ge [sflag:s19], $0x2800  }
0x6c: {  	[sflag:s19] =	ssyncset.done $0x0  }
0x6d: {  	[sflag:s19] =	ssyncadd.s32 $0xFFFFD800  }
0x6e: {  	_ =	swait.ge [sflag:s20], $0x50  }
0x6f: {  	[sflag:s20] =	ssyncset.done $0x0  }
0x70: {  	[sflag:s20] =	ssyncadd.s32 $0xFFFFFFB0  }
0x71: {  	_ =	swait.ge [sflag:s21], $0x50  }
0x72: {  	[sflag:s21] =	ssyncset.done $0x0  }
0x73: {  	[sflag:s21] =	ssyncadd.s32 $0xFFFFFFB0  }
0x74: {  	[spmem:s1] =	stream.indirect.scatter.add.f32 [tilespmem:s16], [sflag:$0x4], $0x80, s29, s22, $0xb8;
	[tilespmem:$0x18780] =	vst v63  }
0x75: {  	_ =	swait.ge [sflag:s15], $0x2800  }
0x76: {  	[sflag:s15] =	ssyncset.done $0x0  }
0x77: {  	[sflag:s15] =	ssyncadd.s32 $0xFFFFD800  }
0x78: {  	[spmem:s3] =	stream.indirect.scatter.add.f32 [tilespmem:s17], [sflag:$0x4], $0x1, s23, s22, $0xb8;
	[tilespmem:$0x18780] =	vst v63  }
0x79: {  	_ =	swait.ge [sflag:s15], $0x50  }
.Ltmp0:
0x7a: {  	[sflag:s15] =	ssyncset.done $0x0;
	(pc) =	sbr.rel @p1 .LBB2_2-.Ltmp0, $4  }
0x7b: {  	[sflag:s15] =	ssyncadd.s32 $0xFFFFFFB0  }
0x7c: {  	[spmem:s3] =	stream.indirect.scatter.add.f32 [tilespmem:s18], [sflag:$0x4], $0x1, s24, s22, $0xb8;
	[tilespmem:$0x18780] =	vst v63  }
0x7d: {  	_ =	swait.ge [sflag:s15], $0x50  }
0x7e: {  	[sflag:s15] =	ssyncset.done $0x0  }
0x7f: {  	[sflag:s15] =	ssyncadd.s32 $0xFFFFFFB0  }
0x80: {  	s26 =	simm.s32 @!p0 $0x1C04;
	s28 =	simm.s32 @!p0 $0x4;
	[bflag:$0x0] =	sbarrier.arrive $0xFFFF  }
0x81: {  	[hbm:s7], [sflag:s26] =	dma.local @!p0 [spmem:s13], $0x27100  }
0x82: {  	s25 =	sadd.s32 $0x1, s25;
	_ =	swait.ge @!p0 [sflag:s28], $0x27100  }
0x83: {  	p1 =	sne.s32 s25, s9;
	[sflag:s28] =	ssyncset.done @!p0 $0x0  }
.Ltmp1:
0x84: {  	[sflag:s28] =	ssyncadd.s32 @!p0 $0xFFFD8F00;
	(pc) =	sbr.rel @p1 .LBB2_1-.Ltmp1, $4  }
0x85: {  	[hbm:s8], [sflag:s26] =	dma.local @!p0 [spmem:s14], $0xA00  }
0x86: {  	_ =	swait.ge @!p0 [sflag:s28], $0xA00  }
0x87: {  	[sflag:s28] =	ssyncset.done @!p0 $0x0  }
0x88: {  	[sflag:s28] =	ssyncadd.s32 @!p0 $0xFFFFF600  }
0x89: {  	_ =	sfence.sel $0x180000  }
0x8a: {  	[bflag:$0x0] =	sbarrier.arrive $0xFFFF  }
0x8b: {  	_ =	strace $0x90000050  }
0x8c: {  	s0 =	sadd.s32 @!p0 $0x100000, s2;
	[bflag:$0x2] =	sbarrier.arrive $0xFFFF  }
0x8d: {  	[sflag:s0] =	ssyncadd.tile.s32 @!p0 $0x1;
	_ =	shalt  }
.Lfunc_end2:
_tile_overlayer_lowered:
.L_overlay_start_2:
0x8e: {  	(tag) =	ssettag $0x2  }
0x8f: {  	s0 =	rddreg [dreg:$0x0];
	s2 =	stileid.u32  }
0x90: {  	s1 =	rddreg [dreg:$0x1];
	p0 =	sne.s32 s2, $0x0  }
0x91: {  	s3 =	rddreg [dreg:$0x2];
	[bflag:$0x3] =	sbarrier.arrive $0xFFFF;
	s2 =	simm.s32 @!p0 $0x1C04  }
0x92: {  	[timem:s3], [sflag:s2] =	dma.local @!p0 [hbm:s0], s1  }
0x93: {  	s0 =	simm.s32 @!p0 $0x4  }
0x94: {  	_ =	swait.ge @!p0 [sflag:s0], s1  }
0x95: {  	s1 =	ssub.s32 @!p0 $0x0, s1;
	[sflag:s0] =	ssyncset.done @!p0 $0x0  }
0x96: {  	[sflag:s0] =	ssyncadd.s32 @!p0 s1  }
0x97: {  	[bflag:$0x3] =	sbarrier.arrive $0xFFFF  }
0x98: {  	_ =	shalt  }

// kernel: kernel.19.cloned.1.call-start
scs
__scs_entry_jumppad:
0x0: {  	(pc) =	sbr.rel $0x88, $3  }
0x1: {  	(tag) =	ssettag $0x0;
	lr =	simm.s32 $0x1  }
0x2: {  	[smem:$0x3F7B] =	sst lr;
	_ =	strace $0xD0000000  }
0x3: {  	_ = 	snop  }
0x4: {  	_ = 	snop  }
0x5: {  	_ = 	snop  }
0x6: {  	_ = 	snop  }
0x7: {  	_ = 	snop  }
__scs_overlays_trampoline_lowered:
0x8: {  	[smem:$0x3F8A] =	sst s0  }
0x9: {  	[smem:$0x3F8B] =	sst s1  }
0xa: {  	[smem:$0x3F8C] =	sst s2  }
0xb: {  	[smem:$0x3F8D] =	sst s3  }
0xc: {  	[smem:$0x3F8E] =	sst s4  }
0xd: {  	[smem:$0x3F8F] =	sst s5  }
0xe: {  	[smem:$0x3F90] =	sst s6  }
0xf: {  	[smem:$0x3F91] =	sst s7  }
0x10: {  	[smem:$0x3F92] =	sst s8  }
0x11: {  	[smem:$0x3F93] =	sst s9;
	s0 =	simm.s32 @!p0 $0x0  }
0x12: {  	s1 =	sld [smem:$0x3F79];
	s0 =	simm.s32 @p0 $0x1  }
0x13: {  	[smem:$0x3F94] =	sst s0;
	s0 =	simm.s32 @!p1 $0x0  }
0x14: {  	s2 =	sld [smem:$0x3F78];
	s0 =	simm.s32 @p1 $0x1  }
0x15: {  	[smem:$0x3F95] =	sst s0;
	s0 =	simm.s32 @!p2 $0x0  }
0x16: {  	s3 =	sld [smem:$0x3FDB];
	s0 =	simm.s32 @p2 $0x1  }
0x17: {  	s4 =	simm.s32 $0x1BF5;
	[smem:$0x3F97] =	sst s0  }
0x18: {  	s0 =	sld [smem:$0x3F7A];
	_ =	swait.ge [sflag:s4], $0x0  }
0x19: {  	s7 =	sld [smem:$0x3F7B]  }
0x1a: {  	s8 =	sadd.s32 $0xFFFFE003, lr  }
0x1b: {  	s9 =	sadd.s32 $0xFFFFFEF7, lr;
	s5 =	simm.s32 $0xFFFFFFFF;
	p2 =	slt.u32 s8, $0xFFFFF086  }
0x1c: {  	p1 =	slt.u32 s9, $0xF7A;
	s5 =	simm.s32 @!p2 $0x0  }
0x1d: {  	s5 =	simm.s32 @p1 $0x1;
	p0 =	seq.s32 s7, s2  }
0x1e: {  	s7 =	smul.u32 @!p0 $0xF7A, s2;
	p2 =	seq.s32 @!p0 s5, $0x0  }
0x1f: {  	s9 =	smul.u32 $0xF7A, s1;
	s8 =	simm.s32 @!p0 $0x1BF5;
	p2 =	por !p2, p0  }
0x20: {  	[sflag:s8] =	ssyncset.s32 @!p0 $0xFFFFF086;
	s6 =	sadd.s32 @!p0 s3, s7;
	s7 =	simm.s32 @!p0 $0x108  }
0x21: {  	s3 =	sadd.s32 s3, s9;
	s6 =	sadd.s32 @!p0 $0x88, s6;
	s7 =	simm.s32 @p2 $0x1082  }
0x22: {  	[simem:s7], [sflag:s8] =	dma.local @!p0 [hbm:s6], $0xF7A  }
0x23: {  	s9 =	sor.u32 $0xD0000000, s2;
	s6 =	simm.s32 $0x108;
	_ =	swait.ge @!p0 [sflag:s8], $0x0  }
0x24: {  	s3 =	sadd.s32 $0x88, s3;
	s6 =	simm.s32 @!p1 $0x1082;
	[sflag:s4] =	ssyncset.s32 $0xFFFFF086  }
0x25: {  	[simem:s6], [sflag:s4] =	dma.local [hbm:s3], $0xF7A  }
0x26: {  	[smem:$0x3F7B] =	sst s1;
	(tag) =	ssettag s2;
	_ =	strace s9  }
0x27: {  	s1 =	sld [smem:$0x3F8B]  }
0x28: {  	s2 =	sld [smem:$0x3F8C]  }
0x29: {  	s4 =	sld [smem:$0x3F8E]  }
0x2a: {  	p0 =	seq.s32 s5, $0x0;
	s5 =	sld [smem:$0x3F8F]  }
0x2b: {  	s6 =	sld [smem:$0x3F90]  }
0x2c: {  	s7 =	sld [smem:$0x3F91]  }
0x2d: {  	s3 =	simm.s32 $0x108;
	s8 =	sld [smem:$0x3F92]  }
0x2e: {  	s3 =	simm.s32 @!p0 $0x1082;
	s9 =	sld [smem:$0x3F93]  }
0x2f: {  	lr =	sadd.s32 s0, s3;
	s0 =	sld [smem:$0x3F8A]  }
0x30: {  	s3 =	sld [smem:$0x3F8D]  }
0x31: {  	[smem:$0x3F96] =	sst s10  }
0x32: {  	s10 =	sld [smem:$0x3F94];
	_ =	sdelay $0x3  }
0x33: {  	p0 =	seq.s32 s10, $0x1;
	s10 =	sld [smem:$0x3F96];
	_ =	sdelay $0x3  }
0x34: {  	[smem:$0x3F96] =	sst s10  }
0x35: {  	s10 =	sld [smem:$0x3F95];
	_ =	sdelay $0x3  }
0x36: {  	p1 =	seq.s32 s10, $0x1;
	s10 =	sld [smem:$0x3F96];
	_ =	sdelay $0x3  }
0x37: {  	[smem:$0x3F96] =	sst s10  }
0x38: {  	s10 =	sld [smem:$0x3F97]  }
0x39: {  	_ = 	snop;
	(pc) =	sbr.ind lr, $3  }
0x3a: {  	_ = 	snop  }
0x3b: {  	_ = 	snop  }
0x3c: {  	p2 =	seq.s32 s10, $0x1;
	s10 =	sld [smem:$0x3F96]  }
0x3d: {  	_ =	shalt  }
0x3e: {  	_ =	shalt  }
0x3f: {  	_ =	shalt  }
0x40: {  	_ =	shalt  }
0x41: {  	_ =	shalt  }
0x42: {  	_ =	shalt  }
0x43: {  	_ =	shalt  }
0x44: {  	_ =	shalt  }
0x45: {  	_ =	shalt  }
0x46: {  	_ =	shalt  }
0x47: {  	_ =	shalt  }
0x48: {  	_ =	shalt  }
0x49: {  	_ =	shalt  }
0x4a: {  	_ =	shalt  }
0x4b: {  	_ =	shalt  }
0x4c: {  	_ =	shalt  }
0x4d: {  	_ =	shalt  }
0x4e: {  	_ =	shalt  }
0x4f: {  	_ =	shalt  }
0x50: {  	_ =	shalt  }
0x51: {  	_ =	shalt  }
0x52: {  	_ =	shalt  }
0x53: {  	_ =	shalt  }
0x54: {  	_ =	shalt  }
0x55: {  	_ =	shalt  }
0x56: {  	_ =	shalt  }
0x57: {  	_ =	shalt  }
0x58: {  	_ =	shalt  }
0x59: {  	_ =	shalt  }
0x5a: {  	_ =	shalt  }
0x5b: {  	_ =	shalt  }
0x5c: {  	_ =	shalt  }
0x5d: {  	_ =	shalt  }
0x5e: {  	_ =	shalt  }
0x5f: {  	_ =	shalt  }
0x60: {  	_ =	shalt  }
0x61: {  	_ =	shalt  }
0x62: {  	_ =	shalt  }
0x63: {  	_ =	shalt  }
0x64: {  	_ =	shalt  }
0x65: {  	_ =	shalt  }
0x66: {  	_ =	shalt  }
0x67: {  	_ =	shalt  }
0x68: {  	_ =	shalt  }
0x69: {  	_ =	shalt  }
0x6a: {  	_ =	shalt  }
0x6b: {  	_ =	shalt  }
0x6c: {  	_ =	shalt  }
0x6d: {  	_ =	shalt  }
0x6e: {  	_ =	shalt  }
0x6f: {  	_ =	shalt  }
0x70: {  	_ =	shalt  }
0x71: {  	_ =	shalt  }
0x72: {  	_ =	shalt  }
0x73: {  	_ =	shalt  }
0x74: {  	_ =	shalt  }
0x75: {  	_ =	shalt  }
0x76: {  	_ =	shalt  }
0x77: {  	_ =	shalt  }
0x78: {  	_ =	shalt  }
0x79: {  	_ =	shalt  }
0x7a: {  	_ =	shalt  }
0x7b: {  	_ =	shalt  }
0x7c: {  	_ =	shalt  }
0x7d: {  	_ =	shalt  }
0x7e: {  	_ =	shalt  }
0x7f: {  	_ =	shalt  }
0x80: {  	_ =	shalt  }
0x81: {  	_ =	shalt  }
0x82: {  	_ =	shalt  }
0x83: {  	_ =	shalt  }
0x84: {  	_ =	shalt  }
0x85: {  	_ =	shalt  }
0x86: {  	_ =	shalt  }
0x87: {  	_ =	shalt  }
.Lfunc_end0:
.L_simem_size_0:
called_computation.3_lowered:
.L_overlay_start_0:
0x88: {  	s2 =	sld [smem:$0x3FD9]  }
0x89: {  	s3 =	sld [smem:$0x3FFE];
	_ =	sdelay $0x1  }
0x8a: {  	s1 =	srdreg.scid  }
0x8b: {  	s0 =	sand.u32 $0x1, s1  }
0x8c: {  	s17 =	sshll.u32 s0, $0xA;
	s2 =	sadd.s32 s3, s2  }
0x8d: {  	s2 =	sadd.s32 s2, s17  }
0x8e: {  	[smem:$0x3FA2] =	sst s2  }
0x8f: {  	_ = 	snop  }
0x90: {  	s18 =	sld [smem:$0x3FD0];
	(tm) =	ssettm $0x1  }
0x91: {  	s19 =	sld [smem:$0x3FFB];
	_ =	sdelay $0x3  }
0x92: {  	_ =	strace s19  }
0x93: {  	s2 =	sld [smem:$0x3FFC];
	_ =	sdelay $0x3  }
0x94: {  	_ =	strace s2  }
0x95: {  	s2 =	sld [smem:$0x3FFD];
	_ =	sdelay $0x3  }
0x96: {  	_ =	strace s2  }
0x97: {  	_ =	strace $0x8FFFFFFF  }
0x98: {  	s20 =	sld [smem:$0x3FDB];
	_ =	sdelay $0x1  }
0x99: {  	s4 =	simm.s32 $_scs_section_size  }
0x9a: {  	s5 =	simm.s32 $_size__tile_overlayer_lowered;
	s6 =	simm.s32 $_tile_overlayer_lowered  }
0x9b: {  	s7 =	simm.s32 $0x1BFF;
	s21 =	sshll.u32 s6, $0x1;
	s4 =	sadd.s32 s4, s20  }
0x9c: {  	s22 =	simm.s32 $0x0;
	s5 =	sshll.u32 s5, $0x1;
	s6 =	sadd.s32 s21, s4  }
0x9d: {  	[timem:s22], [sflag:s7] =	dma.local [hbm:s6], s5  }
0x9e: {  	_ =	swait.ge [sflag:s7], s5  }
0x9f: {  	s5 =	ssub.s32 $0x0, s5;
	[sflag:s7] =	ssyncset.done $0x0  }
0xa0: {  	[sflag:s7] =	ssyncadd.s32 s5;
	_ =	sdelay $0x1  }
0xa1: {  	s23 =	simm.s32 $0x1B8B  }
0xa2: {  	_ =	swait.ge [sflag:s23], $0x1  }
0xa3: {  	[sflag:s23] =	ssyncset.done $0x0  }
0xa4: {  	[sflag:s23] =	ssyncadd.s32 $0xFFFFFFFF  }
0xa5: {  	s5 =	sld [smem:$0x0]  }
0xa6: {  	s6 =	sand.u32 $0xFFFFFFFE, s1  }
0xa7: {  	p0 =	sne.s32 s1, s6  }
0xa8: {  	s6 =	sshll.u32 @p0 s6, $0xE  }
0xa9: {  	s6 =	sadd.s32 @p0 $0x11B8D, s6;
	s7 =	sshll.u32 @p0 s5, $0x11  }
0xaa: {  	s6 =	sor.u32 @p0 s7, s6  }
0xab: {  	[sflag:s6] =	ssyncadd.remote.s32 @p0 $0x1;
	_ =	sdelay $0x1  }
0xac: {  	s6 =	simm.s32 @p0 $0x1B8D  }
0xad: {  	_ =	swait.eq @p0 [sflag:s6], $0x1  }
0xae: {  	[sflag:s6] =	ssyncadd.s32 @p0 $0xFFFFFFFF  }
0xaf: {  	s7 =	sshll.u32 @!p0 s1, $0xE  }
0xb0: {  	s7 =	sor.u32 @!p0 $0x4000, s7;
	s6 =	simm.s32 @!p0 $0x1B8D  }
0xb1: {  	s5 =	sshll.u32 @!p0 s5, $0x11;
	s7 =	sadd.s32 @!p0 $0x11B8D, s7;
	_ =	swait.eq @!p0 [sflag:s6], $0x1  }
0xb2: {  	s5 =	sor.u32 @!p0 s5, s7;
	[sflag:s6] =	ssyncadd.s32 @!p0 $0xFFFFFFFF  }
0xb3: {  	s25 =	simm.s32 $0x1B8E;
	s24 =	sld [smem:$0x3FFE];
	[sflag:s5] =	ssyncadd.remote.s32 @!p0 $0x1  }
0xb4: {  	s26 =	simm.s32 $execute0_lowered;
	[smem:$0x3FD2] =	sst s25  }
0xb5: {  	s6 =	sshll.u32 s26, $0x1;
	_ =	strace $0x8000004C;
	[dreg:$0x1] =	wrdreg $0xFFFFFFFF  }
0xb6: {  	s28 =	simm.s32 $_size_execute0_lowered;
	s4 =	sadd.s32 s4, s6;
	[dreg:$0x0] =	wrdreg $0x0  }
0xb7: {  	s6 =	sshll.u32 s28, $0x1;
	[dreg:$0x2] =	wrdreg s4  }
0xb8: {  	[dreg:$0x3] =	wrdreg s6  }
0xb9: {  	[dreg:$0x4] =	wrdreg $0xC0  }
0xba: {  	_ =	task [dreg:s22], $0x5FFFF  }
0xbb: {  	[dreg:$0x1] =	wrdreg $0xFFFFFFFF  }
0xbc: {  	[dreg:$0x0] =	wrdreg $0x60  }
0xbd: {  	[dreg:$0x2] =	wrdreg s24  }
0xbe: {  	[dreg:$0x3] =	wrdreg s18  }
0xbf: {  	[dreg:$0x4] =	wrdreg $0x4A000  }
0xc0: {  	[dreg:$0x5] =	wrdreg $0x182800  }
0xc1: {  	[dreg:$0x6] =	wrdreg $0xA  }
0xc2: {  	_ =	task.clear_ibuf [dreg:s22], $0x7FFFF;
	_ =	strace $0x9000004C  }
0xc3: {  	s29 =	simm.s32 $0xA;
	_ =	strace $0x8000004E  }
0xc4: {  	_ =	swait.ge [sflag:s29], $0x1  }
0xc5: {  	[sflag:s29] =	ssyncadd.s32 $0xFFFFFFFF  }
0xc6: {  	_ =	strace $0x9000004E  }
0xc7: {  	_ =	sfence  }
0xc8: {  	s30 =	sld [smem:$0x0];
	_ =	sdelay $0x2  }
0xc9: {  	s31 =	sshll.u32 s1, $0xD;
	s1 =	sshrl.u32 s1, $0x2  }
0xca: {  	s4 =	sand.u32 $0x4000, s31;
	s1 =	sadd.s32 s1, s30  }
0xcb: {  	s0 =	sor.u32 s4, s0;
	s1 =	sshll.u32 s1, $0x11  }
0xcc: {  	s0 =	sor.u32 s1, s0  }
0xcd: {  	s0 =	sadd.s32 $0x8F2B, s0  }
0xce: {  	[sflag:s0] =	ssyncadd.remote.s32 $0x1  }
0xcf: {  	_ =	sfence.sel $0xFFFF  }
0xd0: {  	[dreg:$0x0] =	wrdreg $0xFFFFFFFF;
	(pc) =	sbr.abs _section_cstart, $3  }
0xd1: {  	[dreg:$0x1] =	wrdreg $0xFFFFFFFF  }
0xd2: {  	_ =	task.clear_ibuf [dreg:s22], $0x2FFFF;
	_ =	strace $0x9FFFFFFF  }
0xd3: {  	(tm) =	ssettm $0x7FFFFFFF  }
tec
execute0_lowered:
.L_overlay_start_1:
0x0: {  	(tag) =	ssettag $0x1  }
0x1: {  	s6 =	rddreg [dreg:$0x0]  }
0x2: {  	s0 =	rddreg [dreg:$0x1]  }
0x3: {  	s1 =	rddreg [dreg:$0x2]  }
0x4: {  	s2 =	srdreg.scid;
	s3 =	rddreg [dreg:$0x3]  }
0x5: {  	s11 =	stileid.u32;
	s4 =	simm.s32 $0x0;
	s16 =	simm.s32 $0x2000  }
0x6: {  	s17 =	simm.s32 $0x4800;
	s18 =	simm.s32 $0x4880;
	s19 =	simm.s32 $0x1  }
0x7: {  	s20 =	simm.s32 $0x2;
	s21 =	simm.s32 $0x3;
	s22 =	simm.s32 $0x50  }
0x8: {  	s23 =	simm.s32 $0x4900;
	s24 =	simm.s32 $0x4980;
	s8 =	smul.u32 $0x1360, s11  }
0x9: {  	s7 =	sand.u32 $0x1, s2;
	s2 =	rddreg [dreg:$0x4];
	s15 =	smul.u32 $0x13600, s11  }
0xa: {  	s25 =	simm.s32 $0x0;
	[smem:$0x7FF] =	sst s4;
	s5 =	smul.u32 $0x13600, s7  }
0xb: {  	s9 =	sshll.u32 s11, $0xA;
	p0 =	sne.s32 s11, $0x0;
	s26 =	smul.u32 $0x136000, s7  }
0xc: {  	s10 =	sshll.u32 s7, $0xE;
	_ =	strace $0x8000004D;
	s30 =	smul.u32 $0x27100, s7  }
0xd: {  	s13 =	smul.u32 $0xA00, s7;
	s7 =	ssub.s32 $0x2, s7;
	s9 =	sor.u32 s9, s10  }
0xe: {  	s14 =	sshrl.u32 s7, $0x1;
	s5 =	sadd.s32 s8, s5;
	s28 =	sadd.s32 s9, s6  }
0xf: {  	s29 =	sadd.s32 s26, s6;
	s10 =	sadd.s32 s30, s6;
	s13 =	sadd.s32 s13, s6  }
0x10: {  	s14 =	ssub.s32 s7, s14;
	s5 =	sshrl.u32 s5, $0x3;
	s7 =	sadd.s32 $0xE2600, s10  }
0x11: {  	s8 =	sadd.s32 $0x17800, s13;
	s31 =	sadd.s32 s15, s29;
	s9 =	smax.u32 s14, $0x1  }
0x12: {  	s13 =	sshrl.u32 @!p0 s1, $0x3;
	s14 =	sshrl.u32 @!p0 s3, $0x3;
	s15 =	simm.s32 $0x4  }
0x13: {  	s12 =	sadd.s32 s5, s6;
	s5 =	sadd.s32 $0x16E00, s6;
	s6 =	sadd.s32 $0xA000, s28  }
0x14: {  	s10 =	sadd.s32 $0x1E39800, s31;
	s11 =	sadd.s32 $0xDD800, s12;
	s12 =	sadd.s32 $0x12000, s12  }
.LBB2_1:
0x15: {  	s26 =	simm.s32 @!p0 $0x1C04;
	s28 =	simm.s32 @!p0 $0x4  }
0x16: {  	[spmem:s13], [sflag:s26] =	dma.local @!p0 [hbm:s0], $0x27100  }
0x17: {  	_ =	swait.ge @!p0 [sflag:s28], $0x27100  }
0x18: {  	[sflag:s28] =	ssyncset.done @!p0 $0x0  }
0x19: {  	[sflag:s28] =	ssyncadd.s32 @!p0 $0xFFFD8F00  }
0x1a: {  	[spmem:s14], [sflag:s26] =	dma.local @!p0 [hbm:s5], $0xA00  }
0x1b: {  	_ =	swait.ge @!p0 [sflag:s28], $0xA00  }
0x1c: {  	[sflag:s28] =	ssyncset.done @!p0 $0x0  }
0x1d: {  	[sflag:s28] =	ssyncadd.s32 @!p0 $0xFFFFF600  }
0x1e: {  	[bflag:$0x0] =	sbarrier.arrive $0xFFFF  }
0x1f: {  	[tilespmem:s4], [sflag:$0x4] =	stream.linear.gather [hbm4b:s6+s4], $0x1F00, $0x38;
	[tilespmem:$0x18780] =	vst v63  }
0x20: {  	_ =	swait.ge [sflag:s15], $0x1F00  }
0x21: {  	[sflag:s15] =	ssyncset.done $0x0  }
0x22: {  	[sflag:s15] =	ssyncadd.s32 $0xFFFFE100  }
0x23: {  	[tilespmem:s16], [sflag:$0x1] =	stream.linear.gather [hbm4b:s10+s4], $0x2800, $0x38;
	[tilespmem:$0x18780] =	vst v63  }
0x24: {  	s30 =	sadd.s32 $0x0, s12  }
0x25: {  	[tilespmem:s17], [sflag:$0x2] =	stream.linear.gather [hbm4b:s30+s4], $0x50, $0x38;
	[tilespmem:$0x18780] =	vst v63  }
0x26: {  	s31 =	sadd.s32 $0x0, s11  }
0x27: {  	[tilespmem:s18], [sflag:$0x3] =	stream.linear.gather [hbm4b:s31+s4], $0x50, $0x38;
	[tilespmem:$0x18780] =	vst v63  }
0x28: {  	v0 =	vld [tilespmem:s4+$0x0];
	_ =	sdelay $0x4  }
0x29: {  	v0 =	vshll.u32 v0, $0x1  }
0x2a: {  	[tilespmem:$0x4900] =	vst v0;
	v0 =	vor.u32 $0x1, v0  }
0x2b: {  	[tilespmem:$0x4980] =	vst v0  }
0x2c: {  	v0 =	vld [tilespmem:s4+$0x10];
	_ =	sdelay $0x4  }
0x2d: {  	v0 =	vshll.u32 v0, $0x1  }
0x2e: {  	[tilespmem:$0x4910] =	vst v0;
	v0 =	vor.u32 $0x1, v0  }
0x2f: {  	[tilespmem:$0x4990] =	vst v0  }
0x30: {  	v0 =	vld [tilespmem:s4+$0x20];
	_ =	sdelay $0x4  }
0x31: {  	v0 =	vshll.u32 v0, $0x1  }
0x32: {  	[tilespmem:$0x4920] =	vst v0;
	v0 =	vor.u32 $0x1, v0  }
0x33: {  	[tilespmem:$0x49A0] =	vst v0  }
0x34: {  	v0 =	vld [tilespmem:s4+$0x30];
	_ =	sdelay $0x4  }
0x35: {  	v0 =	vshll.u32 v0, $0x1  }
0x36: {  	[tilespmem:$0x4930] =	vst v0;
	v0 =	vor.u32 $0x1, v0  }
0x37: {  	[tilespmem:$0x49B0] =	vst v0  }
0x38: {  	v0 =	vld [tilespmem:s4+$0x40];
	_ =	sdelay $0x4  }
0x39: {  	v0 =	vshll.u32 v0, $0x1  }
0x3a: {  	[tilespmem:$0x4940] =	vst v0;
	v0 =	vor.u32 $0x1, v0  }
0x3b: {  	[tilespmem:$0x49C0] =	vst v0  }
0x3c: {  	_ =	swait.ge [sflag:s19], $0x2800  }
0x3d: {  	[sflag:s19] =	ssyncset.done $0x0  }
0x3e: {  	[sflag:s19] =	ssyncadd.s32 $0xFFFFD800  }
0x3f: {  	_ =	swait.ge [sflag:s20], $0x50  }
0x40: {  	[sflag:s20] =	ssyncset.done $0x0  }
0x41: {  	[sflag:s20] =	ssyncadd.s32 $0xFFFFFFB0  }
0x42: {  	_ =	swait.ge [sflag:s21], $0x50  }
0x43: {  	[sflag:s21] =	ssyncset.done $0x0  }
0x44: {  	[sflag:s21] =	ssyncadd.s32 $0xFFFFFFB0  }
0x45: {  	[spmem:s1] =	stream.indirect.scatter.add.f32 [tilespmem:s16], [sflag:$0x4], $0x80, s4, s22, $0xb8;
	[tilespmem:$0x18780] =	vst v63  }
0x46: {  	_ =	swait.ge [sflag:s15], $0x2800  }
0x47: {  	[sflag:s15] =	ssyncset.done $0x0  }
0x48: {  	[sflag:s15] =	ssyncadd.s32 $0xFFFFD800  }
0x49: {  	[spmem:s3] =	stream.indirect.scatter.add.f32 [tilespmem:s17], [sflag:$0x4], $0x1, s23, s22, $0xb8;
	[tilespmem:$0x18780] =	vst v63  }
0x4a: {  	_ =	swait.ge [sflag:s15], $0x50  }
0x4b: {  	[sflag:s15] =	ssyncset.done $0x0  }
0x4c: {  	[sflag:s15] =	ssyncadd.s32 $0xFFFFFFB0  }
0x4d: {  	[spmem:s3] =	stream.indirect.scatter.add.f32 [tilespmem:s18], [sflag:$0x4], $0x1, s24, s22, $0xb8;
	[tilespmem:$0x18780] =	vst v63  }
0x4e: {  	s29 =	simm.s32 $0x0;
	_ =	swait.ge [sflag:s15], $0x50  }
0x4f: {  	s26 =	simm.s32 $0xA;
	s28 =	smov.u32 s10;
	[sflag:s15] =	ssyncset.done $0x0  }
.LBB2_2:
0x50: {  	[sflag:s15] =	ssyncadd.s32 $0xFFFFFFB0  }
0x51: {  	s28 =	sadd.s32 $0x500, s28;
	s29 =	sadd.s32 $0x80, s29;
	s30 =	smov.u32 s26  }
0x52: {  	[tilespmem:s16], [sflag:$0x1] =	stream.linear.gather [hbm4b:s28+s4], $0x2800, $0x38;
	[tilespmem:$0x18780] =	vst v63  }
0x53: {  	p1 =	sne.s32 s26, $0x262;
	s26 =	sadd.s32 $0xA, s26;
	s31 =	sadd.s32 s30, s12  }
0x54: {  	[tilespmem:s17], [sflag:$0x2] =	stream.linear.gather [hbm4b:s31+s4], $0x50, $0x38;
	[tilespmem:$0x18780] =	vst v63  }
0x55: {  	s30 =	sadd.s32 s30, s11  }
0x56: {  	[tilespmem:s18], [sflag:$0x3] =	stream.linear.gather [hbm4b:s30+s4], $0x50, $0x38;
	[tilespmem:$0x18780] =	vst v63  }
0x57: {  	v0 =	vld [tilespmem:s29+$0x0];
	_ =	sdelay $0x4  }
0x58: {  	v0 =	vshll.u32 v0, $0x1  }
0x59: {  	[tilespmem:$0x4900] =	vst v0;
	v0 =	vor.u32 $0x1, v0  }
0x5a: {  	[tilespmem:$0x4980] =	vst v0  }
0x5b: {  	v0 =	vld [tilespmem:s29+$0x10];
	_ =	sdelay $0x4  }
0x5c: {  	v0 =	vshll.u32 v0, $0x1  }
0x5d: {  	[tilespmem:$0x4910] =	vst v0;
	v0 =	vor.u32 $0x1, v0  }
0x5e: {  	[tilespmem:$0x4990] =	vst v0  }
0x5f: {  	v0 =	vld [tilespmem:s29+$0x20];
	_ =	sdelay $0x4  }
0x60: {  	v0 =	vshll.u32 v0, $0x1  }
0x61: {  	[tilespmem:$0x4920] =	vst v0;
	v0 =	vor.u32 $0x1, v0  }
0x62: {  	[tilespmem:$0x49A0] =	vst v0  }
0x63: {  	v0 =	vld [tilespmem:s29+$0x30];
	_ =	sdelay $0x4  }
0x64: {  	v0 =	vshll.u32 v0, $0x1  }
0x65: {  	[tilespmem:$0x4930] =	vst v0;
	v0 =	vor.u32 $0x1, v0  }
0x66: {  	[tilespmem:$0x49B0] =	vst v0  }
0x67: {  	v0 =	vld [tilespmem:s29+$0x40];
	_ =	sdelay $0x4  }
0x68: {  	v0 =	vshll.u32 v0, $0x1  }
0x69: {  	[tilespmem:$0x4940] =	vst v0;
	v0 =	vor.u32 $0x1, v0  }
0x6a: {  	[tilespmem:$0x49C0] =	vst v0  }
0x6b: {  	_ =	swait.ge [sflag:s19], $0x2800  }
0x6c: {  	[sflag:s19] =	ssyncset.done $0x0  }
0x6d: {  	[sflag:s19] =	ssyncadd.s32 $0xFFFFD800  }
0x6e: {  	_ =	swait.ge [sflag:s20], $0x50  }
0x6f: {  	[sflag:s20] =	ssyncset.done $0x0  }
0x70: {  	[sflag:s20] =	ssyncadd.s32 $0xFFFFFFB0  }
0x71: {  	_ =	swait.ge [sflag:s21], $0x50  }
0x72: {  	[sflag:s21] =	ssyncset.done $0x0  }
0x73: {  	[sflag:s21] =	ssyncadd.s32 $0xFFFFFFB0  }
0x74: {  	[spmem:s1] =	stream.indirect.scatter.add.f32 [tilespmem:s16], [sflag:$0x4], $0x80, s29, s22, $0xb8;
	[tilespmem:$0x18780] =	vst v63  }
0x75: {  	_ =	swait.ge [sflag:s15], $0x2800  }
0x76: {  	[sflag:s15] =	ssyncset.done $0x0  }
0x77: {  	[sflag:s15] =	ssyncadd.s32 $0xFFFFD800  }
0x78: {  	[spmem:s3] =	stream.indirect.scatter.add.f32 [tilespmem:s17], [sflag:$0x4], $0x1, s23, s22, $0xb8;
	[tilespmem:$0x18780] =	vst v63  }
0x79: {  	_ =	swait.ge [sflag:s15], $0x50  }
.Ltmp0:
0x7a: {  	[sflag:s15] =	ssyncset.done $0x0;
	(pc) =	sbr.rel @p1 .LBB2_2-.Ltmp0, $4  }
0x7b: {  	[sflag:s15] =	ssyncadd.s32 $0xFFFFFFB0  }
0x7c: {  	[spmem:s3] =	stream.indirect.scatter.add.f32 [tilespmem:s18], [sflag:$0x4], $0x1, s24, s22, $0xb8;
	[tilespmem:$0x18780] =	vst v63  }
0x7d: {  	_ =	swait.ge [sflag:s15], $0x50  }
0x7e: {  	[sflag:s15] =	ssyncset.done $0x0  }
0x7f: {  	[sflag:s15] =	ssyncadd.s32 $0xFFFFFFB0  }
0x80: {  	s26 =	simm.s32 @!p0 $0x1C04;
	s28 =	simm.s32 @!p0 $0x4;
	[bflag:$0x0] =	sbarrier.arrive $0xFFFF  }
0x81: {  	[hbm:s7], [sflag:s26] =	dma.local @!p0 [spmem:s13], $0x27100  }
0x82: {  	s25 =	sadd.s32 $0x1, s25;
	_ =	swait.ge @!p0 [sflag:s28], $0x27100  }
0x83: {  	p1 =	sne.s32 s25, s9;
	[sflag:s28] =	ssyncset.done @!p0 $0x0  }
.Ltmp1:
0x84: {  	[sflag:s28] =	ssyncadd.s32 @!p0 $0xFFFD8F00;
	(pc) =	sbr.rel @p1 .LBB2_1-.Ltmp1, $4  }
0x85: {  	[hbm:s8], [sflag:s26] =	dma.local @!p0 [spmem:s14], $0xA00  }
0x86: {  	_ =	swait.ge @!p0 [sflag:s28], $0xA00  }
0x87: {  	[sflag:s28] =	ssyncset.done @!p0 $0x0  }
0x88: {  	[sflag:s28] =	ssyncadd.s32 @!p0 $0xFFFFF600  }
0x89: {  	_ =	sfence.sel $0x180000  }
0x8a: {  	[bflag:$0x0] =	sbarrier.arrive $0xFFFF  }
0x8b: {  	_ =	strace $0x9000004D  }
0x8c: {  	s0 =	sadd.s32 @!p0 $0x100000, s2;
	[bflag:$0x2] =	sbarrier.arrive $0xFFFF  }
0x8d: {  	[sflag:s0] =	ssyncadd.tile.s32 @!p0 $0x1;
	_ =	shalt  }
.Lfunc_end2:
_tile_overlayer_lowered:
.L_overlay_start_2:
0x8e: {  	(tag) =	ssettag $0x2  }
0x8f: {  	s0 =	rddreg [dreg:$0x0];
	s2 =	stileid.u32  }
0x90: {  	s1 =	rddreg [dreg:$0x1];
	p0 =	sne.s32 s2, $0x0  }
0x91: {  	s3 =	rddreg [dreg:$0x2];
	[bflag:$0x3] =	sbarrier.arrive $0xFFFF;
	s2 =	simm.s32 @!p0 $0x1C04  }
0x92: {  	[timem:s3], [sflag:s2] =	dma.local @!p0 [hbm:s0], s1  }
0x93: {  	s0 =	simm.s32 @!p0 $0x4  }
0x94: {  	_ =	swait.ge @!p0 [sflag:s0], s1  }
0x95: {  	s1 =	ssub.s32 @!p0 $0x0, s1;
	[sflag:s0] =	ssyncset.done @!p0 $0x0  }
0x96: {  	[sflag:s0] =	ssyncadd.s32 @!p0 s1  }
0x97: {  	[bflag:$0x3] =	sbarrier.arrive $0xFFFF  }
0x98: {  	_ =	shalt  }

</sc_bundles>
